<compile_context>
chip_gen: v7x
topology: tpu7x:2x2x1
jax: 0.10.2.dev20260603
libtpu: 0.0.44.dev20260713+nightly
codegen_flags: <defaults>
</compile_context>

<pallas_src>
import functools

import jax
import jax.numpy as jnp
import numpy as np
from jax import lax
from jax.experimental import pallas as pl
from jax.experimental.pallas import tpu as pltpu
from jax.experimental.pallas import tpu_sc as plsc

_KD1 = (1832780943, 270669613)
_KD2A = (3187376881, 129218101)
_KD2B = (2350016172, 1168365246)

_BATCH = 16384
_SEQ = 200
_L = 16
_NUM_WORKERS = 32
_ROWS_PER_WORKER = _BATCH // _NUM_WORKERS
_TC_BLOCK_ROWS = 512
_MULT = np.uint32((65536 % _SEQ) ** 2 % _SEQ)


def _u32(x):
    return np.uint32(x)


def _tf_bits(key, ctr):
    ks0, ks1 = _u32(key[0]), _u32(key[1])
    ks2 = _u32(ks0 ^ ks1 ^ _u32(0x1BD11BDA))
    rot_a = (13, 15, 26, 6)
    rot_b = (17, 29, 16, 24)
    sched = ((ks1, ks2, 1), (ks2, ks0, 2), (ks0, ks1, 3),
             (ks1, ks2, 4), (ks2, ks0, 5))
    x0 = jnp.full(ctr.shape, ks0, dtype=jnp.uint32)
    x1 = ctr + ks1
    for r in range(5):
        for d in (rot_a if r % 2 == 0 else rot_b):
            x0 = x0 + x1
            x1 = ((x1 << _u32(d)) | (x1 >> _u32(32 - d))) ^ x0
        a, b, inc = sched[r]
        x0 = x0 + a
        x1 = x1 + _u32((int(b) + inc) & 0xFFFFFFFF)
    return x0 ^ x1



def _pos_body(pos_hbm, pos_v):
    info = plsc.get_sparse_core_info()
    nc = info.num_cores
    wid = lax.axis_index("s") * nc + lax.axis_index("c")
    iota_i = lax.broadcasted_iota(jnp.int32, (_L,), 0)
    row_base = wid * _ROWS_PER_WORKER

    def pos_loop(k, carry):
        ctr = (jnp.full((_L,), row_base + k * _L, jnp.int32)
               + iota_i).astype(jnp.uint32)
        hb = _tf_bits(_KD2A, ctr) % _u32(_SEQ)
        lb = _tf_bits(_KD2B, ctr) % _u32(_SEQ)
        p = ((hb * _MULT + lb) % _u32(_SEQ)).astype(jnp.int32)
        idx = (k * _L * 128) + iota_i * 128
        plsc.store_scatter(pos_v, [idx], p)
        return carry

    lax.fori_loop(0, _ROWS_PER_WORKER // _L, pos_loop, 0, unroll=4)
    pltpu.sync_copy(pos_v,
                    pos_hbm.at[pl.ds(row_base * 128, _ROWS_PER_WORKER * 128)])


def _sc_positions():
    mesh = plsc.VectorSubcoreMesh(core_axis_name="c", subcore_axis_name="s")
    f = pl.kernel(
        _pos_body,
        out_type=jax.ShapeDtypeStruct((_BATCH * 128,), jnp.int32),
        mesh=mesh,
        scratch_types=[pltpu.VMEM((_ROWS_PER_WORKER * 128,), jnp.int32)],
        compiler_params=pltpu.CompilerParams(needs_layout_passes=False),
    )
    return f()



def _tc_body(thr_ref, tok_ref, pos_ref, out_ref, lab_ref):
    pid = pl.program_id(0)
    row0 = pid * _TC_BLOCK_ROWS

    tok = tok_ref[...]
    rb, seq = tok.shape

    r2 = lax.broadcasted_iota(jnp.int32, (rb, seq), 0)
    c2 = lax.broadcasted_iota(jnp.int32, (rb, seq), 1)
    ctr = ((row0 + r2) * seq + c2).astype(jnp.uint32)
    bits = _tf_bits(_KD1, ctr)
    mant = (bits >> _u32(9)).astype(jnp.int32)

    thr = thr_ref[0]
    tok_ok = (tok - 1).astype(jnp.uint32) < _u32(100000)
    cond = (mant < thr) & tok_ok

    ones = jnp.ones((seq, 1), dtype=jnp.float32)
    rowsum = lax.dot_general(cond.astype(jnp.float32), ones,
                             (((1,), (0,)), ((), ())),
                             preferred_element_type=jnp.float32)
    no_mask = rowsum == 0.
    pos = pos_ref[:, 0:1]
    cond = cond | (no_mask & (c2 == pos))

    neg1 = jnp.full(tok.shape, -1, jnp.int32)
    out_ref[...] = jnp.where(cond, neg1, tok)
    lab_ref[...] = jnp.where(cond, tok, neg1)


def _tc_call(tokens, thr1, pos2d):
    n_rows, seq = tokens.shape
    grid = (n_rows // _TC_BLOCK_ROWS,)
    return pl.pallas_call(
        _tc_body,
        grid=grid,
        in_specs=[
            pl.BlockSpec(memory_space=pltpu.SMEM),
            pl.BlockSpec((_TC_BLOCK_ROWS, seq), lambda i: (i, 0)),
            pl.BlockSpec((_TC_BLOCK_ROWS, 128), lambda i: (i, 0)),
        ],
        out_specs=[
            pl.BlockSpec((_TC_BLOCK_ROWS, seq), lambda i: (i, 0)),
            pl.BlockSpec((_TC_BLOCK_ROWS, seq), lambda i: (i, 0)),
        ],
        out_shape=[
            jax.ShapeDtypeStruct((n_rows, seq), jnp.int32),
            jax.ShapeDtypeStruct((n_rows, seq), jnp.int32),
        ],
    )(thr1, tokens, pos2d)


def kernel(tokens, mask_prob):
    batch, seq = tokens.shape
    t = jnp.ceil(mask_prob * jnp.float32(8388608.0)).astype(jnp.int32)
    posx = _sc_positions().reshape(batch, 128)
    out, lab = _tc_call(tokens, t.reshape((1,)), posx)
    return out, lab

# --- scband reference (transcript-rebuilt; emitter-appended) ---
"""Pipeline reference for scband-mask-generator-80642305950219 (READ-ONLY COPY).

The authoritative reference and input builder live on the scoring server;
editing this copy changes nothing except your own understanding.
"""

import jax, jax.numpy as jnp
import numpy as np

MASK_TOKEN = -1
RANGE_START = 1
RANGE_END = 100000
BATCH = 16384
SEQ_LEN = 200


def setup_inputs(seed: int = 0) -> dict:
    key = jax.random.key(seed)
    k1, k2 = jax.random.split(key)
    tokens = jax.random.randint(k1, (BATCH, SEQ_LEN), 0, 100000, dtype=jnp.int32)
    mask_prob = jax.random.uniform(k2, (), dtype=jnp.float32)
    return {"tokens": tokens, "mask_prob": mask_prob}


def reference(tokens, mask_prob):
    key = jax.random.key(42)
    k1, k2 = jax.random.split(key)
    batch, seq_len = tokens.shape
    rnd = jax.random.uniform(k1, tokens.shape, dtype=jnp.float32)
    mask_indicator = (rnd < mask_prob) & (tokens != 0) & (tokens >= RANGE_START) & (tokens <= RANGE_END)
    no_mask = jnp.sum(mask_indicator, axis=1) == 0
    position_idx = jax.random.randint(k2, (batch,), 0, seq_len)
    forced = (jnp.arange(seq_len)[None, :] == position_idx[:, None]) & no_mask[:, None]
    mask_indicator = mask_indicator | forced
    labels = jnp.where(mask_indicator, tokens, -jnp.ones_like(tokens))
    out_tokens = jnp.where(mask_indicator, jnp.full_like(tokens, MASK_TOKEN), tokens)
    return (out_tokens, labels)

if __name__ == "__main__":
    import jax
    _d = setup_inputs()
    print(jax.jit(kernel)(*tuple(_d.values())))

</pallas_src>

<mosaic_0001>
#map = affine_map<(d0, d1) -> (0)>
module attributes {stable_mosaic.version = 14 : i64} {
  func.func @_pos_body(%arg0: i32, %arg1: i32, %arg2: memref<2097152xi32, #tpu.memory_space<hbm>>, %arg3: memref<65536xi32, #tpu.memory_space<vmem>>) attributes {dimension_semantics = [#tpu.dimension_semantics<core_parallel>, #tpu.dimension_semantics<subcore_parallel>], iteration_bounds = array<i64: 2, 16>, scalar_prefetch = 0 : i64, scratch_operands = 1 : i64, tpu.core_type = #tpu.core_type<sc_vector_subcore>, window_params = [{transform_indices = #map}]} {
    %mul3A = arith.constant 2 : i32
    %mul3A_0 = arith.muli %arg1, %mul3A : i32
    %add3A = arith.addi %mul3A_0, %arg0 : i32
    %iota3A = tpu.iota {dimensions = array<i32: 0>} : vector<16xi32>
    %mul3A_1 = arith.constant 512 : i32
    %mul3A_2 = arith.muli %add3A, %mul3A_1 : i32
    %scan3A = arith.constant 0 : i32
    %scan3A_3 = arith.constant 0 : i32
    %scan3A_4 = arith.constant 32 : i32
    %scan3A_5 = arith.addi %scan3A_3, %scan3A_4 : i32
    %scan3A_6 = arith.constant 4 : i32
    scf.for %scan3A_10 = %scan3A_3 to %scan3A_5 step %scan3A_6  : i32 {
      %mul3A_11 = arith.constant 16 : i32
      %mul3A_12 = arith.muli %scan3A_10, %mul3A_11 : i32
      %add3A_13 = arith.addi %mul3A_2, %mul3A_12 : i32
      %broadcast_in_dim3A = vector.broadcast %add3A_13 : i32 to vector<16xi32>
      %add3A_14 = arith.addi %broadcast_in_dim3A, %iota3A : vector<16xi32>
      %broadcast_in_dim3A_15 = arith.constant -1107590415 : i32
      %broadcast_in_dim3A_16 = vector.broadcast %broadcast_in_dim3A_15 : i32 to vector<16xi32>
      %add3A_17 = arith.constant 129218101 : i32
      %add3A_18 = vector.broadcast %add3A_17 : i32 to vector<16xi32>
      %add3A_19 = arith.addi %add3A_14, %add3A_18 : vector<16xi32>
      %add3A_20 = arith.addi %broadcast_in_dim3A_16, %add3A_19 : vector<16xi32>
      %shift_left3A = arith.constant 13 : i32
      %shift_left3A_21 = vector.broadcast %shift_left3A : i32 to vector<16xi32>
      %shift_left3A_22 = arith.shli %add3A_19, %shift_left3A_21 : vector<16xi32>
      %shift_right_logical3A = arith.constant 19 : i32
      %shift_right_logical3A_23 = vector.broadcast %shift_right_logical3A : i32 to vector<16xi32>
      %shift_right_logical3A_24 = arith.shrui %add3A_19, %shift_right_logical3A_23 : vector<16xi32>
      %or3A = arith.ori %shift_left3A_22, %shift_right_logical3A_24 : vector<16xi32>
      %xor3A = arith.xori %or3A, %add3A_20 : vector<16xi32>
      %add3A_25 = arith.addi %add3A_20, %xor3A : vector<16xi32>
      %shift_left3A_26 = arith.constant 15 : i32
      %shift_left3A_27 = vector.broadcast %shift_left3A_26 : i32 to vector<16xi32>
      %shift_left3A_28 = arith.shli %xor3A, %shift_left3A_27 : vector<16xi32>
      %shift_right_logical3A_29 = arith.constant 17 : i32
      %shift_right_logical3A_30 = vector.broadcast %shift_right_logical3A_29 : i32 to vector<16xi32>
      %shift_right_logical3A_31 = arith.shrui %xor3A, %shift_right_logical3A_30 : vector<16xi32>
      %or3A_32 = arith.ori %shift_left3A_28, %shift_right_logical3A_31 : vector<16xi32>
      %xor3A_33 = arith.xori %or3A_32, %add3A_25 : vector<16xi32>
      %add3A_34 = arith.addi %add3A_25, %xor3A_33 : vector<16xi32>
      %shift_left3A_35 = arith.constant 26 : i32
      %shift_left3A_36 = vector.broadcast %shift_left3A_35 : i32 to vector<16xi32>
      %shift_left3A_37 = arith.shli %xor3A_33, %shift_left3A_36 : vector<16xi32>
      %shift_right_logical3A_38 = arith.constant 6 : i32
      %shift_right_logical3A_39 = vector.broadcast %shift_right_logical3A_38 : i32 to vector<16xi32>
      %shift_right_logical3A_40 = arith.shrui %xor3A_33, %shift_right_logical3A_39 : vector<16xi32>
      %or3A_41 = arith.ori %shift_left3A_37, %shift_right_logical3A_40 : vector<16xi32>
      %xor3A_42 = arith.xori %or3A_41, %add3A_34 : vector<16xi32>
      %add3A_43 = arith.addi %add3A_34, %xor3A_42 : vector<16xi32>
      %shift_left3A_44 = arith.constant 6 : i32
      %shift_left3A_45 = vector.broadcast %shift_left3A_44 : i32 to vector<16xi32>
      %shift_left3A_46 = arith.shli %xor3A_42, %shift_left3A_45 : vector<16xi32>
      %shift_right_logical3A_47 = arith.constant 26 : i32
      %shift_right_logical3A_48 = vector.broadcast %shift_right_logical3A_47 : i32 to vector<16xi32>
      %shift_right_logical3A_49 = arith.shrui %xor3A_42, %shift_right_logical3A_48 : vector<16xi32>
      %or3A_50 = arith.ori %shift_left3A_46, %shift_right_logical3A_49 : vector<16xi32>
      %xor3A_51 = arith.xori %or3A_50, %add3A_43 : vector<16xi32>
      %add3A_52 = arith.constant 129218101 : i32
      %add3A_53 = vector.broadcast %add3A_52 : i32 to vector<16xi32>
      %add3A_54 = arith.addi %add3A_43, %add3A_53 : vector<16xi32>
      %add3A_55 = arith.constant -1583796449 : i32
      %add3A_56 = vector.broadcast %add3A_55 : i32 to vector<16xi32>
      %add3A_57 = arith.addi %xor3A_51, %add3A_56 : vector<16xi32>
      %add3A_58 = arith.addi %add3A_54, %add3A_57 : vector<16xi32>
      %shift_left3A_59 = arith.constant 17 : i32
      %shift_left3A_60 = vector.broadcast %shift_left3A_59 : i32 to vector<16xi32>
      %shift_left3A_61 = arith.shli %add3A_57, %shift_left3A_60 : vector<16xi32>
      %shift_right_logical3A_62 = arith.constant 15 : i32
      %shift_right_logical3A_63 = vector.broadcast %shift_right_logical3A_62 : i32 to vector<16xi32>
      %shift_right_logical3A_64 = arith.shrui %add3A_57, %shift_right_logical3A_63 : vector<16xi32>
      %or3A_65 = arith.ori %shift_left3A_61, %shift_right_logical3A_64 : vector<16xi32>
      %xor3A_66 = arith.xori %or3A_65, %add3A_58 : vector<16xi32>
      %add3A_67 = arith.addi %add3A_58, %xor3A_66 : vector<16xi32>
      %shift_left3A_68 = arith.constant 29 : i32
      %shift_left3A_69 = vector.broadcast %shift_left3A_68 : i32 to vector<16xi32>
      %shift_left3A_70 = arith.shli %xor3A_66, %shift_left3A_69 : vector<16xi32>
      %shift_right_logical3A_71 = arith.constant 3 : i32
      %shift_right_logical3A_72 = vector.broadcast %shift_right_logical3A_71 : i32 to vector<16xi32>
      %shift_right_logical3A_73 = arith.shrui %xor3A_66, %shift_right_logical3A_72 : vector<16xi32>
      %or3A_74 = arith.ori %shift_left3A_70, %shift_right_logical3A_73 : vector<16xi32>
      %xor3A_75 = arith.xori %or3A_74, %add3A_67 : vector<16xi32>
      %add3A_76 = arith.addi %add3A_67, %xor3A_75 : vector<16xi32>
      %shift_left3A_77 = arith.constant 16 : i32
      %shift_left3A_78 = vector.broadcast %shift_left3A_77 : i32 to vector<16xi32>
      %shift_left3A_79 = arith.shli %xor3A_75, %shift_left3A_78 : vector<16xi32>
      %shift_right_logical3A_80 = arith.constant 16 : i32
      %shift_right_logical3A_81 = vector.broadcast %shift_right_logical3A_80 : i32 to vector<16xi32>
      %shift_right_logical3A_82 = arith.shrui %xor3A_75, %shift_right_logical3A_81 : vector<16xi32>
      %or3A_83 = arith.ori %shift_left3A_79, %shift_right_logical3A_82 : vector<16xi32>
      %xor3A_84 = arith.xori %or3A_83, %add3A_76 : vector<16xi32>
      %add3A_85 = arith.addi %add3A_76, %xor3A_84 : vector<16xi32>
      %shift_left3A_86 = arith.constant 24 : i32
      %shift_left3A_87 = vector.broadcast %shift_left3A_86 : i32 to vector<16xi32>
      %shift_left3A_88 = arith.shli %xor3A_84, %shift_left3A_87 : vector<16xi32>
      %shift_right_logical3A_89 = arith.constant 8 : i32
      %shift_right_logical3A_90 = vector.broadcast %shift_right_logical3A_89 : i32 to vector<16xi32>
      %shift_right_logical3A_91 = arith.shrui %xor3A_84, %shift_right_logical3A_90 : vector<16xi32>
      %or3A_92 = arith.ori %shift_left3A_88, %shift_right_logical3A_91 : vector<16xi32>
      %xor3A_93 = arith.xori %or3A_92, %add3A_85 : vector<16xi32>
      %add3A_94 = arith.constant -1583796450 : i32
      %add3A_95 = vector.broadcast %add3A_94 : i32 to vector<16xi32>
      %add3A_96 = arith.addi %add3A_85, %add3A_95 : vector<16xi32>
      %add3A_97 = arith.constant -1107590413 : i32
      %add3A_98 = vector.broadcast %add3A_97 : i32 to vector<16xi32>
      %add3A_99 = arith.addi %xor3A_93, %add3A_98 : vector<16xi32>
      %add3A_100 = arith.addi %add3A_96, %add3A_99 : vector<16xi32>
      %shift_left3A_101 = arith.constant 13 : i32
      %shift_left3A_102 = vector.broadcast %shift_left3A_101 : i32 to vector<16xi32>
      %shift_left3A_103 = arith.shli %add3A_99, %shift_left3A_102 : vector<16xi32>
      %shift_right_logical3A_104 = arith.constant 19 : i32
      %shift_right_logical3A_105 = vector.broadcast %shift_right_logical3A_104 : i32 to vector<16xi32>
      %shift_right_logical3A_106 = arith.shrui %add3A_99, %shift_right_logical3A_105 : vector<16xi32>
      %or3A_107 = arith.ori %shift_left3A_103, %shift_right_logical3A_106 : vector<16xi32>
      %xor3A_108 = arith.xori %or3A_107, %add3A_100 : vector<16xi32>
      %add3A_109 = arith.addi %add3A_100, %xor3A_108 : vector<16xi32>
      %shift_left3A_110 = arith.constant 15 : i32
      %shift_left3A_111 = vector.broadcast %shift_left3A_110 : i32 to vector<16xi32>
      %shift_left3A_112 = arith.shli %xor3A_108, %shift_left3A_111 : vector<16xi32>
      %shift_right_logical3A_113 = arith.constant 17 : i32
      %shift_right_logical3A_114 = vector.broadcast %shift_right_logical3A_113 : i32 to vector<16xi32>
      %shift_right_logical3A_115 = arith.shrui %xor3A_108, %shift_right_logical3A_114 : vector<16xi32>
      %or3A_116 = arith.ori %shift_left3A_112, %shift_right_logical3A_115 : vector<16xi32>
      %xor3A_117 = arith.xori %or3A_116, %add3A_109 : vector<16xi32>
      %add3A_118 = arith.addi %add3A_109, %xor3A_117 : vector<16xi32>
      %shift_left3A_119 = arith.constant 26 : i32
      %shift_left3A_120 = vector.broadcast %shift_left3A_119 : i32 to vector<16xi32>
      %shift_left3A_121 = arith.shli %xor3A_117, %shift_left3A_120 : vector<16xi32>
      %shift_right_logical3A_122 = arith.constant 6 : i32
      %shift_right_logical3A_123 = vector.broadcast %shift_right_logical3A_122 : i32 to vector<16xi32>
      %shift_right_logical3A_124 = arith.shrui %xor3A_117, %shift_right_logical3A_123 : vector<16xi32>
      %or3A_125 = arith.ori %shift_left3A_121, %shift_right_logical3A_124 : vector<16xi32>
      %xor3A_126 = arith.xori %or3A_125, %add3A_118 : vector<16xi32>
      %add3A_127 = arith.addi %add3A_118, %xor3A_126 : vector<16xi32>
      %shift_left3A_128 = arith.constant 6 : i32
      %shift_left3A_129 = vector.broadcast %shift_left3A_128 : i32 to vector<16xi32>
      %shift_left3A_130 = arith.shli %xor3A_126, %shift_left3A_129 : vector<16xi32>
      %shift_right_logical3A_131 = arith.constant 26 : i32
      %shift_right_logical3A_132 = vector.broadcast %shift_right_logical3A_131 : i32 to vector<16xi32>
      %shift_right_logical3A_133 = arith.shrui %xor3A_126, %shift_right_logical3A_132 : vector<16xi32>
      %or3A_134 = arith.ori %shift_left3A_130, %shift_right_logical3A_133 : vector<16xi32>
      %xor3A_135 = arith.xori %or3A_134, %add3A_127 : vector<16xi32>
      %add3A_136 = arith.constant -1107590415 : i32
      %add3A_137 = vector.broadcast %add3A_136 : i32 to vector<16xi32>
      %add3A_138 = arith.addi %add3A_127, %add3A_137 : vector<16xi32>
      %add3A_139 = arith.constant 129218104 : i32
      %add3A_140 = vector.broadcast %add3A_139 : i32 to vector<16xi32>
      %add3A_141 = arith.addi %xor3A_135, %add3A_140 : vector<16xi32>
      %add3A_142 = arith.addi %add3A_138, %add3A_141 : vector<16xi32>
      %shift_left3A_143 = arith.constant 17 : i32
      %shift_left3A_144 = vector.broadcast %shift_left3A_143 : i32 to vector<16xi32>
      %shift_left3A_145 = arith.shli %add3A_141, %shift_left3A_144 : vector<16xi32>
      %shift_right_logical3A_146 = arith.constant 15 : i32
      %shift_right_logical3A_147 = vector.broadcast %shift_right_logical3A_146 : i32 to vector<16xi32>
      %shift_right_logical3A_148 = arith.shrui %add3A_141, %shift_right_logical3A_147 : vector<16xi32>
      %or3A_149 = arith.ori %shift_left3A_145, %shift_right_logical3A_148 : vector<16xi32>
      %xor3A_150 = arith.xori %or3A_149, %add3A_142 : vector<16xi32>
      %add3A_151 = arith.addi %add3A_142, %xor3A_150 : vector<16xi32>
      %shift_left3A_152 = arith.constant 29 : i32
      %shift_left3A_153 = vector.broadcast %shift_left3A_152 : i32 to vector<16xi32>
      %shift_left3A_154 = arith.shli %xor3A_150, %shift_left3A_153 : vector<16xi32>
      %shift_right_logical3A_155 = arith.constant 3 : i32
      %shift_right_logical3A_156 = vector.broadcast %shift_right_logical3A_155 : i32 to vector<16xi32>
      %shift_right_logical3A_157 = arith.shrui %xor3A_150, %shift_right_logical3A_156 : vector<16xi32>
      %or3A_158 = arith.ori %shift_left3A_154, %shift_right_logical3A_157 : vector<16xi32>
      %xor3A_159 = arith.xori %or3A_158, %add3A_151 : vector<16xi32>
      %add3A_160 = arith.addi %add3A_151, %xor3A_159 : vector<16xi32>
      %shift_left3A_161 = arith.constant 16 : i32
      %shift_left3A_162 = vector.broadcast %shift_left3A_161 : i32 to vector<16xi32>
      %shift_left3A_163 = arith.shli %xor3A_159, %shift_left3A_162 : vector<16xi32>
      %shift_right_logical3A_164 = arith.constant 16 : i32
      %shift_right_logical3A_165 = vector.broadcast %shift_right_logical3A_164 : i32 to vector<16xi32>
      %shift_right_logical3A_166 = arith.shrui %xor3A_159, %shift_right_logical3A_165 : vector<16xi32>
      %or3A_167 = arith.ori %shift_left3A_163, %shift_right_logical3A_166 : vector<16xi32>
      %xor3A_168 = arith.xori %or3A_167, %add3A_160 : vector<16xi32>
      %add3A_169 = arith.addi %add3A_160, %xor3A_168 : vector<16xi32>
      %shift_left3A_170 = arith.constant 24 : i32
      %shift_left3A_171 = vector.broadcast %shift_left3A_170 : i32 to vector<16xi32>
      %shift_left3A_172 = arith.shli %xor3A_168, %shift_left3A_171 : vector<16xi32>
      %shift_right_logical3A_173 = arith.constant 8 : i32
      %shift_right_logical3A_174 = vector.broadcast %shift_right_logical3A_173 : i32 to vector<16xi32>
      %shift_right_logical3A_175 = arith.shrui %xor3A_168, %shift_right_logical3A_174 : vector<16xi32>
      %or3A_176 = arith.ori %shift_left3A_172, %shift_right_logical3A_175 : vector<16xi32>
      %xor3A_177 = arith.xori %or3A_176, %add3A_169 : vector<16xi32>
      %add3A_178 = arith.constant 129218101 : i32
      %add3A_179 = vector.broadcast %add3A_178 : i32 to vector<16xi32>
      %add3A_180 = arith.addi %add3A_169, %add3A_179 : vector<16xi32>
      %add3A_181 = arith.constant -1583796446 : i32
      %add3A_182 = vector.broadcast %add3A_181 : i32 to vector<16xi32>
      %add3A_183 = arith.addi %xor3A_177, %add3A_182 : vector<16xi32>
      %add3A_184 = arith.addi %add3A_180, %add3A_183 : vector<16xi32>
      %shift_left3A_185 = arith.constant 13 : i32
      %shift_left3A_186 = vector.broadcast %shift_left3A_185 : i32 to vector<16xi32>
      %shift_left3A_187 = arith.shli %add3A_183, %shift_left3A_186 : vector<16xi32>
      %shift_right_logical3A_188 = arith.constant 19 : i32
      %shift_right_logical3A_189 = vector.broadcast %shift_right_logical3A_188 : i32 to vector<16xi32>
      %shift_right_logical3A_190 = arith.shrui %add3A_183, %shift_right_logical3A_189 : vector<16xi32>
      %or3A_191 = arith.ori %shift_left3A_187, %shift_right_logical3A_190 : vector<16xi32>
      %xor3A_192 = arith.xori %or3A_191, %add3A_184 : vector<16xi32>
      %add3A_193 = arith.addi %add3A_184, %xor3A_192 : vector<16xi32>
      %shift_left3A_194 = arith.constant 15 : i32
      %shift_left3A_195 = vector.broadcast %shift_left3A_194 : i32 to vector<16xi32>
      %shift_left3A_196 = arith.shli %xor3A_192, %shift_left3A_195 : vector<16xi32>
      %shift_right_logical3A_197 = arith.constant 17 : i32
      %shift_right_logical3A_198 = vector.broadcast %shift_right_logical3A_197 : i32 to vector<16xi32>
      %shift_right_logical3A_199 = arith.shrui %xor3A_192, %shift_right_logical3A_198 : vector<16xi32>
      %or3A_200 = arith.ori %shift_left3A_196, %shift_right_logical3A_199 : vector<16xi32>
      %xor3A_201 = arith.xori %or3A_200, %add3A_193 : vector<16xi32>
      %add3A_202 = arith.addi %add3A_193, %xor3A_201 : vector<16xi32>
      %shift_left3A_203 = arith.constant 26 : i32
      %shift_left3A_204 = vector.broadcast %shift_left3A_203 : i32 to vector<16xi32>
      %shift_left3A_205 = arith.shli %xor3A_201, %shift_left3A_204 : vector<16xi32>
      %shift_right_logical3A_206 = arith.constant 6 : i32
      %shift_right_logical3A_207 = vector.broadcast %shift_right_logical3A_206 : i32 to vector<16xi32>
      %shift_right_logical3A_208 = arith.shrui %xor3A_201, %shift_right_logical3A_207 : vector<16xi32>
      %or3A_209 = arith.ori %shift_left3A_205, %shift_right_logical3A_208 : vector<16xi32>
      %xor3A_210 = arith.xori %or3A_209, %add3A_202 : vector<16xi32>
      %add3A_211 = arith.addi %add3A_202, %xor3A_210 : vector<16xi32>
      %shift_left3A_212 = arith.constant 6 : i32
      %shift_left3A_213 = vector.broadcast %shift_left3A_212 : i32 to vector<16xi32>
      %shift_left3A_214 = arith.shli %xor3A_210, %shift_left3A_213 : vector<16xi32>
      %shift_right_logical3A_215 = arith.constant 26 : i32
      %shift_right_logical3A_216 = vector.broadcast %shift_right_logical3A_215 : i32 to vector<16xi32>
      %shift_right_logical3A_217 = arith.shrui %xor3A_210, %shift_right_logical3A_216 : vector<16xi32>
      %or3A_218 = arith.ori %shift_left3A_214, %shift_right_logical3A_217 : vector<16xi32>
      %xor3A_219 = arith.xori %or3A_218, %add3A_211 : vector<16xi32>
      %add3A_220 = arith.constant -1583796450 : i32
      %add3A_221 = vector.broadcast %add3A_220 : i32 to vector<16xi32>
      %add3A_222 = arith.addi %add3A_211, %add3A_221 : vector<16xi32>
      %add3A_223 = arith.constant -1107590410 : i32
      %add3A_224 = vector.broadcast %add3A_223 : i32 to vector<16xi32>
      %add3A_225 = arith.addi %xor3A_219, %add3A_224 : vector<16xi32>
      %xor3A_226 = arith.xori %add3A_222, %add3A_225 : vector<16xi32>
      %jit3A = arith.constant 200 : i32
      %eq3A = arith.constant 0 : i32
      %eq3A_227 = arith.cmpi eq, %jit3A, %eq3A : i32
      %jit3A_228 = arith.constant 1 : i32
      %select_n3A = arith.select %eq3A_227, %jit3A_228, %jit3A : i32
      %rem3A = vector.broadcast %select_n3A : i32 to vector<16xi32>
      %rem3A_229 = arith.remui %xor3A_226, %rem3A : vector<16xi32>
      %ne3A = arith.constant 0 : i32
      %ne3A_230 = vector.broadcast %ne3A : i32 to vector<16xi32>
      %ne3A_231 = arith.cmpi ne, %rem3A_229, %ne3A_230 : vector<16xi32>
      %lt3A = arith.constant 0 : i32
      %lt3A_232 = vector.broadcast %lt3A : i32 to vector<16xi32>
      %lt3A_233 = arith.cmpi ult, %rem3A_229, %lt3A_232 : vector<16xi32>
      %lt3A_234 = arith.constant 0 : i32
      %lt3A_235 = arith.cmpi ult, %select_n3A, %lt3A_234 : i32
      %ne3A_236 = vector.broadcast %lt3A_235 : i1 to vector<16xi1>
      %ne3A_237 = vector.broadcast %ne3A_236 : vector<16xi1> to vector<16xi1>
      %ne3A_238 = arith.xori %lt3A_233, %ne3A_237 : vector<16xi1>
      %and3A = arith.andi %ne3A_238, %ne3A_231 : vector<16xi1>
      %add3A_239 = vector.broadcast %select_n3A : i32 to vector<16xi32>
      %add3A_240 = arith.addi %rem3A_229, %add3A_239 : vector<16xi32>
      %select_n3A_241 = arith.select %and3A, %add3A_240, %rem3A_229 : vector<16xi1>, vector<16xi32>
      %broadcast_in_dim3A_242 = arith.constant -1944951124 : i32
      %broadcast_in_dim3A_243 = vector.broadcast %broadcast_in_dim3A_242 : i32 to vector<16xi32>
      %add3A_244 = arith.constant 1168365246 : i32
      %add3A_245 = vector.broadcast %add3A_244 : i32 to vector<16xi32>
      %add3A_246 = arith.addi %add3A_14, %add3A_245 : vector<16xi32>
      %add3A_247 = arith.addi %broadcast_in_dim3A_243, %add3A_246 : vector<16xi32>
      %shift_left3A_248 = arith.constant 13 : i32
      %shift_left3A_249 = vector.broadcast %shift_left3A_248 : i32 to vector<16xi32>
      %shift_left3A_250 = arith.shli %add3A_246, %shift_left3A_249 : vector<16xi32>
      %shift_right_logical3A_251 = arith.constant 19 : i32
      %shift_right_logical3A_252 = vector.broadcast %shift_right_logical3A_251 : i32 to vector<16xi32>
      %shift_right_logical3A_253 = arith.shrui %add3A_246, %shift_right_logical3A_252 : vector<16xi32>
      %or3A_254 = arith.ori %shift_left3A_250, %shift_right_logical3A_253 : vector<16xi32>
      %xor3A_255 = arith.xori %or3A_254, %add3A_247 : vector<16xi32>
      %add3A_256 = arith.addi %add3A_247, %xor3A_255 : vector<16xi32>
      %shift_left3A_257 = arith.constant 15 : i32
      %shift_left3A_258 = vector.broadcast %shift_left3A_257 : i32 to vector<16xi32>
      %shift_left3A_259 = arith.shli %xor3A_255, %shift_left3A_258 : vector<16xi32>
      %shift_right_logical3A_260 = arith.constant 17 : i32
      %shift_right_logical3A_261 = vector.broadcast %shift_right_logical3A_260 : i32 to vector<16xi32>
      %shift_right_logical3A_262 = arith.shrui %xor3A_255, %shift_right_logical3A_261 : vector<16xi32>
      %or3A_263 = arith.ori %shift_left3A_259, %shift_right_logical3A_262 : vector<16xi32>
      %xor3A_264 = arith.xori %or3A_263, %add3A_256 : vector<16xi32>
      %add3A_265 = arith.addi %add3A_256, %xor3A_264 : vector<16xi32>
      %shift_left3A_266 = arith.constant 26 : i32
      %shift_left3A_267 = vector.broadcast %shift_left3A_266 : i32 to vector<16xi32>
      %shift_left3A_268 = arith.shli %xor3A_264, %shift_left3A_267 : vector<16xi32>
      %shift_right_logical3A_269 = arith.constant 6 : i32
      %shift_right_logical3A_270 = vector.broadcast %shift_right_logical3A_269 : i32 to vector<16xi32>
      %shift_right_logical3A_271 = arith.shrui %xor3A_264, %shift_right_logical3A_270 : vector<16xi32>
      %or3A_272 = arith.ori %shift_left3A_268, %shift_right_logical3A_271 : vector<16xi32>
      %xor3A_273 = arith.xori %or3A_272, %add3A_265 : vector<16xi32>
      %add3A_274 = arith.addi %add3A_265, %xor3A_273 : vector<16xi32>
      %shift_left3A_275 = arith.constant 6 : i32
      %shift_left3A_276 = vector.broadcast %shift_left3A_275 : i32 to vector<16xi32>
      %shift_left3A_277 = arith.shli %xor3A_273, %shift_left3A_276 : vector<16xi32>
      %shift_right_logical3A_278 = arith.constant 26 : i32
      %shift_right_logical3A_279 = vector.broadcast %shift_right_logical3A_278 : i32 to vector<16xi32>
      %shift_right_logical3A_280 = arith.shrui %xor3A_273, %shift_right_logical3A_279 : vector<16xi32>
      %or3A_281 = arith.ori %shift_left3A_277, %shift_right_logical3A_280 : vector<16xi32>
      %xor3A_282 = arith.xori %or3A_281, %add3A_274 : vector<16xi32>
      %add3A_283 = arith.constant 1168365246 : i32
      %add3A_284 = vector.broadcast %add3A_283 : i32 to vector<16xi32>
      %add3A_285 = arith.addi %add3A_274, %add3A_284 : vector<16xi32>
      %add3A_286 = arith.constant -765416503 : i32
      %add3A_287 = vector.broadcast %add3A_286 : i32 to vector<16xi32>
      %add3A_288 = arith.addi %xor3A_282, %add3A_287 : vector<16xi32>
      %add3A_289 = arith.addi %add3A_285, %add3A_288 : vector<16xi32>
      %shift_left3A_290 = arith.constant 17 : i32
      %shift_left3A_291 = vector.broadcast %shift_left3A_290 : i32 to vector<16xi32>
      %shift_left3A_292 = arith.shli %add3A_288, %shift_left3A_291 : vector<16xi32>
      %shift_right_logical3A_293 = arith.constant 15 : i32
      %shift_right_logical3A_294 = vector.broadcast %shift_right_logical3A_293 : i32 to vector<16xi32>
      %shift_right_logical3A_295 = arith.shrui %add3A_288, %shift_right_logical3A_294 : vector<16xi32>
      %or3A_296 = arith.ori %shift_left3A_292, %shift_right_logical3A_295 : vector<16xi32>
      %xor3A_297 = arith.xori %or3A_296, %add3A_289 : vector<16xi32>
      %add3A_298 = arith.addi %add3A_289, %xor3A_297 : vector<16xi32>
      %shift_left3A_299 = arith.constant 29 : i32
      %shift_left3A_300 = vector.broadcast %shift_left3A_299 : i32 to vector<16xi32>
      %shift_left3A_301 = arith.shli %xor3A_297, %shift_left3A_300 : vector<16xi32>
      %shift_right_logical3A_302 = arith.constant 3 : i32
      %shift_right_logical3A_303 = vector.broadcast %shift_right_logical3A_302 : i32 to vector<16xi32>
      %shift_right_logical3A_304 = arith.shrui %xor3A_297, %shift_right_logical3A_303 : vector<16xi32>
      %or3A_305 = arith.ori %shift_left3A_301, %shift_right_logical3A_304 : vector<16xi32>
      %xor3A_306 = arith.xori %or3A_305, %add3A_298 : vector<16xi32>
      %add3A_307 = arith.addi %add3A_298, %xor3A_306 : vector<16xi32>
      %shift_left3A_308 = arith.constant 16 : i32
      %shift_left3A_309 = vector.broadcast %shift_left3A_308 : i32 to vector<16xi32>
      %shift_left3A_310 = arith.shli %xor3A_306, %shift_left3A_309 : vector<16xi32>
      %shift_right_logical3A_311 = arith.constant 16 : i32
      %shift_right_logical3A_312 = vector.broadcast %shift_right_logical3A_311 : i32 to vector<16xi32>
      %shift_right_logical3A_313 = arith.shrui %xor3A_306, %shift_right_logical3A_312 : vector<16xi32>
      %or3A_314 = arith.ori %shift_left3A_310, %shift_right_logical3A_313 : vector<16xi32>
      %xor3A_315 = arith.xori %or3A_314, %add3A_307 : vector<16xi32>
      %add3A_316 = arith.addi %add3A_307, %xor3A_315 : vector<16xi32>
      %shift_left3A_317 = arith.constant 24 : i32
      %shift_left3A_318 = vector.broadcast %shift_left3A_317 : i32 to vector<16xi32>
      %shift_left3A_319 = arith.shli %xor3A_315, %shift_left3A_318 : vector<16xi32>
      %shift_right_logical3A_320 = arith.constant 8 : i32
      %shift_right_logical3A_321 = vector.broadcast %shift_right_logical3A_320 : i32 to vector<16xi32>
      %shift_right_logical3A_322 = arith.shrui %xor3A_315, %shift_right_logical3A_321 : vector<16xi32>
      %or3A_323 = arith.ori %shift_left3A_319, %shift_right_logical3A_322 : vector<16xi32>
      %xor3A_324 = arith.xori %or3A_323, %add3A_316 : vector<16xi32>
      %add3A_325 = arith.constant -765416504 : i32
      %add3A_326 = vector.broadcast %add3A_325 : i32 to vector<16xi32>
      %add3A_327 = arith.addi %add3A_316, %add3A_326 : vector<16xi32>
      %add3A_328 = arith.constant -1944951122 : i32
      %add3A_329 = vector.broadcast %add3A_328 : i32 to vector<16xi32>
      %add3A_330 = arith.addi %xor3A_324, %add3A_329 : vector<16xi32>
      %add3A_331 = arith.addi %add3A_327, %add3A_330 : vector<16xi32>
      %shift_left3A_332 = arith.constant 13 : i32
      %shift_left3A_333 = vector.broadcast %shift_left3A_332 : i32 to vector<16xi32>
      %shift_left3A_334 = arith.shli %add3A_330, %shift_left3A_333 : vector<16xi32>
      %shift_right_logical3A_335 = arith.constant 19 : i32
      %shift_right_logical3A_336 = vector.broadcast %shift_right_logical3A_335 : i32 to vector<16xi32>
      %shift_right_logical3A_337 = arith.shrui %add3A_330, %shift_right_logical3A_336 : vector<16xi32>
      %or3A_338 = arith.ori %shift_left3A_334, %shift_right_logical3A_337 : vector<16xi32>
      %xor3A_339 = arith.xori %or3A_338, %add3A_331 : vector<16xi32>
      %add3A_340 = arith.addi %add3A_331, %xor3A_339 : vector<16xi32>
      %shift_left3A_341 = arith.constant 15 : i32
      %shift_left3A_342 = vector.broadcast %shift_left3A_341 : i32 to vector<16xi32>
      %shift_left3A_343 = arith.shli %xor3A_339, %shift_left3A_342 : vector<16xi32>
      %shift_right_logical3A_344 = arith.constant 17 : i32
      %shift_right_logical3A_345 = vector.broadcast %shift_right_logical3A_344 : i32 to vector<16xi32>
      %shift_right_logical3A_346 = arith.shrui %xor3A_339, %shift_right_logical3A_345 : vector<16xi32>
      %or3A_347 = arith.ori %shift_left3A_343, %shift_right_logical3A_346 : vector<16xi32>
      %xor3A_348 = arith.xori %or3A_347, %add3A_340 : vector<16xi32>
      %add3A_349 = arith.addi %add3A_340, %xor3A_348 : vector<16xi32>
      %shift_left3A_350 = arith.constant 26 : i32
      %shift_left3A_351 = vector.broadcast %shift_left3A_350 : i32 to vector<16xi32>
      %shift_left3A_352 = arith.shli %xor3A_348, %shift_left3A_351 : vector<16xi32>
      %shift_right_logical3A_353 = arith.constant 6 : i32
      %shift_right_logical3A_354 = vector.broadcast %shift_right_logical3A_353 : i32 to vector<16xi32>
      %shift_right_logical3A_355 = arith.shrui %xor3A_348, %shift_right_logical3A_354 : vector<16xi32>
      %or3A_356 = arith.ori %shift_left3A_352, %shift_right_logical3A_355 : vector<16xi32>
      %xor3A_357 = arith.xori %or3A_356, %add3A_349 : vector<16xi32>
      %add3A_358 = arith.addi %add3A_349, %xor3A_357 : vector<16xi32>
      %shift_left3A_359 = arith.constant 6 : i32
      %shift_left3A_360 = vector.broadcast %shift_left3A_359 : i32 to vector<16xi32>
      %shift_left3A_361 = arith.shli %xor3A_357, %shift_left3A_360 : vector<16xi32>
      %shift_right_logical3A_362 = arith.constant 26 : i32
      %shift_right_logical3A_363 = vector.broadcast %shift_right_logical3A_362 : i32 to vector<16xi32>
      %shift_right_logical3A_364 = arith.shrui %xor3A_357, %shift_right_logical3A_363 : vector<16xi32>
      %or3A_365 = arith.ori %shift_left3A_361, %shift_right_logical3A_364 : vector<16xi32>
      %xor3A_366 = arith.xori %or3A_365, %add3A_358 : vector<16xi32>
      %add3A_367 = arith.constant -1944951124 : i32
      %add3A_368 = vector.broadcast %add3A_367 : i32 to vector<16xi32>
      %add3A_369 = arith.addi %add3A_358, %add3A_368 : vector<16xi32>
      %add3A_370 = arith.constant 1168365249 : i32
      %add3A_371 = vector.broadcast %add3A_370 : i32 to vector<16xi32>
      %add3A_372 = arith.addi %xor3A_366, %add3A_371 : vector<16xi32>
      %add3A_373 = arith.addi %add3A_369, %add3A_372 : vector<16xi32>
      %shift_left3A_374 = arith.constant 17 : i32
      %shift_left3A_375 = vector.broadcast %shift_left3A_374 : i32 to vector<16xi32>
      %shift_left3A_376 = arith.shli %add3A_372, %shift_left3A_375 : vector<16xi32>
      %shift_right_logical3A_377 = arith.constant 15 : i32
      %shift_right_logical3A_378 = vector.broadcast %shift_right_logical3A_377 : i32 to vector<16xi32>
      %shift_right_logical3A_379 = arith.shrui %add3A_372, %shift_right_logical3A_378 : vector<16xi32>
      %or3A_380 = arith.ori %shift_left3A_376, %shift_right_logical3A_379 : vector<16xi32>
      %xor3A_381 = arith.xori %or3A_380, %add3A_373 : vector<16xi32>
      %add3A_382 = arith.addi %add3A_373, %xor3A_381 : vector<16xi32>
      %shift_left3A_383 = arith.constant 29 : i32
      %shift_left3A_384 = vector.broadcast %shift_left3A_383 : i32 to vector<16xi32>
      %shift_left3A_385 = arith.shli %xor3A_381, %shift_left3A_384 : vector<16xi32>
      %shift_right_logical3A_386 = arith.constant 3 : i32
      %shift_right_logical3A_387 = vector.broadcast %shift_right_logical3A_386 : i32 to vector<16xi32>
      %shift_right_logical3A_388 = arith.shrui %xor3A_381, %shift_right_logical3A_387 : vector<16xi32>
      %or3A_389 = arith.ori %shift_left3A_385, %shift_right_logical3A_388 : vector<16xi32>
      %xor3A_390 = arith.xori %or3A_389, %add3A_382 : vector<16xi32>
      %add3A_391 = arith.addi %add3A_382, %xor3A_390 : vector<16xi32>
      %shift_left3A_392 = arith.constant 16 : i32
      %shift_left3A_393 = vector.broadcast %shift_left3A_392 : i32 to vector<16xi32>
      %shift_left3A_394 = arith.shli %xor3A_390, %shift_left3A_393 : vector<16xi32>
      %shift_right_logical3A_395 = arith.constant 16 : i32
      %shift_right_logical3A_396 = vector.broadcast %shift_right_logical3A_395 : i32 to vector<16xi32>
      %shift_right_logical3A_397 = arith.shrui %xor3A_390, %shift_right_logical3A_396 : vector<16xi32>
      %or3A_398 = arith.ori %shift_left3A_394, %shift_right_logical3A_397 : vector<16xi32>
      %xor3A_399 = arith.xori %or3A_398, %add3A_391 : vector<16xi32>
      %add3A_400 = arith.addi %add3A_391, %xor3A_399 : vector<16xi32>
      %shift_left3A_401 = arith.constant 24 : i32
      %shift_left3A_402 = vector.broadcast %shift_left3A_401 : i32 to vector<16xi32>
      %shift_left3A_403 = arith.shli %xor3A_399, %shift_left3A_402 : vector<16xi32>
      %shift_right_logical3A_404 = arith.constant 8 : i32
      %shift_right_logical3A_405 = vector.broadcast %shift_right_logical3A_404 : i32 to vector<16xi32>
      %shift_right_logical3A_406 = arith.shrui %xor3A_399, %shift_right_logical3A_405 : vector<16xi32>
      %or3A_407 = arith.ori %shift_left3A_403, %shift_right_logical3A_406 : vector<16xi32>
      %xor3A_408 = arith.xori %or3A_407, %add3A_400 : vector<16xi32>
      %add3A_409 = arith.constant 1168365246 : i32
      %add3A_410 = vector.broadcast %add3A_409 : i32 to vector<16xi32>
      %add3A_411 = arith.addi %add3A_400, %add3A_410 : vector<16xi32>
      %add3A_412 = arith.constant -765416500 : i32
      %add3A_413 = vector.broadcast %add3A_412 : i32 to vector<16xi32>
      %add3A_414 = arith.addi %xor3A_408, %add3A_413 : vector<16xi32>
      %add3A_415 = arith.addi %add3A_411, %add3A_414 : vector<16xi32>
      %shift_left3A_416 = arith.constant 13 : i32
      %shift_left3A_417 = vector.broadcast %shift_left3A_416 : i32 to vector<16xi32>
      %shift_left3A_418 = arith.shli %add3A_414, %shift_left3A_417 : vector<16xi32>
      %shift_right_logical3A_419 = arith.constant 19 : i32
      %shift_right_logical3A_420 = vector.broadcast %shift_right_logical3A_419 : i32 to vector<16xi32>
      %shift_right_logical3A_421 = arith.shrui %add3A_414, %shift_right_logical3A_420 : vector<16xi32>
      %or3A_422 = arith.ori %shift_left3A_418, %shift_right_logical3A_421 : vector<16xi32>
      %xor3A_423 = arith.xori %or3A_422, %add3A_415 : vector<16xi32>
      %add3A_424 = arith.addi %add3A_415, %xor3A_423 : vector<16xi32>
      %shift_left3A_425 = arith.constant 15 : i32
      %shift_left3A_426 = vector.broadcast %shift_left3A_425 : i32 to vector<16xi32>
      %shift_left3A_427 = arith.shli %xor3A_423, %shift_left3A_426 : vector<16xi32>
      %shift_right_logical3A_428 = arith.constant 17 : i32
      %shift_right_logical3A_429 = vector.broadcast %shift_right_logical3A_428 : i32 to vector<16xi32>
      %shift_right_logical3A_430 = arith.shrui %xor3A_423, %shift_right_logical3A_429 : vector<16xi32>
      %or3A_431 = arith.ori %shift_left3A_427, %shift_right_logical3A_430 : vector<16xi32>
      %xor3A_432 = arith.xori %or3A_431, %add3A_424 : vector<16xi32>
      %add3A_433 = arith.addi %add3A_424, %xor3A_432 : vector<16xi32>
      %shift_left3A_434 = arith.constant 26 : i32
      %shift_left3A_435 = vector.broadcast %shift_left3A_434 : i32 to vector<16xi32>
      %shift_left3A_436 = arith.shli %xor3A_432, %shift_left3A_435 : vector<16xi32>
      %shift_right_logical3A_437 = arith.constant 6 : i32
      %shift_right_logical3A_438 = vector.broadcast %shift_right_logical3A_437 : i32 to vector<16xi32>
      %shift_right_logical3A_439 = arith.shrui %xor3A_432, %shift_right_logical3A_438 : vector<16xi32>
      %or3A_440 = arith.ori %shift_left3A_436, %shift_right_logical3A_439 : vector<16xi32>
      %xor3A_441 = arith.xori %or3A_440, %add3A_433 : vector<16xi32>
      %add3A_442 = arith.addi %add3A_433, %xor3A_441 : vector<16xi32>
      %shift_left3A_443 = arith.constant 6 : i32
      %shift_left3A_444 = vector.broadcast %shift_left3A_443 : i32 to vector<16xi32>
      %shift_left3A_445 = arith.shli %xor3A_441, %shift_left3A_444 : vector<16xi32>
      %shift_right_logical3A_446 = arith.constant 26 : i32
      %shift_right_logical3A_447 = vector.broadcast %shift_right_logical3A_446 : i32 to vector<16xi32>
      %shift_right_logical3A_448 = arith.shrui %xor3A_441, %shift_right_logical3A_447 : vector<16xi32>
      %or3A_449 = arith.ori %shift_left3A_445, %shift_right_logical3A_448 : vector<16xi32>
      %xor3A_450 = arith.xori %or3A_449, %add3A_442 : vector<16xi32>
      %add3A_451 = arith.constant -765416504 : i32
      %add3A_452 = vector.broadcast %add3A_451 : i32 to vector<16xi32>
      %add3A_453 = arith.addi %add3A_442, %add3A_452 : vector<16xi32>
      %add3A_454 = arith.constant -1944951119 : i32
      %add3A_455 = vector.broadcast %add3A_454 : i32 to vector<16xi32>
      %add3A_456 = arith.addi %xor3A_450, %add3A_455 : vector<16xi32>
      %xor3A_457 = arith.xori %add3A_453, %add3A_456 : vector<16xi32>
      %jit3A_458 = arith.constant 200 : i32
      %eq3A_459 = arith.constant 0 : i32
      %eq3A_460 = arith.cmpi eq, %jit3A_458, %eq3A_459 : i32
      %jit3A_461 = arith.constant 1 : i32
      %select_n3A_462 = arith.select %eq3A_460, %jit3A_461, %jit3A_458 : i32
      %rem3A_463 = vector.broadcast %select_n3A_462 : i32 to vector<16xi32>
      %rem3A_464 = arith.remui %xor3A_457, %rem3A_463 : vector<16xi32>
      %ne3A_465 = arith.constant 0 : i32
      %ne3A_466 = vector.broadcast %ne3A_465 : i32 to vector<16xi32>
      %ne3A_467 = arith.cmpi ne, %rem3A_464, %ne3A_466 : vector<16xi32>
      %lt3A_468 = arith.constant 0 : i32
      %lt3A_469 = vector.broadcast %lt3A_468 : i32 to vector<16xi32>
      %lt3A_470 = arith.cmpi ult, %rem3A_464, %lt3A_469 : vector<16xi32>
      %lt3A_471 = arith.constant 0 : i32
      %lt3A_472 = arith.cmpi ult, %select_n3A_462, %lt3A_471 : i32
      %ne3A_473 = vector.broadcast %lt3A_472 : i1 to vector<16xi1>
      %ne3A_474 = vector.broadcast %ne3A_473 : vector<16xi1> to vector<16xi1>
      %ne3A_475 = arith.xori %lt3A_470, %ne3A_474 : vector<16xi1>
      %and3A_476 = arith.andi %ne3A_475, %ne3A_467 : vector<16xi1>
      %add3A_477 = vector.broadcast %select_n3A_462 : i32 to vector<16xi32>
      %add3A_478 = arith.addi %rem3A_464, %add3A_477 : vector<16xi32>
      %select_n3A_479 = arith.select %and3A_476, %add3A_478, %rem3A_464 : vector<16xi1>, vector<16xi32>
      %mul3A_480 = arith.constant 96 : i32
      %mul3A_481 = vector.broadcast %mul3A_480 : i32 to vector<16xi32>
      %mul3A_482 = arith.muli %select_n3A_241, %mul3A_481 : vector<16xi32>
      %add3A_483 = arith.addi %mul3A_482, %select_n3A_479 : vector<16xi32>
      %jit3A_484 = arith.constant 200 : i32
      %eq3A_485 = arith.constant 0 : i32
      %eq3A_486 = arith.cmpi eq, %jit3A_484, %eq3A_485 : i32
      %jit3A_487 = arith.constant 1 : i32
      %select_n3A_488 = arith.select %eq3A_486, %jit3A_487, %jit3A_484 : i32
      %rem3A_489 = vector.broadcast %select_n3A_488 : i32 to vector<16xi32>
      %rem3A_490 = arith.remui %add3A_483, %rem3A_489 : vector<16xi32>
      %ne3A_491 = arith.constant 0 : i32
      %ne3A_492 = vector.broadcast %ne3A_491 : i32 to vector<16xi32>
      %ne3A_493 = arith.cmpi ne, %rem3A_490, %ne3A_492 : vector<16xi32>
      %lt3A_494 = arith.constant 0 : i32
      %lt3A_495 = vector.broadcast %lt3A_494 : i32 to vector<16xi32>
      %lt3A_496 = arith.cmpi ult, %rem3A_490, %lt3A_495 : vector<16xi32>
      %lt3A_497 = arith.constant 0 : i32
      %lt3A_498 = arith.cmpi ult, %select_n3A_488, %lt3A_497 : i32
      %ne3A_499 = vector.broadcast %lt3A_498 : i1 to vector<16xi1>
      %ne3A_500 = vector.broadcast %ne3A_499 : vector<16xi1> to vector<16xi1>
      %ne3A_501 = arith.xori %lt3A_496, %ne3A_500 : vector<16xi1>
      %and3A_502 = arith.andi %ne3A_501, %ne3A_493 : vector<16xi1>
      %add3A_503 = vector.broadcast %select_n3A_488 : i32 to vector<16xi32>
      %add3A_504 = arith.addi %rem3A_490, %add3A_503 : vector<16xi32>
      %select_n3A_505 = arith.select %and3A_502, %add3A_504, %rem3A_490 : vector<16xi1>, vector<16xi32>
      %mul3A_506 = arith.constant 16 : i32
      %mul3A_507 = arith.muli %scan3A_10, %mul3A_506 : i32
      %mul3A_508 = arith.constant 128 : i32
      %mul3A_509 = arith.muli %mul3A_507, %mul3A_508 : i32
      %mul3A_510 = arith.constant 128 : i32
      %mul3A_511 = vector.broadcast %mul3A_510 : i32 to vector<16xi32>
      %mul3A_512 = arith.muli %iota3A, %mul3A_511 : vector<16xi32>
      %add3A_513 = vector.broadcast %mul3A_509 : i32 to vector<16xi32>
      %add3A_514 = arith.addi %add3A_513, %mul3A_512 : vector<16xi32>
      tpu.vector_store_idx %arg3[%add3A_514], %select_n3A_505 : memref<65536xi32, #tpu.memory_space<vmem>>[vector<16xi32>], vector<16xi32>,
      %scan3A_515 = arith.constant 1 : i32
      %scan3A_516 = arith.addi %scan3A_10, %scan3A_515 : i32
      %mul3A_517 = arith.constant 16 : i32
      %mul3A_518 = arith.muli %scan3A_516, %mul3A_517 : i32
      %add3A_519 = arith.addi %mul3A_2, %mul3A_518 : i32
      %broadcast_in_dim3A_520 = vector.broadcast %add3A_519 : i32 to vector<16xi32>
      %add3A_521 = arith.addi %broadcast_in_dim3A_520, %iota3A : vector<16xi32>
      %broadcast_in_dim3A_522 = arith.constant -1107590415 : i32
      %broadcast_in_dim3A_523 = vector.broadcast %broadcast_in_dim3A_522 : i32 to vector<16xi32>
      %add3A_524 = arith.constant 129218101 : i32
      %add3A_525 = vector.broadcast %add3A_524 : i32 to vector<16xi32>
      %add3A_526 = arith.addi %add3A_521, %add3A_525 : vector<16xi32>
      %add3A_527 = arith.addi %broadcast_in_dim3A_523, %add3A_526 : vector<16xi32>
      %shift_left3A_528 = arith.constant 13 : i32
      %shift_left3A_529 = vector.broadcast %shift_left3A_528 : i32 to vector<16xi32>
      %shift_left3A_530 = arith.shli %add3A_526, %shift_left3A_529 : vector<16xi32>
      %shift_right_logical3A_531 = arith.constant 19 : i32
      %shift_right_logical3A_532 = vector.broadcast %shift_right_logical3A_531 : i32 to vector<16xi32>
      %shift_right_logical3A_533 = arith.shrui %add3A_526, %shift_right_logical3A_532 : vector<16xi32>
      %or3A_534 = arith.ori %shift_left3A_530, %shift_right_logical3A_533 : vector<16xi32>
      %xor3A_535 = arith.xori %or3A_534, %add3A_527 : vector<16xi32>
      %add3A_536 = arith.addi %add3A_527, %xor3A_535 : vector<16xi32>
      %shift_left3A_537 = arith.constant 15 : i32
      %shift_left3A_538 = vector.broadcast %shift_left3A_537 : i32 to vector<16xi32>
      %shift_left3A_539 = arith.shli %xor3A_535, %shift_left3A_538 : vector<16xi32>
      %shift_right_logical3A_540 = arith.constant 17 : i32
      %shift_right_logical3A_541 = vector.broadcast %shift_right_logical3A_540 : i32 to vector<16xi32>
      %shift_right_logical3A_542 = arith.shrui %xor3A_535, %shift_right_logical3A_541 : vector<16xi32>
      %or3A_543 = arith.ori %shift_left3A_539, %shift_right_logical3A_542 : vector<16xi32>
      %xor3A_544 = arith.xori %or3A_543, %add3A_536 : vector<16xi32>
      %add3A_545 = arith.addi %add3A_536, %xor3A_544 : vector<16xi32>
      %shift_left3A_546 = arith.constant 26 : i32
      %shift_left3A_547 = vector.broadcast %shift_left3A_546 : i32 to vector<16xi32>
      %shift_left3A_548 = arith.shli %xor3A_544, %shift_left3A_547 : vector<16xi32>
      %shift_right_logical3A_549 = arith.constant 6 : i32
      %shift_right_logical3A_550 = vector.broadcast %shift_right_logical3A_549 : i32 to vector<16xi32>
      %shift_right_logical3A_551 = arith.shrui %xor3A_544, %shift_right_logical3A_550 : vector<16xi32>
      %or3A_552 = arith.ori %shift_left3A_548, %shift_right_logical3A_551 : vector<16xi32>
      %xor3A_553 = arith.xori %or3A_552, %add3A_545 : vector<16xi32>
      %add3A_554 = arith.addi %add3A_545, %xor3A_553 : vector<16xi32>
      %shift_left3A_555 = arith.constant 6 : i32
      %shift_left3A_556 = vector.broadcast %shift_left3A_555 : i32 to vector<16xi32>
      %shift_left3A_557 = arith.shli %xor3A_553, %shift_left3A_556 : vector<16xi32>
      %shift_right_logical3A_558 = arith.constant 26 : i32
      %shift_right_logical3A_559 = vector.broadcast %shift_right_logical3A_558 : i32 to vector<16xi32>
      %shift_right_logical3A_560 = arith.shrui %xor3A_553, %shift_right_logical3A_559 : vector<16xi32>
      %or3A_561 = arith.ori %shift_left3A_557, %shift_right_logical3A_560 : vector<16xi32>
      %xor3A_562 = arith.xori %or3A_561, %add3A_554 : vector<16xi32>
      %add3A_563 = arith.constant 129218101 : i32
      %add3A_564 = vector.broadcast %add3A_563 : i32 to vector<16xi32>
      %add3A_565 = arith.addi %add3A_554, %add3A_564 : vector<16xi32>
      %add3A_566 = arith.constant -1583796449 : i32
      %add3A_567 = vector.broadcast %add3A_566 : i32 to vector<16xi32>
      %add3A_568 = arith.addi %xor3A_562, %add3A_567 : vector<16xi32>
      %add3A_569 = arith.addi %add3A_565, %add3A_568 : vector<16xi32>
      %shift_left3A_570 = arith.constant 17 : i32
      %shift_left3A_571 = vector.broadcast %shift_left3A_570 : i32 to vector<16xi32>
      %shift_left3A_572 = arith.shli %add3A_568, %shift_left3A_571 : vector<16xi32>
      %shift_right_logical3A_573 = arith.constant 15 : i32
      %shift_right_logical3A_574 = vector.broadcast %shift_right_logical3A_573 : i32 to vector<16xi32>
      %shift_right_logical3A_575 = arith.shrui %add3A_568, %shift_right_logical3A_574 : vector<16xi32>
      %or3A_576 = arith.ori %shift_left3A_572, %shift_right_logical3A_575 : vector<16xi32>
      %xor3A_577 = arith.xori %or3A_576, %add3A_569 : vector<16xi32>
      %add3A_578 = arith.addi %add3A_569, %xor3A_577 : vector<16xi32>
      %shift_left3A_579 = arith.constant 29 : i32
      %shift_left3A_580 = vector.broadcast %shift_left3A_579 : i32 to vector<16xi32>
      %shift_left3A_581 = arith.shli %xor3A_577, %shift_left3A_580 : vector<16xi32>
      %shift_right_logical3A_582 = arith.constant 3 : i32
      %shift_right_logical3A_583 = vector.broadcast %shift_right_logical3A_582 : i32 to vector<16xi32>
      %shift_right_logical3A_584 = arith.shrui %xor3A_577, %shift_right_logical3A_583 : vector<16xi32>
      %or3A_585 = arith.ori %shift_left3A_581, %shift_right_logical3A_584 : vector<16xi32>
      %xor3A_586 = arith.xori %or3A_585, %add3A_578 : vector<16xi32>
      %add3A_587 = arith.addi %add3A_578, %xor3A_586 : vector<16xi32>
      %shift_left3A_588 = arith.constant 16 : i32
      %shift_left3A_589 = vector.broadcast %shift_left3A_588 : i32 to vector<16xi32>
      %shift_left3A_590 = arith.shli %xor3A_586, %shift_left3A_589 : vector<16xi32>
      %shift_right_logical3A_591 = arith.constant 16 : i32
      %shift_right_logical3A_592 = vector.broadcast %shift_right_logical3A_591 : i32 to vector<16xi32>
      %shift_right_logical3A_593 = arith.shrui %xor3A_586, %shift_right_logical3A_592 : vector<16xi32>
      %or3A_594 = arith.ori %shift_left3A_590, %shift_right_logical3A_593 : vector<16xi32>
      %xor3A_595 = arith.xori %or3A_594, %add3A_587 : vector<16xi32>
      %add3A_596 = arith.addi %add3A_587, %xor3A_595 : vector<16xi32>
      %shift_left3A_597 = arith.constant 24 : i32
      %shift_left3A_598 = vector.broadcast %shift_left3A_597 : i32 to vector<16xi32>
      %shift_left3A_599 = arith.shli %xor3A_595, %shift_left3A_598 : vector<16xi32>
      %shift_right_logical3A_600 = arith.constant 8 : i32
      %shift_right_logical3A_601 = vector.broadcast %shift_right_logical3A_600 : i32 to vector<16xi32>
      %shift_right_logical3A_602 = arith.shrui %xor3A_595, %shift_right_logical3A_601 : vector<16xi32>
      %or3A_603 = arith.ori %shift_left3A_599, %shift_right_logical3A_602 : vector<16xi32>
      %xor3A_604 = arith.xori %or3A_603, %add3A_596 : vector<16xi32>
      %add3A_605 = arith.constant -1583796450 : i32
      %add3A_606 = vector.broadcast %add3A_605 : i32 to vector<16xi32>
      %add3A_607 = arith.addi %add3A_596, %add3A_606 : vector<16xi32>
      %add3A_608 = arith.constant -1107590413 : i32
      %add3A_609 = vector.broadcast %add3A_608 : i32 to vector<16xi32>
      %add3A_610 = arith.addi %xor3A_604, %add3A_609 : vector<16xi32>
      %add3A_611 = arith.addi %add3A_607, %add3A_610 : vector<16xi32>
      %shift_left3A_612 = arith.constant 13 : i32
      %shift_left3A_613 = vector.broadcast %shift_left3A_612 : i32 to vector<16xi32>
      %shift_left3A_614 = arith.shli %add3A_610, %shift_left3A_613 : vector<16xi32>
      %shift_right_logical3A_615 = arith.constant 19 : i32
      %shift_right_logical3A_616 = vector.broadcast %shift_right_logical3A_615 : i32 to vector<16xi32>
      %shift_right_logical3A_617 = arith.shrui %add3A_610, %shift_right_logical3A_616 : vector<16xi32>
      %or3A_618 = arith.ori %shift_left3A_614, %shift_right_logical3A_617 : vector<16xi32>
      %xor3A_619 = arith.xori %or3A_618, %add3A_611 : vector<16xi32>
      %add3A_620 = arith.addi %add3A_611, %xor3A_619 : vector<16xi32>
      %shift_left3A_621 = arith.constant 15 : i32
      %shift_left3A_622 = vector.broadcast %shift_left3A_621 : i32 to vector<16xi32>
      %shift_left3A_623 = arith.shli %xor3A_619, %shift_left3A_622 : vector<16xi32>
      %shift_right_logical3A_624 = arith.constant 17 : i32
      %shift_right_logical3A_625 = vector.broadcast %shift_right_logical3A_624 : i32 to vector<16xi32>
      %shift_right_logical3A_626 = arith.shrui %xor3A_619, %shift_right_logical3A_625 : vector<16xi32>
      %or3A_627 = arith.ori %shift_left3A_623, %shift_right_logical3A_626 : vector<16xi32>
      %xor3A_628 = arith.xori %or3A_627, %add3A_620 : vector<16xi32>
      %add3A_629 = arith.addi %add3A_620, %xor3A_628 : vector<16xi32>
      %shift_left3A_630 = arith.constant 26 : i32
      %shift_left3A_631 = vector.broadcast %shift_left3A_630 : i32 to vector<16xi32>
      %shift_left3A_632 = arith.shli %xor3A_628, %shift_left3A_631 : vector<16xi32>
      %shift_right_logical3A_633 = arith.constant 6 : i32
      %shift_right_logical3A_634 = vector.broadcast %shift_right_logical3A_633 : i32 to vector<16xi32>
      %shift_right_logical3A_635 = arith.shrui %xor3A_628, %shift_right_logical3A_634 : vector<16xi32>
      %or3A_636 = arith.ori %shift_left3A_632, %shift_right_logical3A_635 : vector<16xi32>
      %xor3A_637 = arith.xori %or3A_636, %add3A_629 : vector<16xi32>
      %add3A_638 = arith.addi %add3A_629, %xor3A_637 : vector<16xi32>
      %shift_left3A_639 = arith.constant 6 : i32
      %shift_left3A_640 = vector.broadcast %shift_left3A_639 : i32 to vector<16xi32>
      %shift_left3A_641 = arith.shli %xor3A_637, %shift_left3A_640 : vector<16xi32>
      %shift_right_logical3A_642 = arith.constant 26 : i32
      %shift_right_logical3A_643 = vector.broadcast %shift_right_logical3A_642 : i32 to vector<16xi32>
      %shift_right_logical3A_644 = arith.shrui %xor3A_637, %shift_right_logical3A_643 : vector<16xi32>
      %or3A_645 = arith.ori %shift_left3A_641, %shift_right_logical3A_644 : vector<16xi32>
      %xor3A_646 = arith.xori %or3A_645, %add3A_638 : vector<16xi32>
      %add3A_647 = arith.constant -1107590415 : i32
      %add3A_648 = vector.broadcast %add3A_647 : i32 to vector<16xi32>
      %add3A_649 = arith.addi %add3A_638, %add3A_648 : vector<16xi32>
      %add3A_650 = arith.constant 129218104 : i32
      %add3A_651 = vector.broadcast %add3A_650 : i32 to vector<16xi32>
      %add3A_652 = arith.addi %xor3A_646, %add3A_651 : vector<16xi32>
      %add3A_653 = arith.addi %add3A_649, %add3A_652 : vector<16xi32>
      %shift_left3A_654 = arith.constant 17 : i32
      %shift_left3A_655 = vector.broadcast %shift_left3A_654 : i32 to vector<16xi32>
      %shift_left3A_656 = arith.shli %add3A_652, %shift_left3A_655 : vector<16xi32>
      %shift_right_logical3A_657 = arith.constant 15 : i32
      %shift_right_logical3A_658 = vector.broadcast %shift_right_logical3A_657 : i32 to vector<16xi32>
      %shift_right_logical3A_659 = arith.shrui %add3A_652, %shift_right_logical3A_658 : vector<16xi32>
      %or3A_660 = arith.ori %shift_left3A_656, %shift_right_logical3A_659 : vector<16xi32>
      %xor3A_661 = arith.xori %or3A_660, %add3A_653 : vector<16xi32>
      %add3A_662 = arith.addi %add3A_653, %xor3A_661 : vector<16xi32>
      %shift_left3A_663 = arith.constant 29 : i32
      %shift_left3A_664 = vector.broadcast %shift_left3A_663 : i32 to vector<16xi32>
      %shift_left3A_665 = arith.shli %xor3A_661, %shift_left3A_664 : vector<16xi32>
      %shift_right_logical3A_666 = arith.constant 3 : i32
      %shift_right_logical3A_667 = vector.broadcast %shift_right_logical3A_666 : i32 to vector<16xi32>
      %shift_right_logical3A_668 = arith.shrui %xor3A_661, %shift_right_logical3A_667 : vector<16xi32>
      %or3A_669 = arith.ori %shift_left3A_665, %shift_right_logical3A_668 : vector<16xi32>
      %xor3A_670 = arith.xori %or3A_669, %add3A_662 : vector<16xi32>
      %add3A_671 = arith.addi %add3A_662, %xor3A_670 : vector<16xi32>
      %shift_left3A_672 = arith.constant 16 : i32
      %shift_left3A_673 = vector.broadcast %shift_left3A_672 : i32 to vector<16xi32>
      %shift_left3A_674 = arith.shli %xor3A_670, %shift_left3A_673 : vector<16xi32>
      %shift_right_logical3A_675 = arith.constant 16 : i32
      %shift_right_logical3A_676 = vector.broadcast %shift_right_logical3A_675 : i32 to vector<16xi32>
      %shift_right_logical3A_677 = arith.shrui %xor3A_670, %shift_right_logical3A_676 : vector<16xi32>
      %or3A_678 = arith.ori %shift_left3A_674, %shift_right_logical3A_677 : vector<16xi32>
      %xor3A_679 = arith.xori %or3A_678, %add3A_671 : vector<16xi32>
      %add3A_680 = arith.addi %add3A_671, %xor3A_679 : vector<16xi32>
      %shift_left3A_681 = arith.constant 24 : i32
      %shift_left3A_682 = vector.broadcast %shift_left3A_681 : i32 to vector<16xi32>
      %shift_left3A_683 = arith.shli %xor3A_679, %shift_left3A_682 : vector<16xi32>
      %shift_right_logical3A_684 = arith.constant 8 : i32
      %shift_right_logical3A_685 = vector.broadcast %shift_right_logical3A_684 : i32 to vector<16xi32>
      %shift_right_logical3A_686 = arith.shrui %xor3A_679, %shift_right_logical3A_685 : vector<16xi32>
      %or3A_687 = arith.ori %shift_left3A_683, %shift_right_logical3A_686 : vector<16xi32>
      %xor3A_688 = arith.xori %or3A_687, %add3A_680 : vector<16xi32>
      %add3A_689 = arith.constant 129218101 : i32
      %add3A_690 = vector.broadcast %add3A_689 : i32 to vector<16xi32>
      %add3A_691 = arith.addi %add3A_680, %add3A_690 : vector<16xi32>
      %add3A_692 = arith.constant -1583796446 : i32
      %add3A_693 = vector.broadcast %add3A_692 : i32 to vector<16xi32>
      %add3A_694 = arith.addi %xor3A_688, %add3A_693 : vector<16xi32>
      %add3A_695 = arith.addi %add3A_691, %add3A_694 : vector<16xi32>
      %shift_left3A_696 = arith.constant 13 : i32
      %shift_left3A_697 = vector.broadcast %shift_left3A_696 : i32 to vector<16xi32>
      %shift_left3A_698 = arith.shli %add3A_694, %shift_left3A_697 : vector<16xi32>
      %shift_right_logical3A_699 = arith.constant 19 : i32
      %shift_right_logical3A_700 = vector.broadcast %shift_right_logical3A_699 : i32 to vector<16xi32>
      %shift_right_logical3A_701 = arith.shrui %add3A_694, %shift_right_logical3A_700 : vector<16xi32>
      %or3A_702 = arith.ori %shift_left3A_698, %shift_right_logical3A_701 : vector<16xi32>
      %xor3A_703 = arith.xori %or3A_702, %add3A_695 : vector<16xi32>
      %add3A_704 = arith.addi %add3A_695, %xor3A_703 : vector<16xi32>
      %shift_left3A_705 = arith.constant 15 : i32
      %shift_left3A_706 = vector.broadcast %shift_left3A_705 : i32 to vector<16xi32>
      %shift_left3A_707 = arith.shli %xor3A_703, %shift_left3A_706 : vector<16xi32>
      %shift_right_logical3A_708 = arith.constant 17 : i32
      %shift_right_logical3A_709 = vector.broadcast %shift_right_logical3A_708 : i32 to vector<16xi32>
      %shift_right_logical3A_710 = arith.shrui %xor3A_703, %shift_right_logical3A_709 : vector<16xi32>
      %or3A_711 = arith.ori %shift_left3A_707, %shift_right_logical3A_710 : vector<16xi32>
      %xor3A_712 = arith.xori %or3A_711, %add3A_704 : vector<16xi32>
      %add3A_713 = arith.addi %add3A_704, %xor3A_712 : vector<16xi32>
      %shift_left3A_714 = arith.constant 26 : i32
      %shift_left3A_715 = vector.broadcast %shift_left3A_714 : i32 to vector<16xi32>
      %shift_left3A_716 = arith.shli %xor3A_712, %shift_left3A_715 : vector<16xi32>
      %shift_right_logical3A_717 = arith.constant 6 : i32
      %shift_right_logical3A_718 = vector.broadcast %shift_right_logical3A_717 : i32 to vector<16xi32>
      %shift_right_logical3A_719 = arith.shrui %xor3A_712, %shift_right_logical3A_718 : vector<16xi32>
      %or3A_720 = arith.ori %shift_left3A_716, %shift_right_logical3A_719 : vector<16xi32>
      %xor3A_721 = arith.xori %or3A_720, %add3A_713 : vector<16xi32>
      %add3A_722 = arith.addi %add3A_713, %xor3A_721 : vector<16xi32>
      %shift_left3A_723 = arith.constant 6 : i32
      %shift_left3A_724 = vector.broadcast %shift_left3A_723 : i32 to vector<16xi32>
      %shift_left3A_725 = arith.shli %xor3A_721, %shift_left3A_724 : vector<16xi32>
      %shift_right_logical3A_726 = arith.constant 26 : i32
      %shift_right_logical3A_727 = vector.broadcast %shift_right_logical3A_726 : i32 to vector<16xi32>
      %shift_right_logical3A_728 = arith.shrui %xor3A_721, %shift_right_logical3A_727 : vector<16xi32>
      %or3A_729 = arith.ori %shift_left3A_725, %shift_right_logical3A_728 : vector<16xi32>
      %xor3A_730 = arith.xori %or3A_729, %add3A_722 : vector<16xi32>
      %add3A_731 = arith.constant -1583796450 : i32
      %add3A_732 = vector.broadcast %add3A_731 : i32 to vector<16xi32>
      %add3A_733 = arith.addi %add3A_722, %add3A_732 : vector<16xi32>
      %add3A_734 = arith.constant -1107590410 : i32
      %add3A_735 = vector.broadcast %add3A_734 : i32 to vector<16xi32>
      %add3A_736 = arith.addi %xor3A_730, %add3A_735 : vector<16xi32>
      %xor3A_737 = arith.xori %add3A_733, %add3A_736 : vector<16xi32>
      %jit3A_738 = arith.constant 200 : i32
      %eq3A_739 = arith.constant 0 : i32
      %eq3A_740 = arith.cmpi eq, %jit3A_738, %eq3A_739 : i32
      %jit3A_741 = arith.constant 1 : i32
      %select_n3A_742 = arith.select %eq3A_740, %jit3A_741, %jit3A_738 : i32
      %rem3A_743 = vector.broadcast %select_n3A_742 : i32 to vector<16xi32>
      %rem3A_744 = arith.remui %xor3A_737, %rem3A_743 : vector<16xi32>
      %ne3A_745 = arith.constant 0 : i32
      %ne3A_746 = vector.broadcast %ne3A_745 : i32 to vector<16xi32>
      %ne3A_747 = arith.cmpi ne, %rem3A_744, %ne3A_746 : vector<16xi32>
      %lt3A_748 = arith.constant 0 : i32
      %lt3A_749 = vector.broadcast %lt3A_748 : i32 to vector<16xi32>
      %lt3A_750 = arith.cmpi ult, %rem3A_744, %lt3A_749 : vector<16xi32>
      %lt3A_751 = arith.constant 0 : i32
      %lt3A_752 = arith.cmpi ult, %select_n3A_742, %lt3A_751 : i32
      %ne3A_753 = vector.broadcast %lt3A_752 : i1 to vector<16xi1>
      %ne3A_754 = vector.broadcast %ne3A_753 : vector<16xi1> to vector<16xi1>
      %ne3A_755 = arith.xori %lt3A_750, %ne3A_754 : vector<16xi1>
      %and3A_756 = arith.andi %ne3A_755, %ne3A_747 : vector<16xi1>
      %add3A_757 = vector.broadcast %select_n3A_742 : i32 to vector<16xi32>
      %add3A_758 = arith.addi %rem3A_744, %add3A_757 : vector<16xi32>
      %select_n3A_759 = arith.select %and3A_756, %add3A_758, %rem3A_744 : vector<16xi1>, vector<16xi32>
      %broadcast_in_dim3A_760 = arith.constant -1944951124 : i32
      %broadcast_in_dim3A_761 = vector.broadcast %broadcast_in_dim3A_760 : i32 to vector<16xi32>
      %add3A_762 = arith.constant 1168365246 : i32
      %add3A_763 = vector.broadcast %add3A_762 : i32 to vector<16xi32>
      %add3A_764 = arith.addi %add3A_521, %add3A_763 : vector<16xi32>
      %add3A_765 = arith.addi %broadcast_in_dim3A_761, %add3A_764 : vector<16xi32>
      %shift_left3A_766 = arith.constant 13 : i32
      %shift_left3A_767 = vector.broadcast %shift_left3A_766 : i32 to vector<16xi32>
      %shift_left3A_768 = arith.shli %add3A_764, %shift_left3A_767 : vector<16xi32>
      %shift_right_logical3A_769 = arith.constant 19 : i32
      %shift_right_logical3A_770 = vector.broadcast %shift_right_logical3A_769 : i32 to vector<16xi32>
      %shift_right_logical3A_771 = arith.shrui %add3A_764, %shift_right_logical3A_770 : vector<16xi32>
      %or3A_772 = arith.ori %shift_left3A_768, %shift_right_logical3A_771 : vector<16xi32>
      %xor3A_773 = arith.xori %or3A_772, %add3A_765 : vector<16xi32>
      %add3A_774 = arith.addi %add3A_765, %xor3A_773 : vector<16xi32>
      %shift_left3A_775 = arith.constant 15 : i32
      %shift_left3A_776 = vector.broadcast %shift_left3A_775 : i32 to vector<16xi32>
      %shift_left3A_777 = arith.shli %xor3A_773, %shift_left3A_776 : vector<16xi32>
      %shift_right_logical3A_778 = arith.constant 17 : i32
      %shift_right_logical3A_779 = vector.broadcast %shift_right_logical3A_778 : i32 to vector<16xi32>
      %shift_right_logical3A_780 = arith.shrui %xor3A_773, %shift_right_logical3A_779 : vector<16xi32>
      %or3A_781 = arith.ori %shift_left3A_777, %shift_right_logical3A_780 : vector<16xi32>
      %xor3A_782 = arith.xori %or3A_781, %add3A_774 : vector<16xi32>
      %add3A_783 = arith.addi %add3A_774, %xor3A_782 : vector<16xi32>
      %shift_left3A_784 = arith.constant 26 : i32
      %shift_left3A_785 = vector.broadcast %shift_left3A_784 : i32 to vector<16xi32>
      %shift_left3A_786 = arith.shli %xor3A_782, %shift_left3A_785 : vector<16xi32>
      %shift_right_logical3A_787 = arith.constant 6 : i32
      %shift_right_logical3A_788 = vector.broadcast %shift_right_logical3A_787 : i32 to vector<16xi32>
      %shift_right_logical3A_789 = arith.shrui %xor3A_782, %shift_right_logical3A_788 : vector<16xi32>
      %or3A_790 = arith.ori %shift_left3A_786, %shift_right_logical3A_789 : vector<16xi32>
      %xor3A_791 = arith.xori %or3A_790, %add3A_783 : vector<16xi32>
      %add3A_792 = arith.addi %add3A_783, %xor3A_791 : vector<16xi32>
      %shift_left3A_793 = arith.constant 6 : i32
      %shift_left3A_794 = vector.broadcast %shift_left3A_793 : i32 to vector<16xi32>
      %shift_left3A_795 = arith.shli %xor3A_791, %shift_left3A_794 : vector<16xi32>
      %shift_right_logical3A_796 = arith.constant 26 : i32
      %shift_right_logical3A_797 = vector.broadcast %shift_right_logical3A_796 : i32 to vector<16xi32>
      %shift_right_logical3A_798 = arith.shrui %xor3A_791, %shift_right_logical3A_797 : vector<16xi32>
      %or3A_799 = arith.ori %shift_left3A_795, %shift_right_logical3A_798 : vector<16xi32>
      %xor3A_800 = arith.xori %or3A_799, %add3A_792 : vector<16xi32>
      %add3A_801 = arith.constant 1168365246 : i32
      %add3A_802 = vector.broadcast %add3A_801 : i32 to vector<16xi32>
      %add3A_803 = arith.addi %add3A_792, %add3A_802 : vector<16xi32>
      %add3A_804 = arith.constant -765416503 : i32
      %add3A_805 = vector.broadcast %add3A_804 : i32 to vector<16xi32>
      %add3A_806 = arith.addi %xor3A_800, %add3A_805 : vector<16xi32>
      %add3A_807 = arith.addi %add3A_803, %add3A_806 : vector<16xi32>
      %shift_left3A_808 = arith.constant 17 : i32
      %shift_left3A_809 = vector.broadcast %shift_left3A_808 : i32 to vector<16xi32>
      %shift_left3A_810 = arith.shli %add3A_806, %shift_left3A_809 : vector<16xi32>
      %shift_right_logical3A_811 = arith.constant 15 : i32
      %shift_right_logical3A_812 = vector.broadcast %shift_right_logical3A_811 : i32 to vector<16xi32>
      %shift_right_logical3A_813 = arith.shrui %add3A_806, %shift_right_logical3A_812 : vector<16xi32>
      %or3A_814 = arith.ori %shift_left3A_810, %shift_right_logical3A_813 : vector<16xi32>
      %xor3A_815 = arith.xori %or3A_814, %add3A_807 : vector<16xi32>
      %add3A_816 = arith.addi %add3A_807, %xor3A_815 : vector<16xi32>
      %shift_left3A_817 = arith.constant 29 : i32
      %shift_left3A_818 = vector.broadcast %shift_left3A_817 : i32 to vector<16xi32>
      %shift_left3A_819 = arith.shli %xor3A_815, %shift_left3A_818 : vector<16xi32>
      %shift_right_logical3A_820 = arith.constant 3 : i32
      %shift_right_logical3A_821 = vector.broadcast %shift_right_logical3A_820 : i32 to vector<16xi32>
      %shift_right_logical3A_822 = arith.shrui %xor3A_815, %shift_right_logical3A_821 : vector<16xi32>
      %or3A_823 = arith.ori %shift_left3A_819, %shift_right_logical3A_822 : vector<16xi32>
      %xor3A_824 = arith.xori %or3A_823, %add3A_816 : vector<16xi32>
      %add3A_825 = arith.addi %add3A_816, %xor3A_824 : vector<16xi32>
      %shift_left3A_826 = arith.constant 16 : i32
      %shift_left3A_827 = vector.broadcast %shift_left3A_826 : i32 to vector<16xi32>
      %shift_left3A_828 = arith.shli %xor3A_824, %shift_left3A_827 : vector<16xi32>
      %shift_right_logical3A_829 = arith.constant 16 : i32
      %shift_right_logical3A_830 = vector.broadcast %shift_right_logical3A_829 : i32 to vector<16xi32>
      %shift_right_logical3A_831 = arith.shrui %xor3A_824, %shift_right_logical3A_830 : vector<16xi32>
      %or3A_832 = arith.ori %shift_left3A_828, %shift_right_logical3A_831 : vector<16xi32>
      %xor3A_833 = arith.xori %or3A_832, %add3A_825 : vector<16xi32>
      %add3A_834 = arith.addi %add3A_825, %xor3A_833 : vector<16xi32>
      %shift_left3A_835 = arith.constant 24 : i32
      %shift_left3A_836 = vector.broadcast %shift_left3A_835 : i32 to vector<16xi32>
      %shift_left3A_837 = arith.shli %xor3A_833, %shift_left3A_836 : vector<16xi32>
      %shift_right_logical3A_838 = arith.constant 8 : i32
      %shift_right_logical3A_839 = vector.broadcast %shift_right_logical3A_838 : i32 to vector<16xi32>
      %shift_right_logical3A_840 = arith.shrui %xor3A_833, %shift_right_logical3A_839 : vector<16xi32>
      %or3A_841 = arith.ori %shift_left3A_837, %shift_right_logical3A_840 : vector<16xi32>
      %xor3A_842 = arith.xori %or3A_841, %add3A_834 : vector<16xi32>
      %add3A_843 = arith.constant -765416504 : i32
      %add3A_844 = vector.broadcast %add3A_843 : i32 to vector<16xi32>
      %add3A_845 = arith.addi %add3A_834, %add3A_844 : vector<16xi32>
      %add3A_846 = arith.constant -1944951122 : i32
      %add3A_847 = vector.broadcast %add3A_846 : i32 to vector<16xi32>
      %add3A_848 = arith.addi %xor3A_842, %add3A_847 : vector<16xi32>
      %add3A_849 = arith.addi %add3A_845, %add3A_848 : vector<16xi32>
      %shift_left3A_850 = arith.constant 13 : i32
      %shift_left3A_851 = vector.broadcast %shift_left3A_850 : i32 to vector<16xi32>
      %shift_left3A_852 = arith.shli %add3A_848, %shift_left3A_851 : vector<16xi32>
      %shift_right_logical3A_853 = arith.constant 19 : i32
      %shift_right_logical3A_854 = vector.broadcast %shift_right_logical3A_853 : i32 to vector<16xi32>
      %shift_right_logical3A_855 = arith.shrui %add3A_848, %shift_right_logical3A_854 : vector<16xi32>
      %or3A_856 = arith.ori %shift_left3A_852, %shift_right_logical3A_855 : vector<16xi32>
      %xor3A_857 = arith.xori %or3A_856, %add3A_849 : vector<16xi32>
      %add3A_858 = arith.addi %add3A_849, %xor3A_857 : vector<16xi32>
      %shift_left3A_859 = arith.constant 15 : i32
      %shift_left3A_860 = vector.broadcast %shift_left3A_859 : i32 to vector<16xi32>
      %shift_left3A_861 = arith.shli %xor3A_857, %shift_left3A_860 : vector<16xi32>
      %shift_right_logical3A_862 = arith.constant 17 : i32
      %shift_right_logical3A_863 = vector.broadcast %shift_right_logical3A_862 : i32 to vector<16xi32>
      %shift_right_logical3A_864 = arith.shrui %xor3A_857, %shift_right_logical3A_863 : vector<16xi32>
      %or3A_865 = arith.ori %shift_left3A_861, %shift_right_logical3A_864 : vector<16xi32>
      %xor3A_866 = arith.xori %or3A_865, %add3A_858 : vector<16xi32>
      %add3A_867 = arith.addi %add3A_858, %xor3A_866 : vector<16xi32>
      %shift_left3A_868 = arith.constant 26 : i32
      %shift_left3A_869 = vector.broadcast %shift_left3A_868 : i32 to vector<16xi32>
      %shift_left3A_870 = arith.shli %xor3A_866, %shift_left3A_869 : vector<16xi32>
      %shift_right_logical3A_871 = arith.constant 6 : i32
      %shift_right_logical3A_872 = vector.broadcast %shift_right_logical3A_871 : i32 to vector<16xi32>
      %shift_right_logical3A_873 = arith.shrui %xor3A_866, %shift_right_logical3A_872 : vector<16xi32>
      %or3A_874 = arith.ori %shift_left3A_870, %shift_right_logical3A_873 : vector<16xi32>
      %xor3A_875 = arith.xori %or3A_874, %add3A_867 : vector<16xi32>
      %add3A_876 = arith.addi %add3A_867, %xor3A_875 : vector<16xi32>
      %shift_left3A_877 = arith.constant 6 : i32
      %shift_left3A_878 = vector.broadcast %shift_left3A_877 : i32 to vector<16xi32>
      %shift_left3A_879 = arith.shli %xor3A_875, %shift_left3A_878 : vector<16xi32>
      %shift_right_logical3A_880 = arith.constant 26 : i32
      %shift_right_logical3A_881 = vector.broadcast %shift_right_logical3A_880 : i32 to vector<16xi32>
      %shift_right_logical3A_882 = arith.shrui %xor3A_875, %shift_right_logical3A_881 : vector<16xi32>
      %or3A_883 = arith.ori %shift_left3A_879, %shift_right_logical3A_882 : vector<16xi32>
      %xor3A_884 = arith.xori %or3A_883, %add3A_876 : vector<16xi32>
      %add3A_885 = arith.constant -1944951124 : i32
      %add3A_886 = vector.broadcast %add3A_885 : i32 to vector<16xi32>
      %add3A_887 = arith.addi %add3A_876, %add3A_886 : vector<16xi32>
      %add3A_888 = arith.constant 1168365249 : i32
      %add3A_889 = vector.broadcast %add3A_888 : i32 to vector<16xi32>
      %add3A_890 = arith.addi %xor3A_884, %add3A_889 : vector<16xi32>
      %add3A_891 = arith.addi %add3A_887, %add3A_890 : vector<16xi32>
      %shift_left3A_892 = arith.constant 17 : i32
      %shift_left3A_893 = vector.broadcast %shift_left3A_892 : i32 to vector<16xi32>
      %shift_left3A_894 = arith.shli %add3A_890, %shift_left3A_893 : vector<16xi32>
      %shift_right_logical3A_895 = arith.constant 15 : i32
      %shift_right_logical3A_896 = vector.broadcast %shift_right_logical3A_895 : i32 to vector<16xi32>
      %shift_right_logical3A_897 = arith.shrui %add3A_890, %shift_right_logical3A_896 : vector<16xi32>
      %or3A_898 = arith.ori %shift_left3A_894, %shift_right_logical3A_897 : vector<16xi32>
      %xor3A_899 = arith.xori %or3A_898, %add3A_891 : vector<16xi32>
      %add3A_900 = arith.addi %add3A_891, %xor3A_899 : vector<16xi32>
      %shift_left3A_901 = arith.constant 29 : i32
      %shift_left3A_902 = vector.broadcast %shift_left3A_901 : i32 to vector<16xi32>
      %shift_left3A_903 = arith.shli %xor3A_899, %shift_left3A_902 : vector<16xi32>
      %shift_right_logical3A_904 = arith.constant 3 : i32
      %shift_right_logical3A_905 = vector.broadcast %shift_right_logical3A_904 : i32 to vector<16xi32>
      %shift_right_logical3A_906 = arith.shrui %xor3A_899, %shift_right_logical3A_905 : vector<16xi32>
      %or3A_907 = arith.ori %shift_left3A_903, %shift_right_logical3A_906 : vector<16xi32>
      %xor3A_908 = arith.xori %or3A_907, %add3A_900 : vector<16xi32>
      %add3A_909 = arith.addi %add3A_900, %xor3A_908 : vector<16xi32>
      %shift_left3A_910 = arith.constant 16 : i32
      %shift_left3A_911 = vector.broadcast %shift_left3A_910 : i32 to vector<16xi32>
      %shift_left3A_912 = arith.shli %xor3A_908, %shift_left3A_911 : vector<16xi32>
      %shift_right_logical3A_913 = arith.constant 16 : i32
      %shift_right_logical3A_914 = vector.broadcast %shift_right_logical3A_913 : i32 to vector<16xi32>
      %shift_right_logical3A_915 = arith.shrui %xor3A_908, %shift_right_logical3A_914 : vector<16xi32>
      %or3A_916 = arith.ori %shift_left3A_912, %shift_right_logical3A_915 : vector<16xi32>
      %xor3A_917 = arith.xori %or3A_916, %add3A_909 : vector<16xi32>
      %add3A_918 = arith.addi %add3A_909, %xor3A_917 : vector<16xi32>
      %shift_left3A_919 = arith.constant 24 : i32
      %shift_left3A_920 = vector.broadcast %shift_left3A_919 : i32 to vector<16xi32>
      %shift_left3A_921 = arith.shli %xor3A_917, %shift_left3A_920 : vector<16xi32>
      %shift_right_logical3A_922 = arith.constant 8 : i32
      %shift_right_logical3A_923 = vector.broadcast %shift_right_logical3A_922 : i32 to vector<16xi32>
      %shift_right_logical3A_924 = arith.shrui %xor3A_917, %shift_right_logical3A_923 : vector<16xi32>
      %or3A_925 = arith.ori %shift_left3A_921, %shift_right_logical3A_924 : vector<16xi32>
      %xor3A_926 = arith.xori %or3A_925, %add3A_918 : vector<16xi32>
      %add3A_927 = arith.constant 1168365246 : i32
      %add3A_928 = vector.broadcast %add3A_927 : i32 to vector<16xi32>
      %add3A_929 = arith.addi %add3A_918, %add3A_928 : vector<16xi32>
      %add3A_930 = arith.constant -765416500 : i32
      %add3A_931 = vector.broadcast %add3A_930 : i32 to vector<16xi32>
      %add3A_932 = arith.addi %xor3A_926, %add3A_931 : vector<16xi32>
      %add3A_933 = arith.addi %add3A_929, %add3A_932 : vector<16xi32>
      %shift_left3A_934 = arith.constant 13 : i32
      %shift_left3A_935 = vector.broadcast %shift_left3A_934 : i32 to vector<16xi32>
      %shift_left3A_936 = arith.shli %add3A_932, %shift_left3A_935 : vector<16xi32>
      %shift_right_logical3A_937 = arith.constant 19 : i32
      %shift_right_logical3A_938 = vector.broadcast %shift_right_logical3A_937 : i32 to vector<16xi32>
      %shift_right_logical3A_939 = arith.shrui %add3A_932, %shift_right_logical3A_938 : vector<16xi32>
      %or3A_940 = arith.ori %shift_left3A_936, %shift_right_logical3A_939 : vector<16xi32>
      %xor3A_941 = arith.xori %or3A_940, %add3A_933 : vector<16xi32>
      %add3A_942 = arith.addi %add3A_933, %xor3A_941 : vector<16xi32>
      %shift_left3A_943 = arith.constant 15 : i32
      %shift_left3A_944 = vector.broadcast %shift_left3A_943 : i32 to vector<16xi32>
      %shift_left3A_945 = arith.shli %xor3A_941, %shift_left3A_944 : vector<16xi32>
      %shift_right_logical3A_946 = arith.constant 17 : i32
      %shift_right_logical3A_947 = vector.broadcast %shift_right_logical3A_946 : i32 to vector<16xi32>
      %shift_right_logical3A_948 = arith.shrui %xor3A_941, %shift_right_logical3A_947 : vector<16xi32>
      %or3A_949 = arith.ori %shift_left3A_945, %shift_right_logical3A_948 : vector<16xi32>
      %xor3A_950 = arith.xori %or3A_949, %add3A_942 : vector<16xi32>
      %add3A_951 = arith.addi %add3A_942, %xor3A_950 : vector<16xi32>
      %shift_left3A_952 = arith.constant 26 : i32
      %shift_left3A_953 = vector.broadcast %shift_left3A_952 : i32 to vector<16xi32>
      %shift_left3A_954 = arith.shli %xor3A_950, %shift_left3A_953 : vector<16xi32>
      %shift_right_logical3A_955 = arith.constant 6 : i32
      %shift_right_logical3A_956 = vector.broadcast %shift_right_logical3A_955 : i32 to vector<16xi32>
      %shift_right_logical3A_957 = arith.shrui %xor3A_950, %shift_right_logical3A_956 : vector<16xi32>
      %or3A_958 = arith.ori %shift_left3A_954, %shift_right_logical3A_957 : vector<16xi32>
      %xor3A_959 = arith.xori %or3A_958, %add3A_951 : vector<16xi32>
      %add3A_960 = arith.addi %add3A_951, %xor3A_959 : vector<16xi32>
      %shift_left3A_961 = arith.constant 6 : i32
      %shift_left3A_962 = vector.broadcast %shift_left3A_961 : i32 to vector<16xi32>
      %shift_left3A_963 = arith.shli %xor3A_959, %shift_left3A_962 : vector<16xi32>
      %shift_right_logical3A_964 = arith.constant 26 : i32
      %shift_right_logical3A_965 = vector.broadcast %shift_right_logical3A_964 : i32 to vector<16xi32>
      %shift_right_logical3A_966 = arith.shrui %xor3A_959, %shift_right_logical3A_965 : vector<16xi32>
      %or3A_967 = arith.ori %shift_left3A_963, %shift_right_logical3A_966 : vector<16xi32>
      %xor3A_968 = arith.xori %or3A_967, %add3A_960 : vector<16xi32>
      %add3A_969 = arith.constant -765416504 : i32
      %add3A_970 = vector.broadcast %add3A_969 : i32 to vector<16xi32>
      %add3A_971 = arith.addi %add3A_960, %add3A_970 : vector<16xi32>
      %add3A_972 = arith.constant -1944951119 : i32
      %add3A_973 = vector.broadcast %add3A_972 : i32 to vector<16xi32>
      %add3A_974 = arith.addi %xor3A_968, %add3A_973 : vector<16xi32>
      %xor3A_975 = arith.xori %add3A_971, %add3A_974 : vector<16xi32>
      %jit3A_976 = arith.constant 200 : i32
      %eq3A_977 = arith.constant 0 : i32
      %eq3A_978 = arith.cmpi eq, %jit3A_976, %eq3A_977 : i32
      %jit3A_979 = arith.constant 1 : i32
      %select_n3A_980 = arith.select %eq3A_978, %jit3A_979, %jit3A_976 : i32
      %rem3A_981 = vector.broadcast %select_n3A_980 : i32 to vector<16xi32>
      %rem3A_982 = arith.remui %xor3A_975, %rem3A_981 : vector<16xi32>
      %ne3A_983 = arith.constant 0 : i32
      %ne3A_984 = vector.broadcast %ne3A_983 : i32 to vector<16xi32>
      %ne3A_985 = arith.cmpi ne, %rem3A_982, %ne3A_984 : vector<16xi32>
      %lt3A_986 = arith.constant 0 : i32
      %lt3A_987 = vector.broadcast %lt3A_986 : i32 to vector<16xi32>
      %lt3A_988 = arith.cmpi ult, %rem3A_982, %lt3A_987 : vector<16xi32>
      %lt3A_989 = arith.constant 0 : i32
      %lt3A_990 = arith.cmpi ult, %select_n3A_980, %lt3A_989 : i32
      %ne3A_991 = vector.broadcast %lt3A_990 : i1 to vector<16xi1>
      %ne3A_992 = vector.broadcast %ne3A_991 : vector<16xi1> to vector<16xi1>
      %ne3A_993 = arith.xori %lt3A_988, %ne3A_992 : vector<16xi1>
      %and3A_994 = arith.andi %ne3A_993, %ne3A_985 : vector<16xi1>
      %add3A_995 = vector.broadcast %select_n3A_980 : i32 to vector<16xi32>
      %add3A_996 = arith.addi %rem3A_982, %add3A_995 : vector<16xi32>
      %select_n3A_997 = arith.select %and3A_994, %add3A_996, %rem3A_982 : vector<16xi1>, vector<16xi32>
      %mul3A_998 = arith.constant 96 : i32
      %mul3A_999 = vector.broadcast %mul3A_998 : i32 to vector<16xi32>
      %mul3A_1000 = arith.muli %select_n3A_759, %mul3A_999 : vector<16xi32>
      %add3A_1001 = arith.addi %mul3A_1000, %select_n3A_997 : vector<16xi32>
      %jit3A_1002 = arith.constant 200 : i32
      %eq3A_1003 = arith.constant 0 : i32
      %eq3A_1004 = arith.cmpi eq, %jit3A_1002, %eq3A_1003 : i32
      %jit3A_1005 = arith.constant 1 : i32
      %select_n3A_1006 = arith.select %eq3A_1004, %jit3A_1005, %jit3A_1002 : i32
      %rem3A_1007 = vector.broadcast %select_n3A_1006 : i32 to vector<16xi32>
      %rem3A_1008 = arith.remui %add3A_1001, %rem3A_1007 : vector<16xi32>
      %ne3A_1009 = arith.constant 0 : i32
      %ne3A_1010 = vector.broadcast %ne3A_1009 : i32 to vector<16xi32>
      %ne3A_1011 = arith.cmpi ne, %rem3A_1008, %ne3A_1010 : vector<16xi32>
      %lt3A_1012 = arith.constant 0 : i32
      %lt3A_1013 = vector.broadcast %lt3A_1012 : i32 to vector<16xi32>
      %lt3A_1014 = arith.cmpi ult, %rem3A_1008, %lt3A_1013 : vector<16xi32>
      %lt3A_1015 = arith.constant 0 : i32
      %lt3A_1016 = arith.cmpi ult, %select_n3A_1006, %lt3A_1015 : i32
      %ne3A_1017 = vector.broadcast %lt3A_1016 : i1 to vector<16xi1>
      %ne3A_1018 = vector.broadcast %ne3A_1017 : vector<16xi1> to vector<16xi1>
      %ne3A_1019 = arith.xori %lt3A_1014, %ne3A_1018 : vector<16xi1>
      %and3A_1020 = arith.andi %ne3A_1019, %ne3A_1011 : vector<16xi1>
      %add3A_1021 = vector.broadcast %select_n3A_1006 : i32 to vector<16xi32>
      %add3A_1022 = arith.addi %rem3A_1008, %add3A_1021 : vector<16xi32>
      %select_n3A_1023 = arith.select %and3A_1020, %add3A_1022, %rem3A_1008 : vector<16xi1>, vector<16xi32>
      %mul3A_1024 = arith.constant 16 : i32
      %mul3A_1025 = arith.muli %scan3A_516, %mul3A_1024 : i32
      %mul3A_1026 = arith.constant 128 : i32
      %mul3A_1027 = arith.muli %mul3A_1025, %mul3A_1026 : i32
      %mul3A_1028 = arith.constant 128 : i32
      %mul3A_1029 = vector.broadcast %mul3A_1028 : i32 to vector<16xi32>
      %mul3A_1030 = arith.muli %iota3A, %mul3A_1029 : vector<16xi32>
      %add3A_1031 = vector.broadcast %mul3A_1027 : i32 to vector<16xi32>
      %add3A_1032 = arith.addi %add3A_1031, %mul3A_1030 : vector<16xi32>
      tpu.vector_store_idx %arg3[%add3A_1032], %select_n3A_1023 : memref<65536xi32, #tpu.memory_space<vmem>>[vector<16xi32>], vector<16xi32>,
      %scan3A_1033 = arith.constant 2 : i32
      %scan3A_1034 = arith.addi %scan3A_10, %scan3A_1033 : i32
      %mul3A_1035 = arith.constant 16 : i32
      %mul3A_1036 = arith.muli %scan3A_1034, %mul3A_1035 : i32
      %add3A_1037 = arith.addi %mul3A_2, %mul3A_1036 : i32
      %broadcast_in_dim3A_1038 = vector.broadcast %add3A_1037 : i32 to vector<16xi32>
      %add3A_1039 = arith.addi %broadcast_in_dim3A_1038, %iota3A : vector<16xi32>
      %broadcast_in_dim3A_1040 = arith.constant -1107590415 : i32
      %broadcast_in_dim3A_1041 = vector.broadcast %broadcast_in_dim3A_1040 : i32 to vector<16xi32>
      %add3A_1042 = arith.constant 129218101 : i32
      %add3A_1043 = vector.broadcast %add3A_1042 : i32 to vector<16xi32>
      %add3A_1044 = arith.addi %add3A_1039, %add3A_1043 : vector<16xi32>
      %add3A_1045 = arith.addi %broadcast_in_dim3A_1041, %add3A_1044 : vector<16xi32>
      %shift_left3A_1046 = arith.constant 13 : i32
      %shift_left3A_1047 = vector.broadcast %shift_left3A_1046 : i32 to vector<16xi32>
      %shift_left3A_1048 = arith.shli %add3A_1044, %shift_left3A_1047 : vector<16xi32>
      %shift_right_logical3A_1049 = arith.constant 19 : i32
      %shift_right_logical3A_1050 = vector.broadcast %shift_right_logical3A_1049 : i32 to vector<16xi32>
      %shift_right_logical3A_1051 = arith.shrui %add3A_1044, %shift_right_logical3A_1050 : vector<16xi32>
      %or3A_1052 = arith.ori %shift_left3A_1048, %shift_right_logical3A_1051 : vector<16xi32>
      %xor3A_1053 = arith.xori %or3A_1052, %add3A_1045 : vector<16xi32>
      %add3A_1054 = arith.addi %add3A_1045, %xor3A_1053 : vector<16xi32>
      %shift_left3A_1055 = arith.constant 15 : i32
      %shift_left3A_1056 = vector.broadcast %shift_left3A_1055 : i32 to vector<16xi32>
      %shift_left3A_1057 = arith.shli %xor3A_1053, %shift_left3A_1056 : vector<16xi32>
      %shift_right_logical3A_1058 = arith.constant 17 : i32
      %shift_right_logical3A_1059 = vector.broadcast %shift_right_logical3A_1058 : i32 to vector<16xi32>
      %shift_right_logical3A_1060 = arith.shrui %xor3A_1053, %shift_right_logical3A_1059 : vector<16xi32>
      %or3A_1061 = arith.ori %shift_left3A_1057, %shift_right_logical3A_1060 : vector<16xi32>
      %xor3A_1062 = arith.xori %or3A_1061, %add3A_1054 : vector<16xi32>
      %add3A_1063 = arith.addi %add3A_1054, %xor3A_1062 : vector<16xi32>
      %shift_left3A_1064 = arith.constant 26 : i32
      %shift_left3A_1065 = vector.broadcast %shift_left3A_1064 : i32 to vector<16xi32>
      %shift_left3A_1066 = arith.shli %xor3A_1062, %shift_left3A_1065 : vector<16xi32>
      %shift_right_logical3A_1067 = arith.constant 6 : i32
      %shift_right_logical3A_1068 = vector.broadcast %shift_right_logical3A_1067 : i32 to vector<16xi32>
      %shift_right_logical3A_1069 = arith.shrui %xor3A_1062, %shift_right_logical3A_1068 : vector<16xi32>
      %or3A_1070 = arith.ori %shift_left3A_1066, %shift_right_logical3A_1069 : vector<16xi32>
      %xor3A_1071 = arith.xori %or3A_1070, %add3A_1063 : vector<16xi32>
      %add3A_1072 = arith.addi %add3A_1063, %xor3A_1071 : vector<16xi32>
      %shift_left3A_1073 = arith.constant 6 : i32
      %shift_left3A_1074 = vector.broadcast %shift_left3A_1073 : i32 to vector<16xi32>
      %shift_left3A_1075 = arith.shli %xor3A_1071, %shift_left3A_1074 : vector<16xi32>
      %shift_right_logical3A_1076 = arith.constant 26 : i32
      %shift_right_logical3A_1077 = vector.broadcast %shift_right_logical3A_1076 : i32 to vector<16xi32>
      %shift_right_logical3A_1078 = arith.shrui %xor3A_1071, %shift_right_logical3A_1077 : vector<16xi32>
      %or3A_1079 = arith.ori %shift_left3A_1075, %shift_right_logical3A_1078 : vector<16xi32>
      %xor3A_1080 = arith.xori %or3A_1079, %add3A_1072 : vector<16xi32>
      %add3A_1081 = arith.constant 129218101 : i32
      %add3A_1082 = vector.broadcast %add3A_1081 : i32 to vector<16xi32>
      %add3A_1083 = arith.addi %add3A_1072, %add3A_1082 : vector<16xi32>
      %add3A_1084 = arith.constant -1583796449 : i32
      %add3A_1085 = vector.broadcast %add3A_1084 : i32 to vector<16xi32>
      %add3A_1086 = arith.addi %xor3A_1080, %add3A_1085 : vector<16xi32>
      %add3A_1087 = arith.addi %add3A_1083, %add3A_1086 : vector<16xi32>
      %shift_left3A_1088 = arith.constant 17 : i32
      %shift_left3A_1089 = vector.broadcast %shift_left3A_1088 : i32 to vector<16xi32>
      %shift_left3A_1090 = arith.shli %add3A_1086, %shift_left3A_1089 : vector<16xi32>
      %shift_right_logical3A_1091 = arith.constant 15 : i32
      %shift_right_logical3A_1092 = vector.broadcast %shift_right_logical3A_1091 : i32 to vector<16xi32>
      %shift_right_logical3A_1093 = arith.shrui %add3A_1086, %shift_right_logical3A_1092 : vector<16xi32>
      %or3A_1094 = arith.ori %shift_left3A_1090, %shift_right_logical3A_1093 : vector<16xi32>
      %xor3A_1095 = arith.xori %or3A_1094, %add3A_1087 : vector<16xi32>
      %add3A_1096 = arith.addi %add3A_1087, %xor3A_1095 : vector<16xi32>
      %shift_left3A_1097 = arith.constant 29 : i32
      %shift_left3A_1098 = vector.broadcast %shift_left3A_1097 : i32 to vector<16xi32>
      %shift_left3A_1099 = arith.shli %xor3A_1095, %shift_left3A_1098 : vector<16xi32>
      %shift_right_logical3A_1100 = arith.constant 3 : i32
      %shift_right_logical3A_1101 = vector.broadcast %shift_right_logical3A_1100 : i32 to vector<16xi32>
      %shift_right_logical3A_1102 = arith.shrui %xor3A_1095, %shift_right_logical3A_1101 : vector<16xi32>
      %or3A_1103 = arith.ori %shift_left3A_1099, %shift_right_logical3A_1102 : vector<16xi32>
      %xor3A_1104 = arith.xori %or3A_1103, %add3A_1096 : vector<16xi32>
      %add3A_1105 = arith.addi %add3A_1096, %xor3A_1104 : vector<16xi32>
      %shift_left3A_1106 = arith.constant 16 : i32
      %shift_left3A_1107 = vector.broadcast %shift_left3A_1106 : i32 to vector<16xi32>
      %shift_left3A_1108 = arith.shli %xor3A_1104, %shift_left3A_1107 : vector<16xi32>
      %shift_right_logical3A_1109 = arith.constant 16 : i32
      %shift_right_logical3A_1110 = vector.broadcast %shift_right_logical3A_1109 : i32 to vector<16xi32>
      %shift_right_logical3A_1111 = arith.shrui %xor3A_1104, %shift_right_logical3A_1110 : vector<16xi32>
      %or3A_1112 = arith.ori %shift_left3A_1108, %shift_right_logical3A_1111 : vector<16xi32>
      %xor3A_1113 = arith.xori %or3A_1112, %add3A_1105 : vector<16xi32>
      %add3A_1114 = arith.addi %add3A_1105, %xor3A_1113 : vector<16xi32>
      %shift_left3A_1115 = arith.constant 24 : i32
      %shift_left3A_1116 = vector.broadcast %shift_left3A_1115 : i32 to vector<16xi32>
      %shift_left3A_1117 = arith.shli %xor3A_1113, %shift_left3A_1116 : vector<16xi32>
      %shift_right_logical3A_1118 = arith.constant 8 : i32
      %shift_right_logical3A_1119 = vector.broadcast %shift_right_logical3A_1118 : i32 to vector<16xi32>
      %shift_right_logical3A_1120 = arith.shrui %xor3A_1113, %shift_right_logical3A_1119 : vector<16xi32>
      %or3A_1121 = arith.ori %shift_left3A_1117, %shift_right_logical3A_1120 : vector<16xi32>
      %xor3A_1122 = arith.xori %or3A_1121, %add3A_1114 : vector<16xi32>
      %add3A_1123 = arith.constant -1583796450 : i32
      %add3A_1124 = vector.broadcast %add3A_1123 : i32 to vector<16xi32>
      %add3A_1125 = arith.addi %add3A_1114, %add3A_1124 : vector<16xi32>
      %add3A_1126 = arith.constant -1107590413 : i32
      %add3A_1127 = vector.broadcast %add3A_1126 : i32 to vector<16xi32>
      %add3A_1128 = arith.addi %xor3A_1122, %add3A_1127 : vector<16xi32>
      %add3A_1129 = arith.addi %add3A_1125, %add3A_1128 : vector<16xi32>
      %shift_left3A_1130 = arith.constant 13 : i32
      %shift_left3A_1131 = vector.broadcast %shift_left3A_1130 : i32 to vector<16xi32>
      %shift_left3A_1132 = arith.shli %add3A_1128, %shift_left3A_1131 : vector<16xi32>
      %shift_right_logical3A_1133 = arith.constant 19 : i32
      %shift_right_logical3A_1134 = vector.broadcast %shift_right_logical3A_1133 : i32 to vector<16xi32>
      %shift_right_logical3A_1135 = arith.shrui %add3A_1128, %shift_right_logical3A_1134 : vector<16xi32>
      %or3A_1136 = arith.ori %shift_left3A_1132, %shift_right_logical3A_1135 : vector<16xi32>
      %xor3A_1137 = arith.xori %or3A_1136, %add3A_1129 : vector<16xi32>
      %add3A_1138 = arith.addi %add3A_1129, %xor3A_1137 : vector<16xi32>
      %shift_left3A_1139 = arith.constant 15 : i32
      %shift_left3A_1140 = vector.broadcast %shift_left3A_1139 : i32 to vector<16xi32>
      %shift_left3A_1141 = arith.shli %xor3A_1137, %shift_left3A_1140 : vector<16xi32>
      %shift_right_logical3A_1142 = arith.constant 17 : i32
      %shift_right_logical3A_1143 = vector.broadcast %shift_right_logical3A_1142 : i32 to vector<16xi32>
      %shift_right_logical3A_1144 = arith.shrui %xor3A_1137, %shift_right_logical3A_1143 : vector<16xi32>
      %or3A_1145 = arith.ori %shift_left3A_1141, %shift_right_logical3A_1144 : vector<16xi32>
      %xor3A_1146 = arith.xori %or3A_1145, %add3A_1138 : vector<16xi32>
      %add3A_1147 = arith.addi %add3A_1138, %xor3A_1146 : vector<16xi32>
      %shift_left3A_1148 = arith.constant 26 : i32
      %shift_left3A_1149 = vector.broadcast %shift_left3A_1148 : i32 to vector<16xi32>
      %shift_left3A_1150 = arith.shli %xor3A_1146, %shift_left3A_1149 : vector<16xi32>
      %shift_right_logical3A_1151 = arith.constant 6 : i32
      %shift_right_logical3A_1152 = vector.broadcast %shift_right_logical3A_1151 : i32 to vector<16xi32>
      %shift_right_logical3A_1153 = arith.shrui %xor3A_1146, %shift_right_logical3A_1152 : vector<16xi32>
      %or3A_1154 = arith.ori %shift_left3A_1150, %shift_right_logical3A_1153 : vector<16xi32>
      %xor3A_1155 = arith.xori %or3A_1154, %add3A_1147 : vector<16xi32>
      %add3A_1156 = arith.addi %add3A_1147, %xor3A_1155 : vector<16xi32>
      %shift_left3A_1157 = arith.constant 6 : i32
      %shift_left3A_1158 = vector.broadcast %shift_left3A_1157 : i32 to vector<16xi32>
      %shift_left3A_1159 = arith.shli %xor3A_1155, %shift_left3A_1158 : vector<16xi32>
      %shift_right_logical3A_1160 = arith.constant 26 : i32
      %shift_right_logical3A_1161 = vector.broadcast %shift_right_logical3A_1160 : i32 to vector<16xi32>
      %shift_right_logical3A_1162 = arith.shrui %xor3A_1155, %shift_right_logical3A_1161 : vector<16xi32>
      %or3A_1163 = arith.ori %shift_left3A_1159, %shift_right_logical3A_1162 : vector<16xi32>
      %xor3A_1164 = arith.xori %or3A_1163, %add3A_1156 : vector<16xi32>
      %add3A_1165 = arith.constant -1107590415 : i32
      %add3A_1166 = vector.broadcast %add3A_1165 : i32 to vector<16xi32>
      %add3A_1167 = arith.addi %add3A_1156, %add3A_1166 : vector<16xi32>
      %add3A_1168 = arith.constant 129218104 : i32
      %add3A_1169 = vector.broadcast %add3A_1168 : i32 to vector<16xi32>
      %add3A_1170 = arith.addi %xor3A_1164, %add3A_1169 : vector<16xi32>
      %add3A_1171 = arith.addi %add3A_1167, %add3A_1170 : vector<16xi32>
      %shift_left3A_1172 = arith.constant 17 : i32
      %shift_left3A_1173 = vector.broadcast %shift_left3A_1172 : i32 to vector<16xi32>
      %shift_left3A_1174 = arith.shli %add3A_1170, %shift_left3A_1173 : vector<16xi32>
      %shift_right_logical3A_1175 = arith.constant 15 : i32
      %shift_right_logical3A_1176 = vector.broadcast %shift_right_logical3A_1175 : i32 to vector<16xi32>
      %shift_right_logical3A_1177 = arith.shrui %add3A_1170, %shift_right_logical3A_1176 : vector<16xi32>
      %or3A_1178 = arith.ori %shift_left3A_1174, %shift_right_logical3A_1177 : vector<16xi32>
      %xor3A_1179 = arith.xori %or3A_1178, %add3A_1171 : vector<16xi32>
      %add3A_1180 = arith.addi %add3A_1171, %xor3A_1179 : vector<16xi32>
      %shift_left3A_1181 = arith.constant 29 : i32
      %shift_left3A_1182 = vector.broadcast %shift_left3A_1181 : i32 to vector<16xi32>
      %shift_left3A_1183 = arith.shli %xor3A_1179, %shift_left3A_1182 : vector<16xi32>
      %shift_right_logical3A_1184 = arith.constant 3 : i32
      %shift_right_logical3A_1185 = vector.broadcast %shift_right_logical3A_1184 : i32 to vector<16xi32>
      %shift_right_logical3A_1186 = arith.shrui %xor3A_1179, %shift_right_logical3A_1185 : vector<16xi32>
      %or3A_1187 = arith.ori %shift_left3A_1183, %shift_right_logical3A_1186 : vector<16xi32>
      %xor3A_1188 = arith.xori %or3A_1187, %add3A_1180 : vector<16xi32>
      %add3A_1189 = arith.addi %add3A_1180, %xor3A_1188 : vector<16xi32>
      %shift_left3A_1190 = arith.constant 16 : i32
      %shift_left3A_1191 = vector.broadcast %shift_left3A_1190 : i32 to vector<16xi32>
      %shift_left3A_1192 = arith.shli %xor3A_1188, %shift_left3A_1191 : vector<16xi32>
      %shift_right_logical3A_1193 = arith.constant 16 : i32
      %shift_right_logical3A_1194 = vector.broadcast %shift_right_logical3A_1193 : i32 to vector<16xi32>
      %shift_right_logical3A_1195 = arith.shrui %xor3A_1188, %shift_right_logical3A_1194 : vector<16xi32>
      %or3A_1196 = arith.ori %shift_left3A_1192, %shift_right_logical3A_1195 : vector<16xi32>
      %xor3A_1197 = arith.xori %or3A_1196, %add3A_1189 : vector<16xi32>
      %add3A_1198 = arith.addi %add3A_1189, %xor3A_1197 : vector<16xi32>
      %shift_left3A_1199 = arith.constant 24 : i32
      %shift_left3A_1200 = vector.broadcast %shift_left3A_1199 : i32 to vector<16xi32>
      %shift_left3A_1201 = arith.shli %xor3A_1197, %shift_left3A_1200 : vector<16xi32>
      %shift_right_logical3A_1202 = arith.constant 8 : i32
      %shift_right_logical3A_1203 = vector.broadcast %shift_right_logical3A_1202 : i32 to vector<16xi32>
      %shift_right_logical3A_1204 = arith.shrui %xor3A_1197, %shift_right_logical3A_1203 : vector<16xi32>
      %or3A_1205 = arith.ori %shift_left3A_1201, %shift_right_logical3A_1204 : vector<16xi32>
      %xor3A_1206 = arith.xori %or3A_1205, %add3A_1198 : vector<16xi32>
      %add3A_1207 = arith.constant 129218101 : i32
      %add3A_1208 = vector.broadcast %add3A_1207 : i32 to vector<16xi32>
      %add3A_1209 = arith.addi %add3A_1198, %add3A_1208 : vector<16xi32>
      %add3A_1210 = arith.constant -1583796446 : i32
      %add3A_1211 = vector.broadcast %add3A_1210 : i32 to vector<16xi32>
      %add3A_1212 = arith.addi %xor3A_1206, %add3A_1211 : vector<16xi32>
      %add3A_1213 = arith.addi %add3A_1209, %add3A_1212 : vector<16xi32>
      %shift_left3A_1214 = arith.constant 13 : i32
      %shift_left3A_1215 = vector.broadcast %shift_left3A_1214 : i32 to vector<16xi32>
      %shift_left3A_1216 = arith.shli %add3A_1212, %shift_left3A_1215 : vector<16xi32>
      %shift_right_logical3A_1217 = arith.constant 19 : i32
      %shift_right_logical3A_1218 = vector.broadcast %shift_right_logical3A_1217 : i32 to vector<16xi32>
      %shift_right_logical3A_1219 = arith.shrui %add3A_1212, %shift_right_logical3A_1218 : vector<16xi32>
      %or3A_1220 = arith.ori %shift_left3A_1216, %shift_right_logical3A_1219 : vector<16xi32>
      %xor3A_1221 = arith.xori %or3A_1220, %add3A_1213 : vector<16xi32>
      %add3A_1222 = arith.addi %add3A_1213, %xor3A_1221 : vector<16xi32>
      %shift_left3A_1223 = arith.constant 15 : i32
      %shift_left3A_1224 = vector.broadcast %shift_left3A_1223 : i32 to vector<16xi32>
      %shift_left3A_1225 = arith.shli %xor3A_1221, %shift_left3A_1224 : vector<16xi32>
      %shift_right_logical3A_1226 = arith.constant 17 : i32
      %shift_right_logical3A_1227 = vector.broadcast %shift_right_logical3A_1226 : i32 to vector<16xi32>
      %shift_right_logical3A_1228 = arith.shrui %xor3A_1221, %shift_right_logical3A_1227 : vector<16xi32>
      %or3A_1229 = arith.ori %shift_left3A_1225, %shift_right_logical3A_1228 : vector<16xi32>
      %xor3A_1230 = arith.xori %or3A_1229, %add3A_1222 : vector<16xi32>
      %add3A_1231 = arith.addi %add3A_1222, %xor3A_1230 : vector<16xi32>
      %shift_left3A_1232 = arith.constant 26 : i32
      %shift_left3A_1233 = vector.broadcast %shift_left3A_1232 : i32 to vector<16xi32>
      %shift_left3A_1234 = arith.shli %xor3A_1230, %shift_left3A_1233 : vector<16xi32>
      %shift_right_logical3A_1235 = arith.constant 6 : i32
      %shift_right_logical3A_1236 = vector.broadcast %shift_right_logical3A_1235 : i32 to vector<16xi32>
      %shift_right_logical3A_1237 = arith.shrui %xor3A_1230, %shift_right_logical3A_1236 : vector<16xi32>
      %or3A_1238 = arith.ori %shift_left3A_1234, %shift_right_logical3A_1237 : vector<16xi32>
      %xor3A_1239 = arith.xori %or3A_1238, %add3A_1231 : vector<16xi32>
      %add3A_1240 = arith.addi %add3A_1231, %xor3A_1239 : vector<16xi32>
      %shift_left3A_1241 = arith.constant 6 : i32
      %shift_left3A_1242 = vector.broadcast %shift_left3A_1241 : i32 to vector<16xi32>
      %shift_left3A_1243 = arith.shli %xor3A_1239, %shift_left3A_1242 : vector<16xi32>
      %shift_right_logical3A_1244 = arith.constant 26 : i32
      %shift_right_logical3A_1245 = vector.broadcast %shift_right_logical3A_1244 : i32 to vector<16xi32>
      %shift_right_logical3A_1246 = arith.shrui %xor3A_1239, %shift_right_logical3A_1245 : vector<16xi32>
      %or3A_1247 = arith.ori %shift_left3A_1243, %shift_right_logical3A_1246 : vector<16xi32>
      %xor3A_1248 = arith.xori %or3A_1247, %add3A_1240 : vector<16xi32>
      %add3A_1249 = arith.constant -1583796450 : i32
      %add3A_1250 = vector.broadcast %add3A_1249 : i32 to vector<16xi32>
      %add3A_1251 = arith.addi %add3A_1240, %add3A_1250 : vector<16xi32>
      %add3A_1252 = arith.constant -1107590410 : i32
      %add3A_1253 = vector.broadcast %add3A_1252 : i32 to vector<16xi32>
      %add3A_1254 = arith.addi %xor3A_1248, %add3A_1253 : vector<16xi32>
      %xor3A_1255 = arith.xori %add3A_1251, %add3A_1254 : vector<16xi32>
      %jit3A_1256 = arith.constant 200 : i32
      %eq3A_1257 = arith.constant 0 : i32
      %eq3A_1258 = arith.cmpi eq, %jit3A_1256, %eq3A_1257 : i32
      %jit3A_1259 = arith.constant 1 : i32
      %select_n3A_1260 = arith.select %eq3A_1258, %jit3A_1259, %jit3A_1256 : i32
      %rem3A_1261 = vector.broadcast %select_n3A_1260 : i32 to vector<16xi32>
      %rem3A_1262 = arith.remui %xor3A_1255, %rem3A_1261 : vector<16xi32>
      %ne3A_1263 = arith.constant 0 : i32
      %ne3A_1264 = vector.broadcast %ne3A_1263 : i32 to vector<16xi32>
      %ne3A_1265 = arith.cmpi ne, %rem3A_1262, %ne3A_1264 : vector<16xi32>
      %lt3A_1266 = arith.constant 0 : i32
      %lt3A_1267 = vector.broadcast %lt3A_1266 : i32 to vector<16xi32>
      %lt3A_1268 = arith.cmpi ult, %rem3A_1262, %lt3A_1267 : vector<16xi32>
      %lt3A_1269 = arith.constant 0 : i32
      %lt3A_1270 = arith.cmpi ult, %select_n3A_1260, %lt3A_1269 : i32
      %ne3A_1271 = vector.broadcast %lt3A_1270 : i1 to vector<16xi1>
      %ne3A_1272 = vector.broadcast %ne3A_1271 : vector<16xi1> to vector<16xi1>
      %ne3A_1273 = arith.xori %lt3A_1268, %ne3A_1272 : vector<16xi1>
      %and3A_1274 = arith.andi %ne3A_1273, %ne3A_1265 : vector<16xi1>
      %add3A_1275 = vector.broadcast %select_n3A_1260 : i32 to vector<16xi32>
      %add3A_1276 = arith.addi %rem3A_1262, %add3A_1275 : vector<16xi32>
      %select_n3A_1277 = arith.select %and3A_1274, %add3A_1276, %rem3A_1262 : vector<16xi1>, vector<16xi32>
      %broadcast_in_dim3A_1278 = arith.constant -1944951124 : i32
      %broadcast_in_dim3A_1279 = vector.broadcast %broadcast_in_dim3A_1278 : i32 to vector<16xi32>
      %add3A_1280 = arith.constant 1168365246 : i32
      %add3A_1281 = vector.broadcast %add3A_1280 : i32 to vector<16xi32>
      %add3A_1282 = arith.addi %add3A_1039, %add3A_1281 : vector<16xi32>
      %add3A_1283 = arith.addi %broadcast_in_dim3A_1279, %add3A_1282 : vector<16xi32>
      %shift_left3A_1284 = arith.constant 13 : i32
      %shift_left3A_1285 = vector.broadcast %shift_left3A_1284 : i32 to vector<16xi32>
      %shift_left3A_1286 = arith.shli %add3A_1282, %shift_left3A_1285 : vector<16xi32>
      %shift_right_logical3A_1287 = arith.constant 19 : i32
      %shift_right_logical3A_1288 = vector.broadcast %shift_right_logical3A_1287 : i32 to vector<16xi32>
      %shift_right_logical3A_1289 = arith.shrui %add3A_1282, %shift_right_logical3A_1288 : vector<16xi32>
      %or3A_1290 = arith.ori %shift_left3A_1286, %shift_right_logical3A_1289 : vector<16xi32>
      %xor3A_1291 = arith.xori %or3A_1290, %add3A_1283 : vector<16xi32>
      %add3A_1292 = arith.addi %add3A_1283, %xor3A_1291 : vector<16xi32>
      %shift_left3A_1293 = arith.constant 15 : i32
      %shift_left3A_1294 = vector.broadcast %shift_left3A_1293 : i32 to vector<16xi32>
      %shift_left3A_1295 = arith.shli %xor3A_1291, %shift_left3A_1294 : vector<16xi32>
      %shift_right_logical3A_1296 = arith.constant 17 : i32
      %shift_right_logical3A_1297 = vector.broadcast %shift_right_logical3A_1296 : i32 to vector<16xi32>
      %shift_right_logical3A_1298 = arith.shrui %xor3A_1291, %shift_right_logical3A_1297 : vector<16xi32>
      %or3A_1299 = arith.ori %shift_left3A_1295, %shift_right_logical3A_1298 : vector<16xi32>
      %xor3A_1300 = arith.xori %or3A_1299, %add3A_1292 : vector<16xi32>
      %add3A_1301 = arith.addi %add3A_1292, %xor3A_1300 : vector<16xi32>
      %shift_left3A_1302 = arith.constant 26 : i32
      %shift_left3A_1303 = vector.broadcast %shift_left3A_1302 : i32 to vector<16xi32>
      %shift_left3A_1304 = arith.shli %xor3A_1300, %shift_left3A_1303 : vector<16xi32>
      %shift_right_logical3A_1305 = arith.constant 6 : i32
      %shift_right_logical3A_1306 = vector.broadcast %shift_right_logical3A_1305 : i32 to vector<16xi32>
      %shift_right_logical3A_1307 = arith.shrui %xor3A_1300, %shift_right_logical3A_1306 : vector<16xi32>
      %or3A_1308 = arith.ori %shift_left3A_1304, %shift_right_logical3A_1307 : vector<16xi32>
      %xor3A_1309 = arith.xori %or3A_1308, %add3A_1301 : vector<16xi32>
      %add3A_1310 = arith.addi %add3A_1301, %xor3A_1309 : vector<16xi32>
      %shift_left3A_1311 = arith.constant 6 : i32
      %shift_left3A_1312 = vector.broadcast %shift_left3A_1311 : i32 to vector<16xi32>
      %shift_left3A_1313 = arith.shli %xor3A_1309, %shift_left3A_1312 : vector<16xi32>
      %shift_right_logical3A_1314 = arith.constant 26 : i32
      %shift_right_logical3A_1315 = vector.broadcast %shift_right_logical3A_1314 : i32 to vector<16xi32>
      %shift_right_logical3A_1316 = arith.shrui %xor3A_1309, %shift_right_logical3A_1315 : vector<16xi32>
      %or3A_1317 = arith.ori %shift_left3A_1313, %shift_right_logical3A_1316 : vector<16xi32>
      %xor3A_1318 = arith.xori %or3A_1317, %add3A_1310 : vector<16xi32>
      %add3A_1319 = arith.constant 1168365246 : i32
      %add3A_1320 = vector.broadcast %add3A_1319 : i32 to vector<16xi32>
      %add3A_1321 = arith.addi %add3A_1310, %add3A_1320 : vector<16xi32>
      %add3A_1322 = arith.constant -765416503 : i32
      %add3A_1323 = vector.broadcast %add3A_1322 : i32 to vector<16xi32>
      %add3A_1324 = arith.addi %xor3A_1318, %add3A_1323 : vector<16xi32>
      %add3A_1325 = arith.addi %add3A_1321, %add3A_1324 : vector<16xi32>
      %shift_left3A_1326 = arith.constant 17 : i32
      %shift_left3A_1327 = vector.broadcast %shift_left3A_1326 : i32 to vector<16xi32>
      %shift_left3A_1328 = arith.shli %add3A_1324, %shift_left3A_1327 : vector<16xi32>
      %shift_right_logical3A_1329 = arith.constant 15 : i32
      %shift_right_logical3A_1330 = vector.broadcast %shift_right_logical3A_1329 : i32 to vector<16xi32>
      %shift_right_logical3A_1331 = arith.shrui %add3A_1324, %shift_right_logical3A_1330 : vector<16xi32>
      %or3A_1332 = arith.ori %shift_left3A_1328, %shift_right_logical3A_1331 : vector<16xi32>
      %xor3A_1333 = arith.xori %or3A_1332, %add3A_1325 : vector<16xi32>
      %add3A_1334 = arith.addi %add3A_1325, %xor3A_1333 : vector<16xi32>
      %shift_left3A_1335 = arith.constant 29 : i32
      %shift_left3A_1336 = vector.broadcast %shift_left3A_1335 : i32 to vector<16xi32>
      %shift_left3A_1337 = arith.shli %xor3A_1333, %shift_left3A_1336 : vector<16xi32>
      %shift_right_logical3A_1338 = arith.constant 3 : i32
      %shift_right_logical3A_1339 = vector.broadcast %shift_right_logical3A_1338 : i32 to vector<16xi32>
      %shift_right_logical3A_1340 = arith.shrui %xor3A_1333, %shift_right_logical3A_1339 : vector<16xi32>
      %or3A_1341 = arith.ori %shift_left3A_1337, %shift_right_logical3A_1340 : vector<16xi32>
      %xor3A_1342 = arith.xori %or3A_1341, %add3A_1334 : vector<16xi32>
      %add3A_1343 = arith.addi %add3A_1334, %xor3A_1342 : vector<16xi32>
      %shift_left3A_1344 = arith.constant 16 : i32
      %shift_left3A_1345 = vector.broadcast %shift_left3A_1344 : i32 to vector<16xi32>
      %shift_left3A_1346 = arith.shli %xor3A_1342, %shift_left3A_1345 : vector<16xi32>
      %shift_right_logical3A_1347 = arith.constant 16 : i32
      %shift_right_logical3A_1348 = vector.broadcast %shift_right_logical3A_1347 : i32 to vector<16xi32>
      %shift_right_logical3A_1349 = arith.shrui %xor3A_1342, %shift_right_logical3A_1348 : vector<16xi32>
      %or3A_1350 = arith.ori %shift_left3A_1346, %shift_right_logical3A_1349 : vector<16xi32>
      %xor3A_1351 = arith.xori %or3A_1350, %add3A_1343 : vector<16xi32>
      %add3A_1352 = arith.addi %add3A_1343, %xor3A_1351 : vector<16xi32>
      %shift_left3A_1353 = arith.constant 24 : i32
      %shift_left3A_1354 = vector.broadcast %shift_left3A_1353 : i32 to vector<16xi32>
      %shift_left3A_1355 = arith.shli %xor3A_1351, %shift_left3A_1354 : vector<16xi32>
      %shift_right_logical3A_1356 = arith.constant 8 : i32
      %shift_right_logical3A_1357 = vector.broadcast %shift_right_logical3A_1356 : i32 to vector<16xi32>
      %shift_right_logical3A_1358 = arith.shrui %xor3A_1351, %shift_right_logical3A_1357 : vector<16xi32>
      %or3A_1359 = arith.ori %shift_left3A_1355, %shift_right_logical3A_1358 : vector<16xi32>
      %xor3A_1360 = arith.xori %or3A_1359, %add3A_1352 : vector<16xi32>
      %add3A_1361 = arith.constant -765416504 : i32
      %add3A_1362 = vector.broadcast %add3A_1361 : i32 to vector<16xi32>
      %add3A_1363 = arith.addi %add3A_1352, %add3A_1362 : vector<16xi32>
      %add3A_1364 = arith.constant -1944951122 : i32
      %add3A_1365 = vector.broadcast %add3A_1364 : i32 to vector<16xi32>
      %add3A_1366 = arith.addi %xor3A_1360, %add3A_1365 : vector<16xi32>
      %add3A_1367 = arith.addi %add3A_1363, %add3A_1366 : vector<16xi32>
      %shift_left3A_1368 = arith.constant 13 : i32
      %shift_left3A_1369 = vector.broadcast %shift_left3A_1368 : i32 to vector<16xi32>
      %shift_left3A_1370 = arith.shli %add3A_1366, %shift_left3A_1369 : vector<16xi32>
      %shift_right_logical3A_1371 = arith.constant 19 : i32
      %shift_right_logical3A_1372 = vector.broadcast %shift_right_logical3A_1371 : i32 to vector<16xi32>
      %shift_right_logical3A_1373 = arith.shrui %add3A_1366, %shift_right_logical3A_1372 : vector<16xi32>
      %or3A_1374 = arith.ori %shift_left3A_1370, %shift_right_logical3A_1373 : vector<16xi32>
      %xor3A_1375 = arith.xori %or3A_1374, %add3A_1367 : vector<16xi32>
      %add3A_1376 = arith.addi %add3A_1367, %xor3A_1375 : vector<16xi32>
      %shift_left3A_1377 = arith.constant 15 : i32
      %shift_left3A_1378 = vector.broadcast %shift_left3A_1377 : i32 to vector<16xi32>
      %shift_left3A_1379 = arith.shli %xor3A_1375, %shift_left3A_1378 : vector<16xi32>
      %shift_right_logical3A_1380 = arith.constant 17 : i32
      %shift_right_logical3A_1381 = vector.broadcast %shift_right_logical3A_1380 : i32 to vector<16xi32>
      %shift_right_logical3A_1382 = arith.shrui %xor3A_1375, %shift_right_logical3A_1381 : vector<16xi32>
      %or3A_1383 = arith.ori %shift_left3A_1379, %shift_right_logical3A_1382 : vector<16xi32>
      %xor3A_1384 = arith.xori %or3A_1383, %add3A_1376 : vector<16xi32>
      %add3A_1385 = arith.addi %add3A_1376, %xor3A_1384 : vector<16xi32>
      %shift_left3A_1386 = arith.constant 26 : i32
      %shift_left3A_1387 = vector.broadcast %shift_left3A_1386 : i32 to vector<16xi32>
      %shift_left3A_1388 = arith.shli %xor3A_1384, %shift_left3A_1387 : vector<16xi32>
      %shift_right_logical3A_1389 = arith.constant 6 : i32
      %shift_right_logical3A_1390 = vector.broadcast %shift_right_logical3A_1389 : i32 to vector<16xi32>
      %shift_right_logical3A_1391 = arith.shrui %xor3A_1384, %shift_right_logical3A_1390 : vector<16xi32>
      %or3A_1392 = arith.ori %shift_left3A_1388, %shift_right_logical3A_1391 : vector<16xi32>
      %xor3A_1393 = arith.xori %or3A_1392, %add3A_1385 : vector<16xi32>
      %add3A_1394 = arith.addi %add3A_1385, %xor3A_1393 : vector<16xi32>
      %shift_left3A_1395 = arith.constant 6 : i32
      %shift_left3A_1396 = vector.broadcast %shift_left3A_1395 : i32 to vector<16xi32>
      %shift_left3A_1397 = arith.shli %xor3A_1393, %shift_left3A_1396 : vector<16xi32>
      %shift_right_logical3A_1398 = arith.constant 26 : i32
      %shift_right_logical3A_1399 = vector.broadcast %shift_right_logical3A_1398 : i32 to vector<16xi32>
      %shift_right_logical3A_1400 = arith.shrui %xor3A_1393, %shift_right_logical3A_1399 : vector<16xi32>
      %or3A_1401 = arith.ori %shift_left3A_1397, %shift_right_logical3A_1400 : vector<16xi32>
      %xor3A_1402 = arith.xori %or3A_1401, %add3A_1394 : vector<16xi32>
      %add3A_1403 = arith.constant -1944951124 : i32
      %add3A_1404 = vector.broadcast %add3A_1403 : i32 to vector<16xi32>
      %add3A_1405 = arith.addi %add3A_1394, %add3A_1404 : vector<16xi32>
      %add3A_1406 = arith.constant 1168365249 : i32
      %add3A_1407 = vector.broadcast %add3A_1406 : i32 to vector<16xi32>
      %add3A_1408 = arith.addi %xor3A_1402, %add3A_1407 : vector<16xi32>
      %add3A_1409 = arith.addi %add3A_1405, %add3A_1408 : vector<16xi32>
      %shift_left3A_1410 = arith.constant 17 : i32
      %shift_left3A_1411 = vector.broadcast %shift_left3A_1410 : i32 to vector<16xi32>
      %shift_left3A_1412 = arith.shli %add3A_1408, %shift_left3A_1411 : vector<16xi32>
      %shift_right_logical3A_1413 = arith.constant 15 : i32
      %shift_right_logical3A_1414 = vector.broadcast %shift_right_logical3A_1413 : i32 to vector<16xi32>
      %shift_right_logical3A_1415 = arith.shrui %add3A_1408, %shift_right_logical3A_1414 : vector<16xi32>
      %or3A_1416 = arith.ori %shift_left3A_1412, %shift_right_logical3A_1415 : vector<16xi32>
      %xor3A_1417 = arith.xori %or3A_1416, %add3A_1409 : vector<16xi32>
      %add3A_1418 = arith.addi %add3A_1409, %xor3A_1417 : vector<16xi32>
      %shift_left3A_1419 = arith.constant 29 : i32
      %shift_left3A_1420 = vector.broadcast %shift_left3A_1419 : i32 to vector<16xi32>
      %shift_left3A_1421 = arith.shli %xor3A_1417, %shift_left3A_1420 : vector<16xi32>
      %shift_right_logical3A_1422 = arith.constant 3 : i32
      %shift_right_logical3A_1423 = vector.broadcast %shift_right_logical3A_1422 : i32 to vector<16xi32>
      %shift_right_logical3A_1424 = arith.shrui %xor3A_1417, %shift_right_logical3A_1423 : vector<16xi32>
      %or3A_1425 = arith.ori %shift_left3A_1421, %shift_right_logical3A_1424 : vector<16xi32>
      %xor3A_1426 = arith.xori %or3A_1425, %add3A_1418 : vector<16xi32>
      %add3A_1427 = arith.addi %add3A_1418, %xor3A_1426 : vector<16xi32>
      %shift_left3A_1428 = arith.constant 16 : i32
      %shift_left3A_1429 = vector.broadcast %shift_left3A_1428 : i32 to vector<16xi32>
      %shift_left3A_1430 = arith.shli %xor3A_1426, %shift_left3A_1429 : vector<16xi32>
      %shift_right_logical3A_1431 = arith.constant 16 : i32
      %shift_right_logical3A_1432 = vector.broadcast %shift_right_logical3A_1431 : i32 to vector<16xi32>
      %shift_right_logical3A_1433 = arith.shrui %xor3A_1426, %shift_right_logical3A_1432 : vector<16xi32>
      %or3A_1434 = arith.ori %shift_left3A_1430, %shift_right_logical3A_1433 : vector<16xi32>
      %xor3A_1435 = arith.xori %or3A_1434, %add3A_1427 : vector<16xi32>
      %add3A_1436 = arith.addi %add3A_1427, %xor3A_1435 : vector<16xi32>
      %shift_left3A_1437 = arith.constant 24 : i32
      %shift_left3A_1438 = vector.broadcast %shift_left3A_1437 : i32 to vector<16xi32>
      %shift_left3A_1439 = arith.shli %xor3A_1435, %shift_left3A_1438 : vector<16xi32>
      %shift_right_logical3A_1440 = arith.constant 8 : i32
      %shift_right_logical3A_1441 = vector.broadcast %shift_right_logical3A_1440 : i32 to vector<16xi32>
      %shift_right_logical3A_1442 = arith.shrui %xor3A_1435, %shift_right_logical3A_1441 : vector<16xi32>
      %or3A_1443 = arith.ori %shift_left3A_1439, %shift_right_logical3A_1442 : vector<16xi32>
      %xor3A_1444 = arith.xori %or3A_1443, %add3A_1436 : vector<16xi32>
      %add3A_1445 = arith.constant 1168365246 : i32
      %add3A_1446 = vector.broadcast %add3A_1445 : i32 to vector<16xi32>
      %add3A_1447 = arith.addi %add3A_1436, %add3A_1446 : vector<16xi32>
      %add3A_1448 = arith.constant -765416500 : i32
      %add3A_1449 = vector.broadcast %add3A_1448 : i32 to vector<16xi32>
      %add3A_1450 = arith.addi %xor3A_1444, %add3A_1449 : vector<16xi32>
      %add3A_1451 = arith.addi %add3A_1447, %add3A_1450 : vector<16xi32>
      %shift_left3A_1452 = arith.constant 13 : i32
      %shift_left3A_1453 = vector.broadcast %shift_left3A_1452 : i32 to vector<16xi32>
      %shift_left3A_1454 = arith.shli %add3A_1450, %shift_left3A_1453 : vector<16xi32>
      %shift_right_logical3A_1455 = arith.constant 19 : i32
      %shift_right_logical3A_1456 = vector.broadcast %shift_right_logical3A_1455 : i32 to vector<16xi32>
      %shift_right_logical3A_1457 = arith.shrui %add3A_1450, %shift_right_logical3A_1456 : vector<16xi32>
      %or3A_1458 = arith.ori %shift_left3A_1454, %shift_right_logical3A_1457 : vector<16xi32>
      %xor3A_1459 = arith.xori %or3A_1458, %add3A_1451 : vector<16xi32>
      %add3A_1460 = arith.addi %add3A_1451, %xor3A_1459 : vector<16xi32>
      %shift_left3A_1461 = arith.constant 15 : i32
      %shift_left3A_1462 = vector.broadcast %shift_left3A_1461 : i32 to vector<16xi32>
      %shift_left3A_1463 = arith.shli %xor3A_1459, %shift_left3A_1462 : vector<16xi32>
      %shift_right_logical3A_1464 = arith.constant 17 : i32
      %shift_right_logical3A_1465 = vector.broadcast %shift_right_logical3A_1464 : i32 to vector<16xi32>
      %shift_right_logical3A_1466 = arith.shrui %xor3A_1459, %shift_right_logical3A_1465 : vector<16xi32>
      %or3A_1467 = arith.ori %shift_left3A_1463, %shift_right_logical3A_1466 : vector<16xi32>
      %xor3A_1468 = arith.xori %or3A_1467, %add3A_1460 : vector<16xi32>
      %add3A_1469 = arith.addi %add3A_1460, %xor3A_1468 : vector<16xi32>
      %shift_left3A_1470 = arith.constant 26 : i32
      %shift_left3A_1471 = vector.broadcast %shift_left3A_1470 : i32 to vector<16xi32>
      %shift_left3A_1472 = arith.shli %xor3A_1468, %shift_left3A_1471 : vector<16xi32>
      %shift_right_logical3A_1473 = arith.constant 6 : i32
      %shift_right_logical3A_1474 = vector.broadcast %shift_right_logical3A_1473 : i32 to vector<16xi32>
      %shift_right_logical3A_1475 = arith.shrui %xor3A_1468, %shift_right_logical3A_1474 : vector<16xi32>
      %or3A_1476 = arith.ori %shift_left3A_1472, %shift_right_logical3A_1475 : vector<16xi32>
      %xor3A_1477 = arith.xori %or3A_1476, %add3A_1469 : vector<16xi32>
      %add3A_1478 = arith.addi %add3A_1469, %xor3A_1477 : vector<16xi32>
      %shift_left3A_1479 = arith.constant 6 : i32
      %shift_left3A_1480 = vector.broadcast %shift_left3A_1479 : i32 to vector<16xi32>
      %shift_left3A_1481 = arith.shli %xor3A_1477, %shift_left3A_1480 : vector<16xi32>
      %shift_right_logical3A_1482 = arith.constant 26 : i32
      %shift_right_logical3A_1483 = vector.broadcast %shift_right_logical3A_1482 : i32 to vector<16xi32>
      %shift_right_logical3A_1484 = arith.shrui %xor3A_1477, %shift_right_logical3A_1483 : vector<16xi32>
      %or3A_1485 = arith.ori %shift_left3A_1481, %shift_right_logical3A_1484 : vector<16xi32>
      %xor3A_1486 = arith.xori %or3A_1485, %add3A_1478 : vector<16xi32>
      %add3A_1487 = arith.constant -765416504 : i32
      %add3A_1488 = vector.broadcast %add3A_1487 : i32 to vector<16xi32>
      %add3A_1489 = arith.addi %add3A_1478, %add3A_1488 : vector<16xi32>
      %add3A_1490 = arith.constant -1944951119 : i32
      %add3A_1491 = vector.broadcast %add3A_1490 : i32 to vector<16xi32>
      %add3A_1492 = arith.addi %xor3A_1486, %add3A_1491 : vector<16xi32>
      %xor3A_1493 = arith.xori %add3A_1489, %add3A_1492 : vector<16xi32>
      %jit3A_1494 = arith.constant 200 : i32
      %eq3A_1495 = arith.constant 0 : i32
      %eq3A_1496 = arith.cmpi eq, %jit3A_1494, %eq3A_1495 : i32
      %jit3A_1497 = arith.constant 1 : i32
      %select_n3A_1498 = arith.select %eq3A_1496, %jit3A_1497, %jit3A_1494 : i32
      %rem3A_1499 = vector.broadcast %select_n3A_1498 : i32 to vector<16xi32>
      %rem3A_1500 = arith.remui %xor3A_1493, %rem3A_1499 : vector<16xi32>
      %ne3A_1501 = arith.constant 0 : i32
      %ne3A_1502 = vector.broadcast %ne3A_1501 : i32 to vector<16xi32>
      %ne3A_1503 = arith.cmpi ne, %rem3A_1500, %ne3A_1502 : vector<16xi32>
      %lt3A_1504 = arith.constant 0 : i32
      %lt3A_1505 = vector.broadcast %lt3A_1504 : i32 to vector<16xi32>
      %lt3A_1506 = arith.cmpi ult, %rem3A_1500, %lt3A_1505 : vector<16xi32>
      %lt3A_1507 = arith.constant 0 : i32
      %lt3A_1508 = arith.cmpi ult, %select_n3A_1498, %lt3A_1507 : i32
      %ne3A_1509 = vector.broadcast %lt3A_1508 : i1 to vector<16xi1>
      %ne3A_1510 = vector.broadcast %ne3A_1509 : vector<16xi1> to vector<16xi1>
      %ne3A_1511 = arith.xori %lt3A_1506, %ne3A_1510 : vector<16xi1>
      %and3A_1512 = arith.andi %ne3A_1511, %ne3A_1503 : vector<16xi1>
      %add3A_1513 = vector.broadcast %select_n3A_1498 : i32 to vector<16xi32>
      %add3A_1514 = arith.addi %rem3A_1500, %add3A_1513 : vector<16xi32>
      %select_n3A_1515 = arith.select %and3A_1512, %add3A_1514, %rem3A_1500 : vector<16xi1>, vector<16xi32>
      %mul3A_1516 = arith.constant 96 : i32
      %mul3A_1517 = vector.broadcast %mul3A_1516 : i32 to vector<16xi32>
      %mul3A_1518 = arith.muli %select_n3A_1277, %mul3A_1517 : vector<16xi32>
      %add3A_1519 = arith.addi %mul3A_1518, %select_n3A_1515 : vector<16xi32>
      %jit3A_1520 = arith.constant 200 : i32
      %eq3A_1521 = arith.constant 0 : i32
      %eq3A_1522 = arith.cmpi eq, %jit3A_1520, %eq3A_1521 : i32
      %jit3A_1523 = arith.constant 1 : i32
      %select_n3A_1524 = arith.select %eq3A_1522, %jit3A_1523, %jit3A_1520 : i32
      %rem3A_1525 = vector.broadcast %select_n3A_1524 : i32 to vector<16xi32>
      %rem3A_1526 = arith.remui %add3A_1519, %rem3A_1525 : vector<16xi32>
      %ne3A_1527 = arith.constant 0 : i32
      %ne3A_1528 = vector.broadcast %ne3A_1527 : i32 to vector<16xi32>
      %ne3A_1529 = arith.cmpi ne, %rem3A_1526, %ne3A_1528 : vector<16xi32>
      %lt3A_1530 = arith.constant 0 : i32
      %lt3A_1531 = vector.broadcast %lt3A_1530 : i32 to vector<16xi32>
      %lt3A_1532 = arith.cmpi ult, %rem3A_1526, %lt3A_1531 : vector<16xi32>
      %lt3A_1533 = arith.constant 0 : i32
      %lt3A_1534 = arith.cmpi ult, %select_n3A_1524, %lt3A_1533 : i32
      %ne3A_1535 = vector.broadcast %lt3A_1534 : i1 to vector<16xi1>
      %ne3A_1536 = vector.broadcast %ne3A_1535 : vector<16xi1> to vector<16xi1>
      %ne3A_1537 = arith.xori %lt3A_1532, %ne3A_1536 : vector<16xi1>
      %and3A_1538 = arith.andi %ne3A_1537, %ne3A_1529 : vector<16xi1>
      %add3A_1539 = vector.broadcast %select_n3A_1524 : i32 to vector<16xi32>
      %add3A_1540 = arith.addi %rem3A_1526, %add3A_1539 : vector<16xi32>
      %select_n3A_1541 = arith.select %and3A_1538, %add3A_1540, %rem3A_1526 : vector<16xi1>, vector<16xi32>
      %mul3A_1542 = arith.constant 16 : i32
      %mul3A_1543 = arith.muli %scan3A_1034, %mul3A_1542 : i32
      %mul3A_1544 = arith.constant 128 : i32
      %mul3A_1545 = arith.muli %mul3A_1543, %mul3A_1544 : i32
      %mul3A_1546 = arith.constant 128 : i32
      %mul3A_1547 = vector.broadcast %mul3A_1546 : i32 to vector<16xi32>
      %mul3A_1548 = arith.muli %iota3A, %mul3A_1547 : vector<16xi32>
      %add3A_1549 = vector.broadcast %mul3A_1545 : i32 to vector<16xi32>
      %add3A_1550 = arith.addi %add3A_1549, %mul3A_1548 : vector<16xi32>
      tpu.vector_store_idx %arg3[%add3A_1550], %select_n3A_1541 : memref<65536xi32, #tpu.memory_space<vmem>>[vector<16xi32>], vector<16xi32>,
      %scan3A_1551 = arith.constant 3 : i32
      %scan3A_1552 = arith.addi %scan3A_10, %scan3A_1551 : i32
      %mul3A_1553 = arith.constant 16 : i32
      %mul3A_1554 = arith.muli %scan3A_1552, %mul3A_1553 : i32
      %add3A_1555 = arith.addi %mul3A_2, %mul3A_1554 : i32
      %broadcast_in_dim3A_1556 = vector.broadcast %add3A_1555 : i32 to vector<16xi32>
      %add3A_1557 = arith.addi %broadcast_in_dim3A_1556, %iota3A : vector<16xi32>
      %broadcast_in_dim3A_1558 = arith.constant -1107590415 : i32
      %broadcast_in_dim3A_1559 = vector.broadcast %broadcast_in_dim3A_1558 : i32 to vector<16xi32>
      %add3A_1560 = arith.constant 129218101 : i32
      %add3A_1561 = vector.broadcast %add3A_1560 : i32 to vector<16xi32>
      %add3A_1562 = arith.addi %add3A_1557, %add3A_1561 : vector<16xi32>
      %add3A_1563 = arith.addi %broadcast_in_dim3A_1559, %add3A_1562 : vector<16xi32>
      %shift_left3A_1564 = arith.constant 13 : i32
      %shift_left3A_1565 = vector.broadcast %shift_left3A_1564 : i32 to vector<16xi32>
      %shift_left3A_1566 = arith.shli %add3A_1562, %shift_left3A_1565 : vector<16xi32>
      %shift_right_logical3A_1567 = arith.constant 19 : i32
      %shift_right_logical3A_1568 = vector.broadcast %shift_right_logical3A_1567 : i32 to vector<16xi32>
      %shift_right_logical3A_1569 = arith.shrui %add3A_1562, %shift_right_logical3A_1568 : vector<16xi32>
      %or3A_1570 = arith.ori %shift_left3A_1566, %shift_right_logical3A_1569 : vector<16xi32>
      %xor3A_1571 = arith.xori %or3A_1570, %add3A_1563 : vector<16xi32>
      %add3A_1572 = arith.addi %add3A_1563, %xor3A_1571 : vector<16xi32>
      %shift_left3A_1573 = arith.constant 15 : i32
      %shift_left3A_1574 = vector.broadcast %shift_left3A_1573 : i32 to vector<16xi32>
      %shift_left3A_1575 = arith.shli %xor3A_1571, %shift_left3A_1574 : vector<16xi32>
      %shift_right_logical3A_1576 = arith.constant 17 : i32
      %shift_right_logical3A_1577 = vector.broadcast %shift_right_logical3A_1576 : i32 to vector<16xi32>
      %shift_right_logical3A_1578 = arith.shrui %xor3A_1571, %shift_right_logical3A_1577 : vector<16xi32>
      %or3A_1579 = arith.ori %shift_left3A_1575, %shift_right_logical3A_1578 : vector<16xi32>
      %xor3A_1580 = arith.xori %or3A_1579, %add3A_1572 : vector<16xi32>
      %add3A_1581 = arith.addi %add3A_1572, %xor3A_1580 : vector<16xi32>
      %shift_left3A_1582 = arith.constant 26 : i32
      %shift_left3A_1583 = vector.broadcast %shift_left3A_1582 : i32 to vector<16xi32>
      %shift_left3A_1584 = arith.shli %xor3A_1580, %shift_left3A_1583 : vector<16xi32>
      %shift_right_logical3A_1585 = arith.constant 6 : i32
      %shift_right_logical3A_1586 = vector.broadcast %shift_right_logical3A_1585 : i32 to vector<16xi32>
      %shift_right_logical3A_1587 = arith.shrui %xor3A_1580, %shift_right_logical3A_1586 : vector<16xi32>
      %or3A_1588 = arith.ori %shift_left3A_1584, %shift_right_logical3A_1587 : vector<16xi32>
      %xor3A_1589 = arith.xori %or3A_1588, %add3A_1581 : vector<16xi32>
      %add3A_1590 = arith.addi %add3A_1581, %xor3A_1589 : vector<16xi32>
      %shift_left3A_1591 = arith.constant 6 : i32
      %shift_left3A_1592 = vector.broadcast %shift_left3A_1591 : i32 to vector<16xi32>
      %shift_left3A_1593 = arith.shli %xor3A_1589, %shift_left3A_1592 : vector<16xi32>
      %shift_right_logical3A_1594 = arith.constant 26 : i32
      %shift_right_logical3A_1595 = vector.broadcast %shift_right_logical3A_1594 : i32 to vector<16xi32>
      %shift_right_logical3A_1596 = arith.shrui %xor3A_1589, %shift_right_logical3A_1595 : vector<16xi32>
      %or3A_1597 = arith.ori %shift_left3A_1593, %shift_right_logical3A_1596 : vector<16xi32>
      %xor3A_1598 = arith.xori %or3A_1597, %add3A_1590 : vector<16xi32>
      %add3A_1599 = arith.constant 129218101 : i32
      %add3A_1600 = vector.broadcast %add3A_1599 : i32 to vector<16xi32>
      %add3A_1601 = arith.addi %add3A_1590, %add3A_1600 : vector<16xi32>
      %add3A_1602 = arith.constant -1583796449 : i32
      %add3A_1603 = vector.broadcast %add3A_1602 : i32 to vector<16xi32>
      %add3A_1604 = arith.addi %xor3A_1598, %add3A_1603 : vector<16xi32>
      %add3A_1605 = arith.addi %add3A_1601, %add3A_1604 : vector<16xi32>
      %shift_left3A_1606 = arith.constant 17 : i32
      %shift_left3A_1607 = vector.broadcast %shift_left3A_1606 : i32 to vector<16xi32>
      %shift_left3A_1608 = arith.shli %add3A_1604, %shift_left3A_1607 : vector<16xi32>
      %shift_right_logical3A_1609 = arith.constant 15 : i32
      %shift_right_logical3A_1610 = vector.broadcast %shift_right_logical3A_1609 : i32 to vector<16xi32>
      %shift_right_logical3A_1611 = arith.shrui %add3A_1604, %shift_right_logical3A_1610 : vector<16xi32>
      %or3A_1612 = arith.ori %shift_left3A_1608, %shift_right_logical3A_1611 : vector<16xi32>
      %xor3A_1613 = arith.xori %or3A_1612, %add3A_1605 : vector<16xi32>
      %add3A_1614 = arith.addi %add3A_1605, %xor3A_1613 : vector<16xi32>
      %shift_left3A_1615 = arith.constant 29 : i32
      %shift_left3A_1616 = vector.broadcast %shift_left3A_1615 : i32 to vector<16xi32>
      %shift_left3A_1617 = arith.shli %xor3A_1613, %shift_left3A_1616 : vector<16xi32>
      %shift_right_logical3A_1618 = arith.constant 3 : i32
      %shift_right_logical3A_1619 = vector.broadcast %shift_right_logical3A_1618 : i32 to vector<16xi32>
      %shift_right_logical3A_1620 = arith.shrui %xor3A_1613, %shift_right_logical3A_1619 : vector<16xi32>
      %or3A_1621 = arith.ori %shift_left3A_1617, %shift_right_logical3A_1620 : vector<16xi32>
      %xor3A_1622 = arith.xori %or3A_1621, %add3A_1614 : vector<16xi32>
      %add3A_1623 = arith.addi %add3A_1614, %xor3A_1622 : vector<16xi32>
      %shift_left3A_1624 = arith.constant 16 : i32
      %shift_left3A_1625 = vector.broadcast %shift_left3A_1624 : i32 to vector<16xi32>
      %shift_left3A_1626 = arith.shli %xor3A_1622, %shift_left3A_1625 : vector<16xi32>
      %shift_right_logical3A_1627 = arith.constant 16 : i32
      %shift_right_logical3A_1628 = vector.broadcast %shift_right_logical3A_1627 : i32 to vector<16xi32>
      %shift_right_logical3A_1629 = arith.shrui %xor3A_1622, %shift_right_logical3A_1628 : vector<16xi32>
      %or3A_1630 = arith.ori %shift_left3A_1626, %shift_right_logical3A_1629 : vector<16xi32>
      %xor3A_1631 = arith.xori %or3A_1630, %add3A_1623 : vector<16xi32>
      %add3A_1632 = arith.addi %add3A_1623, %xor3A_1631 : vector<16xi32>
      %shift_left3A_1633 = arith.constant 24 : i32
      %shift_left3A_1634 = vector.broadcast %shift_left3A_1633 : i32 to vector<16xi32>
      %shift_left3A_1635 = arith.shli %xor3A_1631, %shift_left3A_1634 : vector<16xi32>
      %shift_right_logical3A_1636 = arith.constant 8 : i32
      %shift_right_logical3A_1637 = vector.broadcast %shift_right_logical3A_1636 : i32 to vector<16xi32>
      %shift_right_logical3A_1638 = arith.shrui %xor3A_1631, %shift_right_logical3A_1637 : vector<16xi32>
      %or3A_1639 = arith.ori %shift_left3A_1635, %shift_right_logical3A_1638 : vector<16xi32>
      %xor3A_1640 = arith.xori %or3A_1639, %add3A_1632 : vector<16xi32>
      %add3A_1641 = arith.constant -1583796450 : i32
      %add3A_1642 = vector.broadcast %add3A_1641 : i32 to vector<16xi32>
      %add3A_1643 = arith.addi %add3A_1632, %add3A_1642 : vector<16xi32>
      %add3A_1644 = arith.constant -1107590413 : i32
      %add3A_1645 = vector.broadcast %add3A_1644 : i32 to vector<16xi32>
      %add3A_1646 = arith.addi %xor3A_1640, %add3A_1645 : vector<16xi32>
      %add3A_1647 = arith.addi %add3A_1643, %add3A_1646 : vector<16xi32>
      %shift_left3A_1648 = arith.constant 13 : i32
      %shift_left3A_1649 = vector.broadcast %shift_left3A_1648 : i32 to vector<16xi32>
      %shift_left3A_1650 = arith.shli %add3A_1646, %shift_left3A_1649 : vector<16xi32>
      %shift_right_logical3A_1651 = arith.constant 19 : i32
      %shift_right_logical3A_1652 = vector.broadcast %shift_right_logical3A_1651 : i32 to vector<16xi32>
      %shift_right_logical3A_1653 = arith.shrui %add3A_1646, %shift_right_logical3A_1652 : vector<16xi32>
      %or3A_1654 = arith.ori %shift_left3A_1650, %shift_right_logical3A_1653 : vector<16xi32>
      %xor3A_1655 = arith.xori %or3A_1654, %add3A_1647 : vector<16xi32>
      %add3A_1656 = arith.addi %add3A_1647, %xor3A_1655 : vector<16xi32>
      %shift_left3A_1657 = arith.constant 15 : i32
      %shift_left3A_1658 = vector.broadcast %shift_left3A_1657 : i32 to vector<16xi32>
      %shift_left3A_1659 = arith.shli %xor3A_1655, %shift_left3A_1658 : vector<16xi32>
      %shift_right_logical3A_1660 = arith.constant 17 : i32
      %shift_right_logical3A_1661 = vector.broadcast %shift_right_logical3A_1660 : i32 to vector<16xi32>
      %shift_right_logical3A_1662 = arith.shrui %xor3A_1655, %shift_right_logical3A_1661 : vector<16xi32>
      %or3A_1663 = arith.ori %shift_left3A_1659, %shift_right_logical3A_1662 : vector<16xi32>
      %xor3A_1664 = arith.xori %or3A_1663, %add3A_1656 : vector<16xi32>
      %add3A_1665 = arith.addi %add3A_1656, %xor3A_1664 : vector<16xi32>
      %shift_left3A_1666 = arith.constant 26 : i32
      %shift_left3A_1667 = vector.broadcast %shift_left3A_1666 : i32 to vector<16xi32>
      %shift_left3A_1668 = arith.shli %xor3A_1664, %shift_left3A_1667 : vector<16xi32>
      %shift_right_logical3A_1669 = arith.constant 6 : i32
      %shift_right_logical3A_1670 = vector.broadcast %shift_right_logical3A_1669 : i32 to vector<16xi32>
      %shift_right_logical3A_1671 = arith.shrui %xor3A_1664, %shift_right_logical3A_1670 : vector<16xi32>
      %or3A_1672 = arith.ori %shift_left3A_1668, %shift_right_logical3A_1671 : vector<16xi32>
      %xor3A_1673 = arith.xori %or3A_1672, %add3A_1665 : vector<16xi32>
      %add3A_1674 = arith.addi %add3A_1665, %xor3A_1673 : vector<16xi32>
      %shift_left3A_1675 = arith.constant 6 : i32
      %shift_left3A_1676 = vector.broadcast %shift_left3A_1675 : i32 to vector<16xi32>
      %shift_left3A_1677 = arith.shli %xor3A_1673, %shift_left3A_1676 : vector<16xi32>
      %shift_right_logical3A_1678 = arith.constant 26 : i32
      %shift_right_logical3A_1679 = vector.broadcast %shift_right_logical3A_1678 : i32 to vector<16xi32>
      %shift_right_logical3A_1680 = arith.shrui %xor3A_1673, %shift_right_logical3A_1679 : vector<16xi32>
      %or3A_1681 = arith.ori %shift_left3A_1677, %shift_right_logical3A_1680 : vector<16xi32>
      %xor3A_1682 = arith.xori %or3A_1681, %add3A_1674 : vector<16xi32>
      %add3A_1683 = arith.constant -1107590415 : i32
      %add3A_1684 = vector.broadcast %add3A_1683 : i32 to vector<16xi32>
      %add3A_1685 = arith.addi %add3A_1674, %add3A_1684 : vector<16xi32>
      %add3A_1686 = arith.constant 129218104 : i32
      %add3A_1687 = vector.broadcast %add3A_1686 : i32 to vector<16xi32>
      %add3A_1688 = arith.addi %xor3A_1682, %add3A_1687 : vector<16xi32>
      %add3A_1689 = arith.addi %add3A_1685, %add3A_1688 : vector<16xi32>
      %shift_left3A_1690 = arith.constant 17 : i32
      %shift_left3A_1691 = vector.broadcast %shift_left3A_1690 : i32 to vector<16xi32>
      %shift_left3A_1692 = arith.shli %add3A_1688, %shift_left3A_1691 : vector<16xi32>
      %shift_right_logical3A_1693 = arith.constant 15 : i32
      %shift_right_logical3A_1694 = vector.broadcast %shift_right_logical3A_1693 : i32 to vector<16xi32>
      %shift_right_logical3A_1695 = arith.shrui %add3A_1688, %shift_right_logical3A_1694 : vector<16xi32>
      %or3A_1696 = arith.ori %shift_left3A_1692, %shift_right_logical3A_1695 : vector<16xi32>
      %xor3A_1697 = arith.xori %or3A_1696, %add3A_1689 : vector<16xi32>
      %add3A_1698 = arith.addi %add3A_1689, %xor3A_1697 : vector<16xi32>
      %shift_left3A_1699 = arith.constant 29 : i32
      %shift_left3A_1700 = vector.broadcast %shift_left3A_1699 : i32 to vector<16xi32>
      %shift_left3A_1701 = arith.shli %xor3A_1697, %shift_left3A_1700 : vector<16xi32>
      %shift_right_logical3A_1702 = arith.constant 3 : i32
      %shift_right_logical3A_1703 = vector.broadcast %shift_right_logical3A_1702 : i32 to vector<16xi32>
      %shift_right_logical3A_1704 = arith.shrui %xor3A_1697, %shift_right_logical3A_1703 : vector<16xi32>
      %or3A_1705 = arith.ori %shift_left3A_1701, %shift_right_logical3A_1704 : vector<16xi32>
      %xor3A_1706 = arith.xori %or3A_1705, %add3A_1698 : vector<16xi32>
      %add3A_1707 = arith.addi %add3A_1698, %xor3A_1706 : vector<16xi32>
      %shift_left3A_1708 = arith.constant 16 : i32
      %shift_left3A_1709 = vector.broadcast %shift_left3A_1708 : i32 to vector<16xi32>
      %shift_left3A_1710 = arith.shli %xor3A_1706, %shift_left3A_1709 : vector<16xi32>
      %shift_right_logical3A_1711 = arith.constant 16 : i32
      %shift_right_logical3A_1712 = vector.broadcast %shift_right_logical3A_1711 : i32 to vector<16xi32>
      %shift_right_logical3A_1713 = arith.shrui %xor3A_1706, %shift_right_logical3A_1712 : vector<16xi32>
      %or3A_1714 = arith.ori %shift_left3A_1710, %shift_right_logical3A_1713 : vector<16xi32>
      %xor3A_1715 = arith.xori %or3A_1714, %add3A_1707 : vector<16xi32>
      %add3A_1716 = arith.addi %add3A_1707, %xor3A_1715 : vector<16xi32>
      %shift_left3A_1717 = arith.constant 24 : i32
      %shift_left3A_1718 = vector.broadcast %shift_left3A_1717 : i32 to vector<16xi32>
      %shift_left3A_1719 = arith.shli %xor3A_1715, %shift_left3A_1718 : vector<16xi32>
      %shift_right_logical3A_1720 = arith.constant 8 : i32
      %shift_right_logical3A_1721 = vector.broadcast %shift_right_logical3A_1720 : i32 to vector<16xi32>
      %shift_right_logical3A_1722 = arith.shrui %xor3A_1715, %shift_right_logical3A_1721 : vector<16xi32>
      %or3A_1723 = arith.ori %shift_left3A_1719, %shift_right_logical3A_1722 : vector<16xi32>
      %xor3A_1724 = arith.xori %or3A_1723, %add3A_1716 : vector<16xi32>
      %add3A_1725 = arith.constant 129218101 : i32
      %add3A_1726 = vector.broadcast %add3A_1725 : i32 to vector<16xi32>
      %add3A_1727 = arith.addi %add3A_1716, %add3A_1726 : vector<16xi32>
      %add3A_1728 = arith.constant -1583796446 : i32
      %add3A_1729 = vector.broadcast %add3A_1728 : i32 to vector<16xi32>
      %add3A_1730 = arith.addi %xor3A_1724, %add3A_1729 : vector<16xi32>
      %add3A_1731 = arith.addi %add3A_1727, %add3A_1730 : vector<16xi32>
      %shift_left3A_1732 = arith.constant 13 : i32
      %shift_left3A_1733 = vector.broadcast %shift_left3A_1732 : i32 to vector<16xi32>
      %shift_left3A_1734 = arith.shli %add3A_1730, %shift_left3A_1733 : vector<16xi32>
      %shift_right_logical3A_1735 = arith.constant 19 : i32
      %shift_right_logical3A_1736 = vector.broadcast %shift_right_logical3A_1735 : i32 to vector<16xi32>
      %shift_right_logical3A_1737 = arith.shrui %add3A_1730, %shift_right_logical3A_1736 : vector<16xi32>
      %or3A_1738 = arith.ori %shift_left3A_1734, %shift_right_logical3A_1737 : vector<16xi32>
      %xor3A_1739 = arith.xori %or3A_1738, %add3A_1731 : vector<16xi32>
      %add3A_1740 = arith.addi %add3A_1731, %xor3A_1739 : vector<16xi32>
      %shift_left3A_1741 = arith.constant 15 : i32
      %shift_left3A_1742 = vector.broadcast %shift_left3A_1741 : i32 to vector<16xi32>
      %shift_left3A_1743 = arith.shli %xor3A_1739, %shift_left3A_1742 : vector<16xi32>
      %shift_right_logical3A_1744 = arith.constant 17 : i32
      %shift_right_logical3A_1745 = vector.broadcast %shift_right_logical3A_1744 : i32 to vector<16xi32>
      %shift_right_logical3A_1746 = arith.shrui %xor3A_1739, %shift_right_logical3A_1745 : vector<16xi32>
      %or3A_1747 = arith.ori %shift_left3A_1743, %shift_right_logical3A_1746 : vector<16xi32>
      %xor3A_1748 = arith.xori %or3A_1747, %add3A_1740 : vector<16xi32>
      %add3A_1749 = arith.addi %add3A_1740, %xor3A_1748 : vector<16xi32>
      %shift_left3A_1750 = arith.constant 26 : i32
      %shift_left3A_1751 = vector.broadcast %shift_left3A_1750 : i32 to vector<16xi32>
      %shift_left3A_1752 = arith.shli %xor3A_1748, %shift_left3A_1751 : vector<16xi32>
      %shift_right_logical3A_1753 = arith.constant 6 : i32
      %shift_right_logical3A_1754 = vector.broadcast %shift_right_logical3A_1753 : i32 to vector<16xi32>
      %shift_right_logical3A_1755 = arith.shrui %xor3A_1748, %shift_right_logical3A_1754 : vector<16xi32>
      %or3A_1756 = arith.ori %shift_left3A_1752, %shift_right_logical3A_1755 : vector<16xi32>
      %xor3A_1757 = arith.xori %or3A_1756, %add3A_1749 : vector<16xi32>
      %add3A_1758 = arith.addi %add3A_1749, %xor3A_1757 : vector<16xi32>
      %shift_left3A_1759 = arith.constant 6 : i32
      %shift_left3A_1760 = vector.broadcast %shift_left3A_1759 : i32 to vector<16xi32>
      %shift_left3A_1761 = arith.shli %xor3A_1757, %shift_left3A_1760 : vector<16xi32>
      %shift_right_logical3A_1762 = arith.constant 26 : i32
      %shift_right_logical3A_1763 = vector.broadcast %shift_right_logical3A_1762 : i32 to vector<16xi32>
      %shift_right_logical3A_1764 = arith.shrui %xor3A_1757, %shift_right_logical3A_1763 : vector<16xi32>
      %or3A_1765 = arith.ori %shift_left3A_1761, %shift_right_logical3A_1764 : vector<16xi32>
      %xor3A_1766 = arith.xori %or3A_1765, %add3A_1758 : vector<16xi32>
      %add3A_1767 = arith.constant -1583796450 : i32
      %add3A_1768 = vector.broadcast %add3A_1767 : i32 to vector<16xi32>
      %add3A_1769 = arith.addi %add3A_1758, %add3A_1768 : vector<16xi32>
      %add3A_1770 = arith.constant -1107590410 : i32
      %add3A_1771 = vector.broadcast %add3A_1770 : i32 to vector<16xi32>
      %add3A_1772 = arith.addi %xor3A_1766, %add3A_1771 : vector<16xi32>
      %xor3A_1773 = arith.xori %add3A_1769, %add3A_1772 : vector<16xi32>
      %jit3A_1774 = arith.constant 200 : i32
      %eq3A_1775 = arith.constant 0 : i32
      %eq3A_1776 = arith.cmpi eq, %jit3A_1774, %eq3A_1775 : i32
      %jit3A_1777 = arith.constant 1 : i32
      %select_n3A_1778 = arith.select %eq3A_1776, %jit3A_1777, %jit3A_1774 : i32
      %rem3A_1779 = vector.broadcast %select_n3A_1778 : i32 to vector<16xi32>
      %rem3A_1780 = arith.remui %xor3A_1773, %rem3A_1779 : vector<16xi32>
      %ne3A_1781 = arith.constant 0 : i32
      %ne3A_1782 = vector.broadcast %ne3A_1781 : i32 to vector<16xi32>
      %ne3A_1783 = arith.cmpi ne, %rem3A_1780, %ne3A_1782 : vector<16xi32>
      %lt3A_1784 = arith.constant 0 : i32
      %lt3A_1785 = vector.broadcast %lt3A_1784 : i32 to vector<16xi32>
      %lt3A_1786 = arith.cmpi ult, %rem3A_1780, %lt3A_1785 : vector<16xi32>
      %lt3A_1787 = arith.constant 0 : i32
      %lt3A_1788 = arith.cmpi ult, %select_n3A_1778, %lt3A_1787 : i32
      %ne3A_1789 = vector.broadcast %lt3A_1788 : i1 to vector<16xi1>
      %ne3A_1790 = vector.broadcast %ne3A_1789 : vector<16xi1> to vector<16xi1>
      %ne3A_1791 = arith.xori %lt3A_1786, %ne3A_1790 : vector<16xi1>
      %and3A_1792 = arith.andi %ne3A_1791, %ne3A_1783 : vector<16xi1>
      %add3A_1793 = vector.broadcast %select_n3A_1778 : i32 to vector<16xi32>
      %add3A_1794 = arith.addi %rem3A_1780, %add3A_1793 : vector<16xi32>
      %select_n3A_1795 = arith.select %and3A_1792, %add3A_1794, %rem3A_1780 : vector<16xi1>, vector<16xi32>
      %broadcast_in_dim3A_1796 = arith.constant -1944951124 : i32
      %broadcast_in_dim3A_1797 = vector.broadcast %broadcast_in_dim3A_1796 : i32 to vector<16xi32>
      %add3A_1798 = arith.constant 1168365246 : i32
      %add3A_1799 = vector.broadcast %add3A_1798 : i32 to vector<16xi32>
      %add3A_1800 = arith.addi %add3A_1557, %add3A_1799 : vector<16xi32>
      %add3A_1801 = arith.addi %broadcast_in_dim3A_1797, %add3A_1800 : vector<16xi32>
      %shift_left3A_1802 = arith.constant 13 : i32
      %shift_left3A_1803 = vector.broadcast %shift_left3A_1802 : i32 to vector<16xi32>
      %shift_left3A_1804 = arith.shli %add3A_1800, %shift_left3A_1803 : vector<16xi32>
      %shift_right_logical3A_1805 = arith.constant 19 : i32
      %shift_right_logical3A_1806 = vector.broadcast %shift_right_logical3A_1805 : i32 to vector<16xi32>
      %shift_right_logical3A_1807 = arith.shrui %add3A_1800, %shift_right_logical3A_1806 : vector<16xi32>
      %or3A_1808 = arith.ori %shift_left3A_1804, %shift_right_logical3A_1807 : vector<16xi32>
      %xor3A_1809 = arith.xori %or3A_1808, %add3A_1801 : vector<16xi32>
      %add3A_1810 = arith.addi %add3A_1801, %xor3A_1809 : vector<16xi32>
      %shift_left3A_1811 = arith.constant 15 : i32
      %shift_left3A_1812 = vector.broadcast %shift_left3A_1811 : i32 to vector<16xi32>
      %shift_left3A_1813 = arith.shli %xor3A_1809, %shift_left3A_1812 : vector<16xi32>
      %shift_right_logical3A_1814 = arith.constant 17 : i32
      %shift_right_logical3A_1815 = vector.broadcast %shift_right_logical3A_1814 : i32 to vector<16xi32>
      %shift_right_logical3A_1816 = arith.shrui %xor3A_1809, %shift_right_logical3A_1815 : vector<16xi32>
      %or3A_1817 = arith.ori %shift_left3A_1813, %shift_right_logical3A_1816 : vector<16xi32>
      %xor3A_1818 = arith.xori %or3A_1817, %add3A_1810 : vector<16xi32>
      %add3A_1819 = arith.addi %add3A_1810, %xor3A_1818 : vector<16xi32>
      %shift_left3A_1820 = arith.constant 26 : i32
      %shift_left3A_1821 = vector.broadcast %shift_left3A_1820 : i32 to vector<16xi32>
      %shift_left3A_1822 = arith.shli %xor3A_1818, %shift_left3A_1821 : vector<16xi32>
      %shift_right_logical3A_1823 = arith.constant 6 : i32
      %shift_right_logical3A_1824 = vector.broadcast %shift_right_logical3A_1823 : i32 to vector<16xi32>
      %shift_right_logical3A_1825 = arith.shrui %xor3A_1818, %shift_right_logical3A_1824 : vector<16xi32>
      %or3A_1826 = arith.ori %shift_left3A_1822, %shift_right_logical3A_1825 : vector<16xi32>
      %xor3A_1827 = arith.xori %or3A_1826, %add3A_1819 : vector<16xi32>
      %add3A_1828 = arith.addi %add3A_1819, %xor3A_1827 : vector<16xi32>
      %shift_left3A_1829 = arith.constant 6 : i32
      %shift_left3A_1830 = vector.broadcast %shift_left3A_1829 : i32 to vector<16xi32>
      %shift_left3A_1831 = arith.shli %xor3A_1827, %shift_left3A_1830 : vector<16xi32>
      %shift_right_logical3A_1832 = arith.constant 26 : i32
      %shift_right_logical3A_1833 = vector.broadcast %shift_right_logical3A_1832 : i32 to vector<16xi32>
      %shift_right_logical3A_1834 = arith.shrui %xor3A_1827, %shift_right_logical3A_1833 : vector<16xi32>
      %or3A_1835 = arith.ori %shift_left3A_1831, %shift_right_logical3A_1834 : vector<16xi32>
      %xor3A_1836 = arith.xori %or3A_1835, %add3A_1828 : vector<16xi32>
      %add3A_1837 = arith.constant 1168365246 : i32
      %add3A_1838 = vector.broadcast %add3A_1837 : i32 to vector<16xi32>
      %add3A_1839 = arith.addi %add3A_1828, %add3A_1838 : vector<16xi32>
      %add3A_1840 = arith.constant -765416503 : i32
      %add3A_1841 = vector.broadcast %add3A_1840 : i32 to vector<16xi32>
      %add3A_1842 = arith.addi %xor3A_1836, %add3A_1841 : vector<16xi32>
      %add3A_1843 = arith.addi %add3A_1839, %add3A_1842 : vector<16xi32>
      %shift_left3A_1844 = arith.constant 17 : i32
      %shift_left3A_1845 = vector.broadcast %shift_left3A_1844 : i32 to vector<16xi32>
      %shift_left3A_1846 = arith.shli %add3A_1842, %shift_left3A_1845 : vector<16xi32>
      %shift_right_logical3A_1847 = arith.constant 15 : i32
      %shift_right_logical3A_1848 = vector.broadcast %shift_right_logical3A_1847 : i32 to vector<16xi32>
      %shift_right_logical3A_1849 = arith.shrui %add3A_1842, %shift_right_logical3A_1848 : vector<16xi32>
      %or3A_1850 = arith.ori %shift_left3A_1846, %shift_right_logical3A_1849 : vector<16xi32>
      %xor3A_1851 = arith.xori %or3A_1850, %add3A_1843 : vector<16xi32>
      %add3A_1852 = arith.addi %add3A_1843, %xor3A_1851 : vector<16xi32>
      %shift_left3A_1853 = arith.constant 29 : i32
      %shift_left3A_1854 = vector.broadcast %shift_left3A_1853 : i32 to vector<16xi32>
      %shift_left3A_1855 = arith.shli %xor3A_1851, %shift_left3A_1854 : vector<16xi32>
      %shift_right_logical3A_1856 = arith.constant 3 : i32
      %shift_right_logical3A_1857 = vector.broadcast %shift_right_logical3A_1856 : i32 to vector<16xi32>
      %shift_right_logical3A_1858 = arith.shrui %xor3A_1851, %shift_right_logical3A_1857 : vector<16xi32>
      %or3A_1859 = arith.ori %shift_left3A_1855, %shift_right_logical3A_1858 : vector<16xi32>
      %xor3A_1860 = arith.xori %or3A_1859, %add3A_1852 : vector<16xi32>
      %add3A_1861 = arith.addi %add3A_1852, %xor3A_1860 : vector<16xi32>
      %shift_left3A_1862 = arith.constant 16 : i32
      %shift_left3A_1863 = vector.broadcast %shift_left3A_1862 : i32 to vector<16xi32>
      %shift_left3A_1864 = arith.shli %xor3A_1860, %shift_left3A_1863 : vector<16xi32>
      %shift_right_logical3A_1865 = arith.constant 16 : i32
      %shift_right_logical3A_1866 = vector.broadcast %shift_right_logical3A_1865 : i32 to vector<16xi32>
      %shift_right_logical3A_1867 = arith.shrui %xor3A_1860, %shift_right_logical3A_1866 : vector<16xi32>
      %or3A_1868 = arith.ori %shift_left3A_1864, %shift_right_logical3A_1867 : vector<16xi32>
      %xor3A_1869 = arith.xori %or3A_1868, %add3A_1861 : vector<16xi32>
      %add3A_1870 = arith.addi %add3A_1861, %xor3A_1869 : vector<16xi32>
      %shift_left3A_1871 = arith.constant 24 : i32
      %shift_left3A_1872 = vector.broadcast %shift_left3A_1871 : i32 to vector<16xi32>
      %shift_left3A_1873 = arith.shli %xor3A_1869, %shift_left3A_1872 : vector<16xi32>
      %shift_right_logical3A_1874 = arith.constant 8 : i32
      %shift_right_logical3A_1875 = vector.broadcast %shift_right_logical3A_1874 : i32 to vector<16xi32>
      %shift_right_logical3A_1876 = arith.shrui %xor3A_1869, %shift_right_logical3A_1875 : vector<16xi32>
      %or3A_1877 = arith.ori %shift_left3A_1873, %shift_right_logical3A_1876 : vector<16xi32>
      %xor3A_1878 = arith.xori %or3A_1877, %add3A_1870 : vector<16xi32>
      %add3A_1879 = arith.constant -765416504 : i32
      %add3A_1880 = vector.broadcast %add3A_1879 : i32 to vector<16xi32>
      %add3A_1881 = arith.addi %add3A_1870, %add3A_1880 : vector<16xi32>
      %add3A_1882 = arith.constant -1944951122 : i32
      %add3A_1883 = vector.broadcast %add3A_1882 : i32 to vector<16xi32>
      %add3A_1884 = arith.addi %xor3A_1878, %add3A_1883 : vector<16xi32>
      %add3A_1885 = arith.addi %add3A_1881, %add3A_1884 : vector<16xi32>
      %shift_left3A_1886 = arith.constant 13 : i32
      %shift_left3A_1887 = vector.broadcast %shift_left3A_1886 : i32 to vector<16xi32>
      %shift_left3A_1888 = arith.shli %add3A_1884, %shift_left3A_1887 : vector<16xi32>
      %shift_right_logical3A_1889 = arith.constant 19 : i32
      %shift_right_logical3A_1890 = vector.broadcast %shift_right_logical3A_1889 : i32 to vector<16xi32>
      %shift_right_logical3A_1891 = arith.shrui %add3A_1884, %shift_right_logical3A_1890 : vector<16xi32>
      %or3A_1892 = arith.ori %shift_left3A_1888, %shift_right_logical3A_1891 : vector<16xi32>
      %xor3A_1893 = arith.xori %or3A_1892, %add3A_1885 : vector<16xi32>
      %add3A_1894 = arith.addi %add3A_1885, %xor3A_1893 : vector<16xi32>
      %shift_left3A_1895 = arith.constant 15 : i32
      %shift_left3A_1896 = vector.broadcast %shift_left3A_1895 : i32 to vector<16xi32>
      %shift_left3A_1897 = arith.shli %xor3A_1893, %shift_left3A_1896 : vector<16xi32>
      %shift_right_logical3A_1898 = arith.constant 17 : i32
      %shift_right_logical3A_1899 = vector.broadcast %shift_right_logical3A_1898 : i32 to vector<16xi32>
      %shift_right_logical3A_1900 = arith.shrui %xor3A_1893, %shift_right_logical3A_1899 : vector<16xi32>
      %or3A_1901 = arith.ori %shift_left3A_1897, %shift_right_logical3A_1900 : vector<16xi32>
      %xor3A_1902 = arith.xori %or3A_1901, %add3A_1894 : vector<16xi32>
      %add3A_1903 = arith.addi %add3A_1894, %xor3A_1902 : vector<16xi32>
      %shift_left3A_1904 = arith.constant 26 : i32
      %shift_left3A_1905 = vector.broadcast %shift_left3A_1904 : i32 to vector<16xi32>
      %shift_left3A_1906 = arith.shli %xor3A_1902, %shift_left3A_1905 : vector<16xi32>
      %shift_right_logical3A_1907 = arith.constant 6 : i32
      %shift_right_logical3A_1908 = vector.broadcast %shift_right_logical3A_1907 : i32 to vector<16xi32>
      %shift_right_logical3A_1909 = arith.shrui %xor3A_1902, %shift_right_logical3A_1908 : vector<16xi32>
      %or3A_1910 = arith.ori %shift_left3A_1906, %shift_right_logical3A_1909 : vector<16xi32>
      %xor3A_1911 = arith.xori %or3A_1910, %add3A_1903 : vector<16xi32>
      %add3A_1912 = arith.addi %add3A_1903, %xor3A_1911 : vector<16xi32>
      %shift_left3A_1913 = arith.constant 6 : i32
      %shift_left3A_1914 = vector.broadcast %shift_left3A_1913 : i32 to vector<16xi32>
      %shift_left3A_1915 = arith.shli %xor3A_1911, %shift_left3A_1914 : vector<16xi32>
      %shift_right_logical3A_1916 = arith.constant 26 : i32
      %shift_right_logical3A_1917 = vector.broadcast %shift_right_logical3A_1916 : i32 to vector<16xi32>
      %shift_right_logical3A_1918 = arith.shrui %xor3A_1911, %shift_right_logical3A_1917 : vector<16xi32>
      %or3A_1919 = arith.ori %shift_left3A_1915, %shift_right_logical3A_1918 : vector<16xi32>
      %xor3A_1920 = arith.xori %or3A_1919, %add3A_1912 : vector<16xi32>
      %add3A_1921 = arith.constant -1944951124 : i32
      %add3A_1922 = vector.broadcast %add3A_1921 : i32 to vector<16xi32>
      %add3A_1923 = arith.addi %add3A_1912, %add3A_1922 : vector<16xi32>
      %add3A_1924 = arith.constant 1168365249 : i32
      %add3A_1925 = vector.broadcast %add3A_1924 : i32 to vector<16xi32>
      %add3A_1926 = arith.addi %xor3A_1920, %add3A_1925 : vector<16xi32>
      %add3A_1927 = arith.addi %add3A_1923, %add3A_1926 : vector<16xi32>
      %shift_left3A_1928 = arith.constant 17 : i32
      %shift_left3A_1929 = vector.broadcast %shift_left3A_1928 : i32 to vector<16xi32>
      %shift_left3A_1930 = arith.shli %add3A_1926, %shift_left3A_1929 : vector<16xi32>
      %shift_right_logical3A_1931 = arith.constant 15 : i32
      %shift_right_logical3A_1932 = vector.broadcast %shift_right_logical3A_1931 : i32 to vector<16xi32>
      %shift_right_logical3A_1933 = arith.shrui %add3A_1926, %shift_right_logical3A_1932 : vector<16xi32>
      %or3A_1934 = arith.ori %shift_left3A_1930, %shift_right_logical3A_1933 : vector<16xi32>
      %xor3A_1935 = arith.xori %or3A_1934, %add3A_1927 : vector<16xi32>
      %add3A_1936 = arith.addi %add3A_1927, %xor3A_1935 : vector<16xi32>
      %shift_left3A_1937 = arith.constant 29 : i32
      %shift_left3A_1938 = vector.broadcast %shift_left3A_1937 : i32 to vector<16xi32>
      %shift_left3A_1939 = arith.shli %xor3A_1935, %shift_left3A_1938 : vector<16xi32>
      %shift_right_logical3A_1940 = arith.constant 3 : i32
      %shift_right_logical3A_1941 = vector.broadcast %shift_right_logical3A_1940 : i32 to vector<16xi32>
      %shift_right_logical3A_1942 = arith.shrui %xor3A_1935, %shift_right_logical3A_1941 : vector<16xi32>
      %or3A_1943 = arith.ori %shift_left3A_1939, %shift_right_logical3A_1942 : vector<16xi32>
      %xor3A_1944 = arith.xori %or3A_1943, %add3A_1936 : vector<16xi32>
      %add3A_1945 = arith.addi %add3A_1936, %xor3A_1944 : vector<16xi32>
      %shift_left3A_1946 = arith.constant 16 : i32
      %shift_left3A_1947 = vector.broadcast %shift_left3A_1946 : i32 to vector<16xi32>
      %shift_left3A_1948 = arith.shli %xor3A_1944, %shift_left3A_1947 : vector<16xi32>
      %shift_right_logical3A_1949 = arith.constant 16 : i32
      %shift_right_logical3A_1950 = vector.broadcast %shift_right_logical3A_1949 : i32 to vector<16xi32>
      %shift_right_logical3A_1951 = arith.shrui %xor3A_1944, %shift_right_logical3A_1950 : vector<16xi32>
      %or3A_1952 = arith.ori %shift_left3A_1948, %shift_right_logical3A_1951 : vector<16xi32>
      %xor3A_1953 = arith.xori %or3A_1952, %add3A_1945 : vector<16xi32>
      %add3A_1954 = arith.addi %add3A_1945, %xor3A_1953 : vector<16xi32>
      %shift_left3A_1955 = arith.constant 24 : i32
      %shift_left3A_1956 = vector.broadcast %shift_left3A_1955 : i32 to vector<16xi32>
      %shift_left3A_1957 = arith.shli %xor3A_1953, %shift_left3A_1956 : vector<16xi32>
      %shift_right_logical3A_1958 = arith.constant 8 : i32
      %shift_right_logical3A_1959 = vector.broadcast %shift_right_logical3A_1958 : i32 to vector<16xi32>
      %shift_right_logical3A_1960 = arith.shrui %xor3A_1953, %shift_right_logical3A_1959 : vector<16xi32>
      %or3A_1961 = arith.ori %shift_left3A_1957, %shift_right_logical3A_1960 : vector<16xi32>
      %xor3A_1962 = arith.xori %or3A_1961, %add3A_1954 : vector<16xi32>
      %add3A_1963 = arith.constant 1168365246 : i32
      %add3A_1964 = vector.broadcast %add3A_1963 : i32 to vector<16xi32>
      %add3A_1965 = arith.addi %add3A_1954, %add3A_1964 : vector<16xi32>
      %add3A_1966 = arith.constant -765416500 : i32
      %add3A_1967 = vector.broadcast %add3A_1966 : i32 to vector<16xi32>
      %add3A_1968 = arith.addi %xor3A_1962, %add3A_1967 : vector<16xi32>
      %add3A_1969 = arith.addi %add3A_1965, %add3A_1968 : vector<16xi32>
      %shift_left3A_1970 = arith.constant 13 : i32
      %shift_left3A_1971 = vector.broadcast %shift_left3A_1970 : i32 to vector<16xi32>
      %shift_left3A_1972 = arith.shli %add3A_1968, %shift_left3A_1971 : vector<16xi32>
      %shift_right_logical3A_1973 = arith.constant 19 : i32
      %shift_right_logical3A_1974 = vector.broadcast %shift_right_logical3A_1973 : i32 to vector<16xi32>
      %shift_right_logical3A_1975 = arith.shrui %add3A_1968, %shift_right_logical3A_1974 : vector<16xi32>
      %or3A_1976 = arith.ori %shift_left3A_1972, %shift_right_logical3A_1975 : vector<16xi32>
      %xor3A_1977 = arith.xori %or3A_1976, %add3A_1969 : vector<16xi32>
      %add3A_1978 = arith.addi %add3A_1969, %xor3A_1977 : vector<16xi32>
      %shift_left3A_1979 = arith.constant 15 : i32
      %shift_left3A_1980 = vector.broadcast %shift_left3A_1979 : i32 to vector<16xi32>
      %shift_left3A_1981 = arith.shli %xor3A_1977, %shift_left3A_1980 : vector<16xi32>
      %shift_right_logical3A_1982 = arith.constant 17 : i32
      %shift_right_logical3A_1983 = vector.broadcast %shift_right_logical3A_1982 : i32 to vector<16xi32>
      %shift_right_logical3A_1984 = arith.shrui %xor3A_1977, %shift_right_logical3A_1983 : vector<16xi32>
      %or3A_1985 = arith.ori %shift_left3A_1981, %shift_right_logical3A_1984 : vector<16xi32>
      %xor3A_1986 = arith.xori %or3A_1985, %add3A_1978 : vector<16xi32>
      %add3A_1987 = arith.addi %add3A_1978, %xor3A_1986 : vector<16xi32>
      %shift_left3A_1988 = arith.constant 26 : i32
      %shift_left3A_1989 = vector.broadcast %shift_left3A_1988 : i32 to vector<16xi32>
      %shift_left3A_1990 = arith.shli %xor3A_1986, %shift_left3A_1989 : vector<16xi32>
      %shift_right_logical3A_1991 = arith.constant 6 : i32
      %shift_right_logical3A_1992 = vector.broadcast %shift_right_logical3A_1991 : i32 to vector<16xi32>
      %shift_right_logical3A_1993 = arith.shrui %xor3A_1986, %shift_right_logical3A_1992 : vector<16xi32>
      %or3A_1994 = arith.ori %shift_left3A_1990, %shift_right_logical3A_1993 : vector<16xi32>
      %xor3A_1995 = arith.xori %or3A_1994, %add3A_1987 : vector<16xi32>
      %add3A_1996 = arith.addi %add3A_1987, %xor3A_1995 : vector<16xi32>
      %shift_left3A_1997 = arith.constant 6 : i32
      %shift_left3A_1998 = vector.broadcast %shift_left3A_1997 : i32 to vector<16xi32>
      %shift_left3A_1999 = arith.shli %xor3A_1995, %shift_left3A_1998 : vector<16xi32>
      %shift_right_logical3A_2000 = arith.constant 26 : i32
      %shift_right_logical3A_2001 = vector.broadcast %shift_right_logical3A_2000 : i32 to vector<16xi32>
      %shift_right_logical3A_2002 = arith.shrui %xor3A_1995, %shift_right_logical3A_2001 : vector<16xi32>
      %or3A_2003 = arith.ori %shift_left3A_1999, %shift_right_logical3A_2002 : vector<16xi32>
      %xor3A_2004 = arith.xori %or3A_2003, %add3A_1996 : vector<16xi32>
      %add3A_2005 = arith.constant -765416504 : i32
      %add3A_2006 = vector.broadcast %add3A_2005 : i32 to vector<16xi32>
      %add3A_2007 = arith.addi %add3A_1996, %add3A_2006 : vector<16xi32>
      %add3A_2008 = arith.constant -1944951119 : i32
      %add3A_2009 = vector.broadcast %add3A_2008 : i32 to vector<16xi32>
      %add3A_2010 = arith.addi %xor3A_2004, %add3A_2009 : vector<16xi32>
      %xor3A_2011 = arith.xori %add3A_2007, %add3A_2010 : vector<16xi32>
      %jit3A_2012 = arith.constant 200 : i32
      %eq3A_2013 = arith.constant 0 : i32
      %eq3A_2014 = arith.cmpi eq, %jit3A_2012, %eq3A_2013 : i32
      %jit3A_2015 = arith.constant 1 : i32
      %select_n3A_2016 = arith.select %eq3A_2014, %jit3A_2015, %jit3A_2012 : i32
      %rem3A_2017 = vector.broadcast %select_n3A_2016 : i32 to vector<16xi32>
      %rem3A_2018 = arith.remui %xor3A_2011, %rem3A_2017 : vector<16xi32>
      %ne3A_2019 = arith.constant 0 : i32
      %ne3A_2020 = vector.broadcast %ne3A_2019 : i32 to vector<16xi32>
      %ne3A_2021 = arith.cmpi ne, %rem3A_2018, %ne3A_2020 : vector<16xi32>
      %lt3A_2022 = arith.constant 0 : i32
      %lt3A_2023 = vector.broadcast %lt3A_2022 : i32 to vector<16xi32>
      %lt3A_2024 = arith.cmpi ult, %rem3A_2018, %lt3A_2023 : vector<16xi32>
      %lt3A_2025 = arith.constant 0 : i32
      %lt3A_2026 = arith.cmpi ult, %select_n3A_2016, %lt3A_2025 : i32
      %ne3A_2027 = vector.broadcast %lt3A_2026 : i1 to vector<16xi1>
      %ne3A_2028 = vector.broadcast %ne3A_2027 : vector<16xi1> to vector<16xi1>
      %ne3A_2029 = arith.xori %lt3A_2024, %ne3A_2028 : vector<16xi1>
      %and3A_2030 = arith.andi %ne3A_2029, %ne3A_2021 : vector<16xi1>
      %add3A_2031 = vector.broadcast %select_n3A_2016 : i32 to vector<16xi32>
      %add3A_2032 = arith.addi %rem3A_2018, %add3A_2031 : vector<16xi32>
      %select_n3A_2033 = arith.select %and3A_2030, %add3A_2032, %rem3A_2018 : vector<16xi1>, vector<16xi32>
      %mul3A_2034 = arith.constant 96 : i32
      %mul3A_2035 = vector.broadcast %mul3A_2034 : i32 to vector<16xi32>
      %mul3A_2036 = arith.muli %select_n3A_1795, %mul3A_2035 : vector<16xi32>
      %add3A_2037 = arith.addi %mul3A_2036, %select_n3A_2033 : vector<16xi32>
      %jit3A_2038 = arith.constant 200 : i32
      %eq3A_2039 = arith.constant 0 : i32
      %eq3A_2040 = arith.cmpi eq, %jit3A_2038, %eq3A_2039 : i32
      %jit3A_2041 = arith.constant 1 : i32
      %select_n3A_2042 = arith.select %eq3A_2040, %jit3A_2041, %jit3A_2038 : i32
      %rem3A_2043 = vector.broadcast %select_n3A_2042 : i32 to vector<16xi32>
      %rem3A_2044 = arith.remui %add3A_2037, %rem3A_2043 : vector<16xi32>
      %ne3A_2045 = arith.constant 0 : i32
      %ne3A_2046 = vector.broadcast %ne3A_2045 : i32 to vector<16xi32>
      %ne3A_2047 = arith.cmpi ne, %rem3A_2044, %ne3A_2046 : vector<16xi32>
      %lt3A_2048 = arith.constant 0 : i32
      %lt3A_2049 = vector.broadcast %lt3A_2048 : i32 to vector<16xi32>
      %lt3A_2050 = arith.cmpi ult, %rem3A_2044, %lt3A_2049 : vector<16xi32>
      %lt3A_2051 = arith.constant 0 : i32
      %lt3A_2052 = arith.cmpi ult, %select_n3A_2042, %lt3A_2051 : i32
      %ne3A_2053 = vector.broadcast %lt3A_2052 : i1 to vector<16xi1>
      %ne3A_2054 = vector.broadcast %ne3A_2053 : vector<16xi1> to vector<16xi1>
      %ne3A_2055 = arith.xori %lt3A_2050, %ne3A_2054 : vector<16xi1>
      %and3A_2056 = arith.andi %ne3A_2055, %ne3A_2047 : vector<16xi1>
      %add3A_2057 = vector.broadcast %select_n3A_2042 : i32 to vector<16xi32>
      %add3A_2058 = arith.addi %rem3A_2044, %add3A_2057 : vector<16xi32>
      %select_n3A_2059 = arith.select %and3A_2056, %add3A_2058, %rem3A_2044 : vector<16xi1>, vector<16xi32>
      %mul3A_2060 = arith.constant 16 : i32
      %mul3A_2061 = arith.muli %scan3A_1552, %mul3A_2060 : i32
      %mul3A_2062 = arith.constant 128 : i32
      %mul3A_2063 = arith.muli %mul3A_2061, %mul3A_2062 : i32
      %mul3A_2064 = arith.constant 128 : i32
      %mul3A_2065 = vector.broadcast %mul3A_2064 : i32 to vector<16xi32>
      %mul3A_2066 = arith.muli %iota3A, %mul3A_2065 : vector<16xi32>
      %add3A_2067 = vector.broadcast %mul3A_2063 : i32 to vector<16xi32>
      %add3A_2068 = arith.addi %add3A_2067, %mul3A_2066 : vector<16xi32>
      tpu.vector_store_idx %arg3[%add3A_2068], %select_n3A_2059 : memref<65536xi32, #tpu.memory_space<vmem>>[vector<16xi32>], vector<16xi32>,
    }
    %scan3A_7 = arith.constant 32 : i32
    %mul3A_8 = arith.constant 128 : i32
    %mul3A_9 = arith.muli %mul3A_2, %mul3A_8 : i32
    "tpu.region"() ({
      %run_scoped3A = tpu.sem_alloc : memref<!tpu.dma_semaphore, #tpu.memory_space<semaphore_mem>>
      %dma_start3A = tpu.memref_slice %arg2[%mul3A_9] : memref<2097152xi32, #tpu.memory_space<hbm>> -> memref<65536xi32, #tpu.memory_space<hbm>>
      %dma_start3A_10 = tpu.memref_slice %arg2[%mul3A_9] : memref<2097152xi32, #tpu.memory_space<hbm>> -> memref<65536xi32, #tpu.memory_space<hbm>>
      tpu.enqueue_dma source(%arg3 : memref<65536xi32, #tpu.memory_space<vmem>>) target(%dma_start3A_10 : memref<65536xi32, #tpu.memory_space<hbm>>) target_semaphore(%run_scoped3A : memref<!tpu.dma_semaphore, #tpu.memory_space<semaphore_mem>>)
      %dma_wait3A = tpu.memref_slice %arg2[%mul3A_9] : memref<2097152xi32, #tpu.memory_space<hbm>> -> memref<65536xi32, #tpu.memory_space<hbm>>
      %dma_wait3A_11 = tpu.memref_slice %arg2[%mul3A_9] : memref<2097152xi32, #tpu.memory_space<hbm>> -> memref<65536xi32, #tpu.memory_space<hbm>>
      tpu.wait_dma2 semaphore(%run_scoped3A : memref<!tpu.dma_semaphore, #tpu.memory_space<semaphore_mem>>) src(%arg3 : memref<65536xi32, #tpu.memory_space<vmem>>) dst(%dma_wait3A_11 : memref<65536xi32, #tpu.memory_space<hbm>>)
      tpu.yield
    }) : () -> ()
    return
  }
}

module attributes {stable_mosaic.version = 14 : i64} {
  func.func @_tc_body(%arg0: i32, %arg1: memref<1xi32, #tpu.memory_space<smem>>, %arg2: memref<512x200xi32, #tpu.memory_space<vmem>>, %arg3: memref<512x128xi32, #tpu.memory_space<vmem>>, %arg4: memref<512x200xi32, #tpu.memory_space<vmem>>, %arg5: memref<512x200xi32, #tpu.memory_space<vmem>>) attributes {dimension_semantics = [#tpu.dimension_semantics<arbitrary>], iteration_bounds = array<i64: 32>, scalar_prefetch = 0 : i64, scratch_operands = 0 : i64, tpu.core_type = #tpu.core_type<tc>, window_params = [{transform_indices = @transform_0, window_bounds = array<i64: 1>}, {transform_indices = @transform_1, window_bounds = array<i64: 512, 200>}, {transform_indices = @transform_2, window_bounds = array<i64: 512, 128>}, {transform_indices = @transform_3, window_bounds = array<i64: 512, 200>}, {transform_indices = @transform_4, window_bounds = array<i64: 512, 200>}]} {
    %mul3A = arith.constant 512 : i32
    %mul3A_0 = arith.muli %arg0, %mul3A : i32
    %get3A = arith.constant 0 : index
    %get3A_1 = arith.constant 0 : index
    %get3A_2 = vector.load %arg2[%get3A, %get3A_1] : memref<512x200xi32, #tpu.memory_space<vmem>>, vector<512x200xi32>
    %iota3A = tpu.iota {dimensions = array<i32: 0>} : vector<512x200xi32>
    %iota3A_3 = tpu.iota {dimensions = array<i32: 1>} : vector<512x200xi32>
    %add3A = vector.broadcast %mul3A_0 : i32 to vector<512x200xi32>
    %add3A_4 = arith.addi %add3A, %iota3A : vector<512x200xi32>
    %mul3A_5 = arith.constant 200 : i32
    %mul3A_6 = vector.broadcast %mul3A_5 : i32 to vector<512x200xi32>
    %mul3A_7 = arith.muli %add3A_4, %mul3A_6 : vector<512x200xi32>
    %add3A_8 = arith.addi %mul3A_7, %iota3A_3 : vector<512x200xi32>
    %broadcast_in_dim3A = arith.constant 1832780943 : i32
    %broadcast_in_dim3A_9 = vector.broadcast %broadcast_in_dim3A : i32 to vector<512x200xi32>
    %add3A_10 = arith.constant 270669613 : i32
    %add3A_11 = vector.broadcast %add3A_10 : i32 to vector<512x200xi32>
    %add3A_12 = arith.addi %add3A_8, %add3A_11 : vector<512x200xi32>
    %add3A_13 = arith.addi %broadcast_in_dim3A_9, %add3A_12 : vector<512x200xi32>
    %shift_left3A = arith.constant 13 : i32
    %shift_left3A_14 = vector.broadcast %shift_left3A : i32 to vector<512x200xi32>
    %shift_left3A_15 = arith.shli %add3A_12, %shift_left3A_14 : vector<512x200xi32>
    %shift_right_logical3A = arith.constant 19 : i32
    %shift_right_logical3A_16 = vector.broadcast %shift_right_logical3A : i32 to vector<512x200xi32>
    %shift_right_logical3A_17 = arith.shrui %add3A_12, %shift_right_logical3A_16 : vector<512x200xi32>
    %or3A = arith.ori %shift_left3A_15, %shift_right_logical3A_17 : vector<512x200xi32>
    %xor3A = arith.xori %or3A, %add3A_13 : vector<512x200xi32>
    %add3A_18 = arith.addi %add3A_13, %xor3A : vector<512x200xi32>
    %shift_left3A_19 = arith.constant 15 : i32
    %shift_left3A_20 = vector.broadcast %shift_left3A_19 : i32 to vector<512x200xi32>
    %shift_left3A_21 = arith.shli %xor3A, %shift_left3A_20 : vector<512x200xi32>
    %shift_right_logical3A_22 = arith.constant 17 : i32
    %shift_right_logical3A_23 = vector.broadcast %shift_right_logical3A_22 : i32 to vector<512x200xi32>
    %shift_right_logical3A_24 = arith.shrui %xor3A, %shift_right_logical3A_23 : vector<512x200xi32>
    %or3A_25 = arith.ori %shift_left3A_21, %shift_right_logical3A_24 : vector<512x200xi32>
    %xor3A_26 = arith.xori %or3A_25, %add3A_18 : vector<512x200xi32>
    %add3A_27 = arith.addi %add3A_18, %xor3A_26 : vector<512x200xi32>
    %shift_left3A_28 = arith.constant 26 : i32
    %shift_left3A_29 = vector.broadcast %shift_left3A_28 : i32 to vector<512x200xi32>
    %shift_left3A_30 = arith.shli %xor3A_26, %shift_left3A_29 : vector<512x200xi32>
    %shift_right_logical3A_31 = arith.constant 6 : i32
    %shift_right_logical3A_32 = vector.broadcast %shift_right_logical3A_31 : i32 to vector<512x200xi32>
    %shift_right_logical3A_33 = arith.shrui %xor3A_26, %shift_right_logical3A_32 : vector<512x200xi32>
    %or3A_34 = arith.ori %shift_left3A_30, %shift_right_logical3A_33 : vector<512x200xi32>
    %xor3A_35 = arith.xori %or3A_34, %add3A_27 : vector<512x200xi32>
    %add3A_36 = arith.addi %add3A_27, %xor3A_35 : vector<512x200xi32>
    %shift_left3A_37 = arith.constant 6 : i32
    %shift_left3A_38 = vector.broadcast %shift_left3A_37 : i32 to vector<512x200xi32>
    %shift_left3A_39 = arith.shli %xor3A_35, %shift_left3A_38 : vector<512x200xi32>
    %shift_right_logical3A_40 = arith.constant 26 : i32
    %shift_right_logical3A_41 = vector.broadcast %shift_right_logical3A_40 : i32 to vector<512x200xi32>
    %shift_right_logical3A_42 = arith.shrui %xor3A_35, %shift_right_logical3A_41 : vector<512x200xi32>
    %or3A_43 = arith.ori %shift_left3A_39, %shift_right_logical3A_42 : vector<512x200xi32>
    %xor3A_44 = arith.xori %or3A_43, %add3A_36 : vector<512x200xi32>
    %add3A_45 = arith.constant 270669613 : i32
    %add3A_46 = vector.broadcast %add3A_45 : i32 to vector<512x200xi32>
    %add3A_47 = arith.addi %add3A_36, %add3A_46 : vector<512x200xi32>
    %add3A_48 = arith.constant 1724713081 : i32
    %add3A_49 = vector.broadcast %add3A_48 : i32 to vector<512x200xi32>
    %add3A_50 = arith.addi %xor3A_44, %add3A_49 : vector<512x200xi32>
    %add3A_51 = arith.addi %add3A_47, %add3A_50 : vector<512x200xi32>
    %shift_left3A_52 = arith.constant 17 : i32
    %shift_left3A_53 = vector.broadcast %shift_left3A_52 : i32 to vector<512x200xi32>
    %shift_left3A_54 = arith.shli %add3A_50, %shift_left3A_53 : vector<512x200xi32>
    %shift_right_logical3A_55 = arith.constant 15 : i32
    %shift_right_logical3A_56 = vector.broadcast %shift_right_logical3A_55 : i32 to vector<512x200xi32>
    %shift_right_logical3A_57 = arith.shrui %add3A_50, %shift_right_logical3A_56 : vector<512x200xi32>
    %or3A_58 = arith.ori %shift_left3A_54, %shift_right_logical3A_57 : vector<512x200xi32>
    %xor3A_59 = arith.xori %or3A_58, %add3A_51 : vector<512x200xi32>
    %add3A_60 = arith.addi %add3A_51, %xor3A_59 : vector<512x200xi32>
    %shift_left3A_61 = arith.constant 29 : i32
    %shift_left3A_62 = vector.broadcast %shift_left3A_61 : i32 to vector<512x200xi32>
    %shift_left3A_63 = arith.shli %xor3A_59, %shift_left3A_62 : vector<512x200xi32>
    %shift_right_logical3A_64 = arith.constant 3 : i32
    %shift_right_logical3A_65 = vector.broadcast %shift_right_logical3A_64 : i32 to vector<512x200xi32>
    %shift_right_logical3A_66 = arith.shrui %xor3A_59, %shift_right_logical3A_65 : vector<512x200xi32>
    %or3A_67 = arith.ori %shift_left3A_63, %shift_right_logical3A_66 : vector<512x200xi32>
    %xor3A_68 = arith.xori %or3A_67, %add3A_60 : vector<512x200xi32>
    %add3A_69 = arith.addi %add3A_60, %xor3A_68 : vector<512x200xi32>
    %shift_left3A_70 = arith.constant 16 : i32
    %shift_left3A_71 = vector.broadcast %shift_left3A_70 : i32 to vector<512x200xi32>
    %shift_left3A_72 = arith.shli %xor3A_68, %shift_left3A_71 : vector<512x200xi32>
    %shift_right_logical3A_73 = arith.constant 16 : i32
    %shift_right_logical3A_74 = vector.broadcast %shift_right_logical3A_73 : i32 to vector<512x200xi32>
    %shift_right_logical3A_75 = arith.shrui %xor3A_68, %shift_right_logical3A_74 : vector<512x200xi32>
    %or3A_76 = arith.ori %shift_left3A_72, %shift_right_logical3A_75 : vector<512x200xi32>
    %xor3A_77 = arith.xori %or3A_76, %add3A_69 : vector<512x200xi32>
    %add3A_78 = arith.addi %add3A_69, %xor3A_77 : vector<512x200xi32>
    %shift_left3A_79 = arith.constant 24 : i32
    %shift_left3A_80 = vector.broadcast %shift_left3A_79 : i32 to vector<512x200xi32>
    %shift_left3A_81 = arith.shli %xor3A_77, %shift_left3A_80 : vector<512x200xi32>
    %shift_right_logical3A_82 = arith.constant 8 : i32
    %shift_right_logical3A_83 = vector.broadcast %shift_right_logical3A_82 : i32 to vector<512x200xi32>
    %shift_right_logical3A_84 = arith.shrui %xor3A_77, %shift_right_logical3A_83 : vector<512x200xi32>
    %or3A_85 = arith.ori %shift_left3A_81, %shift_right_logical3A_84 : vector<512x200xi32>
    %xor3A_86 = arith.xori %or3A_85, %add3A_78 : vector<512x200xi32>
    %add3A_87 = arith.constant 1724713080 : i32
    %add3A_88 = vector.broadcast %add3A_87 : i32 to vector<512x200xi32>
    %add3A_89 = arith.addi %add3A_78, %add3A_88 : vector<512x200xi32>
    %add3A_90 = arith.constant 1832780945 : i32
    %add3A_91 = vector.broadcast %add3A_90 : i32 to vector<512x200xi32>
    %add3A_92 = arith.addi %xor3A_86, %add3A_91 : vector<512x200xi32>
    %add3A_93 = arith.addi %add3A_89, %add3A_92 : vector<512x200xi32>
    %shift_left3A_94 = arith.constant 13 : i32
    %shift_left3A_95 = vector.broadcast %shift_left3A_94 : i32 to vector<512x200xi32>
    %shift_left3A_96 = arith.shli %add3A_92, %shift_left3A_95 : vector<512x200xi32>
    %shift_right_logical3A_97 = arith.constant 19 : i32
    %shift_right_logical3A_98 = vector.broadcast %shift_right_logical3A_97 : i32 to vector<512x200xi32>
    %shift_right_logical3A_99 = arith.shrui %add3A_92, %shift_right_logical3A_98 : vector<512x200xi32>
    %or3A_100 = arith.ori %shift_left3A_96, %shift_right_logical3A_99 : vector<512x200xi32>
    %xor3A_101 = arith.xori %or3A_100, %add3A_93 : vector<512x200xi32>
    %add3A_102 = arith.addi %add3A_93, %xor3A_101 : vector<512x200xi32>
    %shift_left3A_103 = arith.constant 15 : i32
    %shift_left3A_104 = vector.broadcast %shift_left3A_103 : i32 to vector<512x200xi32>
    %shift_left3A_105 = arith.shli %xor3A_101, %shift_left3A_104 : vector<512x200xi32>
    %shift_right_logical3A_106 = arith.constant 17 : i32
    %shift_right_logical3A_107 = vector.broadcast %shift_right_logical3A_106 : i32 to vector<512x200xi32>
    %shift_right_logical3A_108 = arith.shrui %xor3A_101, %shift_right_logical3A_107 : vector<512x200xi32>
    %or3A_109 = arith.ori %shift_left3A_105, %shift_right_logical3A_108 : vector<512x200xi32>
    %xor3A_110 = arith.xori %or3A_109, %add3A_102 : vector<512x200xi32>
    %add3A_111 = arith.addi %add3A_102, %xor3A_110 : vector<512x200xi32>
    %shift_left3A_112 = arith.constant 26 : i32
    %shift_left3A_113 = vector.broadcast %shift_left3A_112 : i32 to vector<512x200xi32>
    %shift_left3A_114 = arith.shli %xor3A_110, %shift_left3A_113 : vector<512x200xi32>
    %shift_right_logical3A_115 = arith.constant 6 : i32
    %shift_right_logical3A_116 = vector.broadcast %shift_right_logical3A_115 : i32 to vector<512x200xi32>
    %shift_right_logical3A_117 = arith.shrui %xor3A_110, %shift_right_logical3A_116 : vector<512x200xi32>
    %or3A_118 = arith.ori %shift_left3A_114, %shift_right_logical3A_117 : vector<512x200xi32>
    %xor3A_119 = arith.xori %or3A_118, %add3A_111 : vector<512x200xi32>
    %add3A_120 = arith.addi %add3A_111, %xor3A_119 : vector<512x200xi32>
    %shift_left3A_121 = arith.constant 6 : i32
    %shift_left3A_122 = vector.broadcast %shift_left3A_121 : i32 to vector<512x200xi32>
    %shift_left3A_123 = arith.shli %xor3A_119, %shift_left3A_122 : vector<512x200xi32>
    %shift_right_logical3A_124 = arith.constant 26 : i32
    %shift_right_logical3A_125 = vector.broadcast %shift_right_logical3A_124 : i32 to vector<512x200xi32>
    %shift_right_logical3A_126 = arith.shrui %xor3A_119, %shift_right_logical3A_125 : vector<512x200xi32>
    %or3A_127 = arith.ori %shift_left3A_123, %shift_right_logical3A_126 : vector<512x200xi32>
    %xor3A_128 = arith.xori %or3A_127, %add3A_120 : vector<512x200xi32>
    %add3A_129 = arith.constant 1832780943 : i32
    %add3A_130 = vector.broadcast %add3A_129 : i32 to vector<512x200xi32>
    %add3A_131 = arith.addi %add3A_120, %add3A_130 : vector<512x200xi32>
    %add3A_132 = arith.constant 270669616 : i32
    %add3A_133 = vector.broadcast %add3A_132 : i32 to vector<512x200xi32>
    %add3A_134 = arith.addi %xor3A_128, %add3A_133 : vector<512x200xi32>
    %add3A_135 = arith.addi %add3A_131, %add3A_134 : vector<512x200xi32>
    %shift_left3A_136 = arith.constant 17 : i32
    %shift_left3A_137 = vector.broadcast %shift_left3A_136 : i32 to vector<512x200xi32>
    %shift_left3A_138 = arith.shli %add3A_134, %shift_left3A_137 : vector<512x200xi32>
    %shift_right_logical3A_139 = arith.constant 15 : i32
    %shift_right_logical3A_140 = vector.broadcast %shift_right_logical3A_139 : i32 to vector<512x200xi32>
    %shift_right_logical3A_141 = arith.shrui %add3A_134, %shift_right_logical3A_140 : vector<512x200xi32>
    %or3A_142 = arith.ori %shift_left3A_138, %shift_right_logical3A_141 : vector<512x200xi32>
    %xor3A_143 = arith.xori %or3A_142, %add3A_135 : vector<512x200xi32>
    %add3A_144 = arith.addi %add3A_135, %xor3A_143 : vector<512x200xi32>
    %shift_left3A_145 = arith.constant 29 : i32
    %shift_left3A_146 = vector.broadcast %shift_left3A_145 : i32 to vector<512x200xi32>
    %shift_left3A_147 = arith.shli %xor3A_143, %shift_left3A_146 : vector<512x200xi32>
    %shift_right_logical3A_148 = arith.constant 3 : i32
    %shift_right_logical3A_149 = vector.broadcast %shift_right_logical3A_148 : i32 to vector<512x200xi32>
    %shift_right_logical3A_150 = arith.shrui %xor3A_143, %shift_right_logical3A_149 : vector<512x200xi32>
    %or3A_151 = arith.ori %shift_left3A_147, %shift_right_logical3A_150 : vector<512x200xi32>
    %xor3A_152 = arith.xori %or3A_151, %add3A_144 : vector<512x200xi32>
    %add3A_153 = arith.addi %add3A_144, %xor3A_152 : vector<512x200xi32>
    %shift_left3A_154 = arith.constant 16 : i32
    %shift_left3A_155 = vector.broadcast %shift_left3A_154 : i32 to vector<512x200xi32>
    %shift_left3A_156 = arith.shli %xor3A_152, %shift_left3A_155 : vector<512x200xi32>
    %shift_right_logical3A_157 = arith.constant 16 : i32
    %shift_right_logical3A_158 = vector.broadcast %shift_right_logical3A_157 : i32 to vector<512x200xi32>
    %shift_right_logical3A_159 = arith.shrui %xor3A_152, %shift_right_logical3A_158 : vector<512x200xi32>
    %or3A_160 = arith.ori %shift_left3A_156, %shift_right_logical3A_159 : vector<512x200xi32>
    %xor3A_161 = arith.xori %or3A_160, %add3A_153 : vector<512x200xi32>
    %add3A_162 = arith.addi %add3A_153, %xor3A_161 : vector<512x200xi32>
    %shift_left3A_163 = arith.constant 24 : i32
    %shift_left3A_164 = vector.broadcast %shift_left3A_163 : i32 to vector<512x200xi32>
    %shift_left3A_165 = arith.shli %xor3A_161, %shift_left3A_164 : vector<512x200xi32>
    %shift_right_logical3A_166 = arith.constant 8 : i32
    %shift_right_logical3A_167 = vector.broadcast %shift_right_logical3A_166 : i32 to vector<512x200xi32>
    %shift_right_logical3A_168 = arith.shrui %xor3A_161, %shift_right_logical3A_167 : vector<512x200xi32>
    %or3A_169 = arith.ori %shift_left3A_165, %shift_right_logical3A_168 : vector<512x200xi32>
    %xor3A_170 = arith.xori %or3A_169, %add3A_162 : vector<512x200xi32>
    %add3A_171 = arith.constant 270669613 : i32
    %add3A_172 = vector.broadcast %add3A_171 : i32 to vector<512x200xi32>
    %add3A_173 = arith.addi %add3A_162, %add3A_172 : vector<512x200xi32>
    %add3A_174 = arith.constant 1724713084 : i32
    %add3A_175 = vector.broadcast %add3A_174 : i32 to vector<512x200xi32>
    %add3A_176 = arith.addi %xor3A_170, %add3A_175 : vector<512x200xi32>
    %add3A_177 = arith.addi %add3A_173, %add3A_176 : vector<512x200xi32>
    %shift_left3A_178 = arith.constant 13 : i32
    %shift_left3A_179 = vector.broadcast %shift_left3A_178 : i32 to vector<512x200xi32>
    %shift_left3A_180 = arith.shli %add3A_176, %shift_left3A_179 : vector<512x200xi32>
    %shift_right_logical3A_181 = arith.constant 19 : i32
    %shift_right_logical3A_182 = vector.broadcast %shift_right_logical3A_181 : i32 to vector<512x200xi32>
    %shift_right_logical3A_183 = arith.shrui %add3A_176, %shift_right_logical3A_182 : vector<512x200xi32>
    %or3A_184 = arith.ori %shift_left3A_180, %shift_right_logical3A_183 : vector<512x200xi32>
    %xor3A_185 = arith.xori %or3A_184, %add3A_177 : vector<512x200xi32>
    %add3A_186 = arith.addi %add3A_177, %xor3A_185 : vector<512x200xi32>
    %shift_left3A_187 = arith.constant 15 : i32
    %shift_left3A_188 = vector.broadcast %shift_left3A_187 : i32 to vector<512x200xi32>
    %shift_left3A_189 = arith.shli %xor3A_185, %shift_left3A_188 : vector<512x200xi32>
    %shift_right_logical3A_190 = arith.constant 17 : i32
    %shift_right_logical3A_191 = vector.broadcast %shift_right_logical3A_190 : i32 to vector<512x200xi32>
    %shift_right_logical3A_192 = arith.shrui %xor3A_185, %shift_right_logical3A_191 : vector<512x200xi32>
    %or3A_193 = arith.ori %shift_left3A_189, %shift_right_logical3A_192 : vector<512x200xi32>
    %xor3A_194 = arith.xori %or3A_193, %add3A_186 : vector<512x200xi32>
    %add3A_195 = arith.addi %add3A_186, %xor3A_194 : vector<512x200xi32>
    %shift_left3A_196 = arith.constant 26 : i32
    %shift_left3A_197 = vector.broadcast %shift_left3A_196 : i32 to vector<512x200xi32>
    %shift_left3A_198 = arith.shli %xor3A_194, %shift_left3A_197 : vector<512x200xi32>
    %shift_right_logical3A_199 = arith.constant 6 : i32
    %shift_right_logical3A_200 = vector.broadcast %shift_right_logical3A_199 : i32 to vector<512x200xi32>
    %shift_right_logical3A_201 = arith.shrui %xor3A_194, %shift_right_logical3A_200 : vector<512x200xi32>
    %or3A_202 = arith.ori %shift_left3A_198, %shift_right_logical3A_201 : vector<512x200xi32>
    %xor3A_203 = arith.xori %or3A_202, %add3A_195 : vector<512x200xi32>
    %add3A_204 = arith.addi %add3A_195, %xor3A_203 : vector<512x200xi32>
    %shift_left3A_205 = arith.constant 6 : i32
    %shift_left3A_206 = vector.broadcast %shift_left3A_205 : i32 to vector<512x200xi32>
    %shift_left3A_207 = arith.shli %xor3A_203, %shift_left3A_206 : vector<512x200xi32>
    %shift_right_logical3A_208 = arith.constant 26 : i32
    %shift_right_logical3A_209 = vector.broadcast %shift_right_logical3A_208 : i32 to vector<512x200xi32>
    %shift_right_logical3A_210 = arith.shrui %xor3A_203, %shift_right_logical3A_209 : vector<512x200xi32>
    %or3A_211 = arith.ori %shift_left3A_207, %shift_right_logical3A_210 : vector<512x200xi32>
    %xor3A_212 = arith.xori %or3A_211, %add3A_204 : vector<512x200xi32>
    %add3A_213 = arith.constant 1724713080 : i32
    %add3A_214 = vector.broadcast %add3A_213 : i32 to vector<512x200xi32>
    %add3A_215 = arith.addi %add3A_204, %add3A_214 : vector<512x200xi32>
    %add3A_216 = arith.constant 1832780948 : i32
    %add3A_217 = vector.broadcast %add3A_216 : i32 to vector<512x200xi32>
    %add3A_218 = arith.addi %xor3A_212, %add3A_217 : vector<512x200xi32>
    %xor3A_219 = arith.xori %add3A_215, %add3A_218 : vector<512x200xi32>
    %shift_right_logical3A_220 = arith.constant 9 : i32
    %shift_right_logical3A_221 = vector.broadcast %shift_right_logical3A_220 : i32 to vector<512x200xi32>
    %shift_right_logical3A_222 = arith.shrui %xor3A_219, %shift_right_logical3A_221 : vector<512x200xi32>
    %get3A_223 = arith.constant 0 : index
    %get3A_224 = memref.load %arg1[%get3A_223] : memref<1xi32, #tpu.memory_space<smem>>
    %sub3A = arith.constant 1 : i32
    %sub3A_225 = vector.broadcast %sub3A : i32 to vector<512x200xi32>
    %sub3A_226 = arith.subi %get3A_2, %sub3A_225 : vector<512x200xi32>
    %lt3A = arith.constant 100000 : i32
    %lt3A_227 = vector.broadcast %lt3A : i32 to vector<512x200xi32>
    %lt3A_228 = arith.cmpi ult, %sub3A_226, %lt3A_227 : vector<512x200xi32>
    %lt3A_229 = vector.broadcast %get3A_224 : i32 to vector<512x200xi32>
    %lt3A_230 = arith.cmpi slt, %shift_right_logical3A_222, %lt3A_229 : vector<512x200xi32>
    %and3A = arith.andi %lt3A_230, %lt3A_228 : vector<512x200xi1>
    %broadcast_in_dim3A_231 = arith.constant 1.000000e+00 : f32
    %broadcast_in_dim3A_232 = vector.broadcast %broadcast_in_dim3A_231 : f32 to vector<200x1xf32>
    %convert_element_type3A = arith.extui %and3A : vector<512x200xi1> to vector<512x200xi32>
    %convert_element_type3A_233 = arith.sitofp %convert_element_type3A : vector<512x200xi32> to vector<512x200xf32>
    %dot_general3A = arith.constant dense<0.000000e+00> : vector<512x1xf32>
    %dot_general3A_234 = tpu.matmul %convert_element_type3A_233, %broadcast_in_dim3A_232, %dot_general3A {dimension_numbers = #tpu.dot_dimension_numbers<[1], [0], [0], [1], [0, 0, 1, 1], [], []>, transpose_lhs_hint = false} : vector<512x200xf32>, vector<200x1xf32>, vector<512x1xf32> -> vector<512x1xf32>
    %eq3A = arith.constant 0.000000e+00 : f32
    %eq3A_235 = vector.broadcast %eq3A : f32 to vector<512x1xf32>
    %eq3A_236 = arith.cmpf oeq, %dot_general3A_234, %eq3A_235 : vector<512x1xf32>
    %get3A_237 = arith.constant 0 : index
    %get3A_238 = arith.constant 0 : index
    %get3A_239 = vector.load %arg3[%get3A_237, %get3A_238] : memref<512x128xi32, #tpu.memory_space<vmem>>, vector<512x1xi32>
    %eq3A_240 = vector.broadcast %get3A_239 : vector<512x1xi32> to vector<512x200xi32>
    %eq3A_241 = arith.cmpi eq, %iota3A_3, %eq3A_240 : vector<512x200xi32>
    %and3A_242 = vector.broadcast %eq3A_236 : vector<512x1xi1> to vector<512x200xi1>
    %and3A_243 = arith.andi %and3A_242, %eq3A_241 : vector<512x200xi1>
    %or3A_244 = arith.ori %and3A, %and3A_243 : vector<512x200xi1>
    %broadcast_in_dim3A_245 = arith.constant -1 : i32
    %broadcast_in_dim3A_246 = vector.broadcast %broadcast_in_dim3A_245 : i32 to vector<512x200xi32>
    %select_n3A = arith.select %or3A_244, %broadcast_in_dim3A_246, %get3A_2 : vector<512x200xi1>, vector<512x200xi32>
    %swap3A = arith.constant 0 : index
    %swap3A_247 = arith.constant 0 : index
    %swap3A_248 = vector.load %arg4[%swap3A, %swap3A_247] : memref<512x200xi32, #tpu.memory_space<vmem>>, vector<512x200xi32>
    tpu.vector_store %arg4[%swap3A, %swap3A_247], %select_n3A {strides = array<i32>} : memref<512x200xi32, #tpu.memory_space<vmem>>, vector<512x200xi32>,
    %select_n3A_249 = arith.select %or3A_244, %get3A_2, %broadcast_in_dim3A_246 : vector<512x200xi1>, vector<512x200xi32>
    %swap3A_250 = arith.constant 0 : index
    %swap3A_251 = arith.constant 0 : index
    %swap3A_252 = vector.load %arg5[%swap3A_250, %swap3A_251] : memref<512x200xi32, #tpu.memory_space<vmem>>, vector<512x200xi32>
    tpu.vector_store %arg5[%swap3A_250, %swap3A_251], %select_n3A_249 {strides = array<i32>} : memref<512x200xi32, #tpu.memory_space<vmem>>, vector<512x200xi32>,
    return
  }
  func.func @transform_0(%arg0: i32) -> i32 {
    %c0_i32 = arith.constant 0 : i32
    %c0_i32_0 = arith.constant 0 : i32
    return %c0_i32 : i32
  }
  func.func @transform_1(%arg0: i32) -> (i32, i32) {
    %c0_i32 = arith.constant 0 : i32
    %c0_i32_0 = arith.constant 0 : i32
    return %arg0, %c0_i32 : i32, i32
  }
  func.func @transform_2(%arg0: i32) -> (i32, i32) {
    %c0_i32 = arith.constant 0 : i32
    %c0_i32_0 = arith.constant 0 : i32
    return %arg0, %c0_i32 : i32, i32
  }
  func.func @transform_3(%arg0: i32) -> (i32, i32) {
    %c0_i32 = arith.constant 0 : i32
    %c0_i32_0 = arith.constant 0 : i32
    return %arg0, %c0_i32 : i32, i32
  }
  func.func @transform_4(%arg0: i32) -> (i32, i32) {
    %c0_i32 = arith.constant 0 : i32
    %c0_i32_0 = arith.constant 0 : i32
    return %arg0, %c0_i32 : i32, i32
  }
}

</mosaic_0001>

<sc_bundles>
// kernel: kernel.4.cloned.1.call-start
scs
__scs_entry_jumppad:
0x0: {  	(pc) =	sbr.rel $0x88, $3  }
0x1: {  	(tag) =	ssettag $0x0;
	lr =	simm.s32 $0x1  }
0x2: {  	[smem:$0x3F9F] =	sst lr;
	_ =	strace $0xD0000000  }
0x3: {  	_ = 	snop  }
0x4: {  	_ = 	snop  }
0x5: {  	_ = 	snop  }
0x6: {  	_ = 	snop  }
0x7: {  	_ = 	snop  }
__scs_overlays_trampoline_lowered:
0x8: {  	[smem:$0x3FAE] =	sst s0  }
0x9: {  	[smem:$0x3FAF] =	sst s1  }
0xa: {  	[smem:$0x3FB0] =	sst s2  }
0xb: {  	[smem:$0x3FB1] =	sst s3  }
0xc: {  	[smem:$0x3FB2] =	sst s4  }
0xd: {  	[smem:$0x3FB3] =	sst s5  }
0xe: {  	[smem:$0x3FB4] =	sst s6  }
0xf: {  	[smem:$0x3FB5] =	sst s7  }
0x10: {  	[smem:$0x3FB6] =	sst s8  }
0x11: {  	[smem:$0x3FB7] =	sst s9;
	s0 =	simm.s32 @!p0 $0x0  }
0x12: {  	s1 =	sld [smem:$0x3F9D];
	s0 =	simm.s32 @p0 $0x1  }
0x13: {  	[smem:$0x3FB8] =	sst s0;
	s0 =	simm.s32 @!p1 $0x0  }
0x14: {  	s2 =	sld [smem:$0x3F9C];
	s0 =	simm.s32 @p1 $0x1  }
0x15: {  	[smem:$0x3FB9] =	sst s0;
	s0 =	simm.s32 @!p2 $0x0  }
0x16: {  	s3 =	sld [smem:$0x3FDB];
	s0 =	simm.s32 @p2 $0x1  }
0x17: {  	s4 =	simm.s32 $0x1BF5;
	[smem:$0x3FBB] =	sst s0  }
0x18: {  	s0 =	sld [smem:$0x3F9E];
	_ =	swait.ge [sflag:s4], $0x0  }
0x19: {  	s7 =	sld [smem:$0x3F9F]  }
0x1a: {  	s8 =	sadd.s32 $0xFFFFE003, lr  }
0x1b: {  	s9 =	sadd.s32 $0xFFFFFEF7, lr;
	s5 =	simm.s32 $0xFFFFFFFF;
	p2 =	slt.u32 s8, $0xFFFFF086  }
0x1c: {  	p1 =	slt.u32 s9, $0xF7A;
	s5 =	simm.s32 @!p2 $0x0  }
0x1d: {  	s5 =	simm.s32 @p1 $0x1;
	p0 =	seq.s32 s7, s2  }
0x1e: {  	s7 =	smul.u32 @!p0 $0xF7A, s2;
	p2 =	seq.s32 @!p0 s5, $0x0  }
0x1f: {  	s9 =	smul.u32 $0xF7A, s1;
	s8 =	simm.s32 @!p0 $0x1BF5;
	p2 =	por !p2, p0  }
0x20: {  	[sflag:s8] =	ssyncset.s32 @!p0 $0xFFFFF086;
	s6 =	sadd.s32 @!p0 s3, s7;
	s7 =	simm.s32 @!p0 $0x108  }
0x21: {  	s3 =	sadd.s32 s3, s9;
	s6 =	sadd.s32 @!p0 $0x88, s6;
	s7 =	simm.s32 @p2 $0x1082  }
0x22: {  	[simem:s7], [sflag:s8] =	dma.local @!p0 [hbm:s6], $0xF7A  }
0x23: {  	s9 =	sor.u32 $0xD0000000, s2;
	s6 =	simm.s32 $0x108;
	_ =	swait.ge @!p0 [sflag:s8], $0x0  }
0x24: {  	s3 =	sadd.s32 $0x88, s3;
	s6 =	simm.s32 @!p1 $0x1082;
	[sflag:s4] =	ssyncset.s32 $0xFFFFF086  }
0x25: {  	[simem:s6], [sflag:s4] =	dma.local [hbm:s3], $0xF7A  }
0x26: {  	[smem:$0x3F9F] =	sst s1;
	(tag) =	ssettag s2;
	_ =	strace s9  }
0x27: {  	s1 =	sld [smem:$0x3FAF]  }
0x28: {  	s2 =	sld [smem:$0x3FB0]  }
0x29: {  	s4 =	sld [smem:$0x3FB2]  }
0x2a: {  	p0 =	seq.s32 s5, $0x0;
	s5 =	sld [smem:$0x3FB3]  }
0x2b: {  	s6 =	sld [smem:$0x3FB4]  }
0x2c: {  	s7 =	sld [smem:$0x3FB5]  }
0x2d: {  	s3 =	simm.s32 $0x108;
	s8 =	sld [smem:$0x3FB6]  }
0x2e: {  	s3 =	simm.s32 @!p0 $0x1082;
	s9 =	sld [smem:$0x3FB7]  }
0x2f: {  	lr =	sadd.s32 s0, s3;
	s0 =	sld [smem:$0x3FAE]  }
0x30: {  	s3 =	sld [smem:$0x3FB1]  }
0x31: {  	[smem:$0x3FBA] =	sst s10  }
0x32: {  	s10 =	sld [smem:$0x3FB8];
	_ =	sdelay $0x3  }
0x33: {  	p0 =	seq.s32 s10, $0x1;
	s10 =	sld [smem:$0x3FBA];
	_ =	sdelay $0x3  }
0x34: {  	[smem:$0x3FBA] =	sst s10  }
0x35: {  	s10 =	sld [smem:$0x3FB9];
	_ =	sdelay $0x3  }
0x36: {  	p1 =	seq.s32 s10, $0x1;
	s10 =	sld [smem:$0x3FBA];
	_ =	sdelay $0x3  }
0x37: {  	[smem:$0x3FBA] =	sst s10  }
0x38: {  	s10 =	sld [smem:$0x3FBB]  }
0x39: {  	_ = 	snop;
	(pc) =	sbr.ind lr, $3  }
0x3a: {  	_ = 	snop  }
0x3b: {  	_ = 	snop  }
0x3c: {  	p2 =	seq.s32 s10, $0x1;
	s10 =	sld [smem:$0x3FBA]  }
0x3d: {  	_ =	shalt  }
0x3e: {  	_ =	shalt  }
0x3f: {  	_ =	shalt  }
0x40: {  	_ =	shalt  }
0x41: {  	_ =	shalt  }
0x42: {  	_ =	shalt  }
0x43: {  	_ =	shalt  }
0x44: {  	_ =	shalt  }
0x45: {  	_ =	shalt  }
0x46: {  	_ =	shalt  }
0x47: {  	_ =	shalt  }
0x48: {  	_ =	shalt  }
0x49: {  	_ =	shalt  }
0x4a: {  	_ =	shalt  }
0x4b: {  	_ =	shalt  }
0x4c: {  	_ =	shalt  }
0x4d: {  	_ =	shalt  }
0x4e: {  	_ =	shalt  }
0x4f: {  	_ =	shalt  }
0x50: {  	_ =	shalt  }
0x51: {  	_ =	shalt  }
0x52: {  	_ =	shalt  }
0x53: {  	_ =	shalt  }
0x54: {  	_ =	shalt  }
0x55: {  	_ =	shalt  }
0x56: {  	_ =	shalt  }
0x57: {  	_ =	shalt  }
0x58: {  	_ =	shalt  }
0x59: {  	_ =	shalt  }
0x5a: {  	_ =	shalt  }
0x5b: {  	_ =	shalt  }
0x5c: {  	_ =	shalt  }
0x5d: {  	_ =	shalt  }
0x5e: {  	_ =	shalt  }
0x5f: {  	_ =	shalt  }
0x60: {  	_ =	shalt  }
0x61: {  	_ =	shalt  }
0x62: {  	_ =	shalt  }
0x63: {  	_ =	shalt  }
0x64: {  	_ =	shalt  }
0x65: {  	_ =	shalt  }
0x66: {  	_ =	shalt  }
0x67: {  	_ =	shalt  }
0x68: {  	_ =	shalt  }
0x69: {  	_ =	shalt  }
0x6a: {  	_ =	shalt  }
0x6b: {  	_ =	shalt  }
0x6c: {  	_ =	shalt  }
0x6d: {  	_ =	shalt  }
0x6e: {  	_ =	shalt  }
0x6f: {  	_ =	shalt  }
0x70: {  	_ =	shalt  }
0x71: {  	_ =	shalt  }
0x72: {  	_ =	shalt  }
0x73: {  	_ =	shalt  }
0x74: {  	_ =	shalt  }
0x75: {  	_ =	shalt  }
0x76: {  	_ =	shalt  }
0x77: {  	_ =	shalt  }
0x78: {  	_ =	shalt  }
0x79: {  	_ =	shalt  }
0x7a: {  	_ =	shalt  }
0x7b: {  	_ =	shalt  }
0x7c: {  	_ =	shalt  }
0x7d: {  	_ =	shalt  }
0x7e: {  	_ =	shalt  }
0x7f: {  	_ =	shalt  }
0x80: {  	_ =	shalt  }
0x81: {  	_ =	shalt  }
0x82: {  	_ =	shalt  }
0x83: {  	_ =	shalt  }
0x84: {  	_ =	shalt  }
0x85: {  	_ =	shalt  }
0x86: {  	_ =	shalt  }
0x87: {  	_ =	shalt  }
.Lfunc_end0:
.L_simem_size_0:
called_computation_lowered:
.L_overlay_start_0:
0x88: {  	s2 =	sld [smem:$0x3FD9]  }
0x89: {  	s3 =	sld [smem:$0x3FFE];
	_ =	sdelay $0x1  }
0x8a: {  	s1 =	srdreg.scid  }
0x8b: {  	s0 =	sand.u32 $0x1, s1  }
0x8c: {  	s15 =	sshll.u32 s0, $0xA;
	s2 =	sadd.s32 s3, s2  }
0x8d: {  	s2 =	sadd.s32 s2, s15  }
0x8e: {  	[smem:$0x3FC6] =	sst s2  }
0x8f: {  	_ = 	snop  }
0x90: {  	s2 =	sld [smem:$0x3FD0];
	_ =	sdelay $0x2  }
0x91: {  	s16 =	simm.s32 $0xA;
	s4 =	simm.s32 $0x10  }
0x92: {  	[smem:s4], [sflag:s16] =	dma.local [hbm:s2], $0x1  }
0x93: {  	_ =	swait.eq [sflag:s16], $0x1  }
0x94: {  	[sflag:s16] =	ssyncset.done $0x0  }
0x95: {  	[sflag:s16] =	ssyncadd.s32 $0xFFFFFFFF  }
0x96: {  	s17 =	sld [smem:$0x11];
	(tm) =	ssettm $0x1  }
0x97: {  	s18 =	sld [smem:$0x3FFB];
	_ =	sdelay $0x3  }
0x98: {  	_ =	strace s18  }
0x99: {  	s3 =	sld [smem:$0x3FFC];
	_ =	sdelay $0x3  }
0x9a: {  	_ =	strace s3  }
0x9b: {  	s3 =	sld [smem:$0x3FFD];
	_ =	sdelay $0x3  }
0x9c: {  	_ =	strace s3  }
0x9d: {  	_ =	strace $0x8FFFFFFF  }
0x9e: {  	s19 =	sld [smem:$0x3FDB];
	_ =	sdelay $0x1  }
0x9f: {  	s20 =	simm.s32 $_scs_section_size  }
0xa0: {  	s5 =	simm.s32 $_size__tile_overlayer_lowered;
	s6 =	simm.s32 $_tile_overlayer_lowered  }
0xa1: {  	s23 =	simm.s32 $0x1BFF;
	s22 =	sshll.u32 s6, $0x1;
	s3 =	sadd.s32 s20, s19  }
0xa2: {  	s7 =	simm.s32 $0x0;
	s21 =	sshll.u32 s5, $0x1;
	s5 =	sadd.s32 s22, s3  }
0xa3: {  	[timem:s7], [sflag:s23] =	dma.local [hbm:s5], s21  }
0xa4: {  	_ =	swait.ge [sflag:s23], s21  }
0xa5: {  	s4 =	ssub.s32 $0x0, s21;
	[sflag:s23] =	ssyncset.done $0x0  }
0xa6: {  	[sflag:s23] =	ssyncadd.s32 s4;
	_ =	sdelay $0x1  }
0xa7: {  	s24 =	simm.s32 $0x1B8B  }
0xa8: {  	_ =	swait.ge [sflag:s24], $0x1  }
0xa9: {  	[sflag:s24] =	ssyncset.done $0x0  }
0xaa: {  	s25 =	simm.s32 $0x1B8E;
	[sflag:s24] =	ssyncadd.s32 $0xFFFFFFFF  }
0xab: {  	s26 =	simm.s32 $execute0_lowered;
	[smem:$0x3FD2] =	sst s25  }
0xac: {  	s4 =	sshll.u32 s26, $0x1;
	_ =	strace $0x80000046;
	[dreg:$0x1] =	wrdreg $0xFFFFFFFF  }
0xad: {  	s28 =	simm.s32 $_size_execute0_lowered;
	s3 =	sadd.s32 s3, s4;
	[dreg:$0x0] =	wrdreg $0x0  }
0xae: {  	s4 =	sshll.u32 s28, $0x1;
	[dreg:$0x2] =	wrdreg s3  }
0xaf: {  	[dreg:$0x3] =	wrdreg s4  }
0xb0: {  	[dreg:$0x4] =	wrdreg $0xC0  }
0xb1: {  	_ =	task [dreg:s7], $0x5FFFF  }
0xb2: {  	[dreg:$0x1] =	wrdreg $0xFFFFFFFF  }
0xb3: {  	[dreg:$0x0] =	wrdreg $0x60  }
0xb4: {  	[dreg:$0x2] =	wrdreg s17  }
0xb5: {  	[dreg:$0x3] =	wrdreg $0x9  }
0xb6: {  	_ =	task.clear_ibuf [dreg:s7], $0x4FFFF;
	_ =	strace $0x90000046  }
0xb7: {  	s29 =	simm.s32 $0x9;
	_ =	strace $0x80000048  }
0xb8: {  	_ =	swait.ge [sflag:s29], $0x1  }
0xb9: {  	[sflag:s29] =	ssyncadd.s32 $0xFFFFFFFF  }
0xba: {  	_ =	strace $0x90000048  }
0xbb: {  	_ =	sfence  }
0xbc: {  	s30 =	sld [smem:$0x0];
	_ =	sdelay $0x2  }
0xbd: {  	s31 =	sshll.u32 s1, $0xD;
	s1 =	sshrl.u32 s1, $0x2  }
0xbe: {  	s3 =	sand.u32 $0x4000, s31;
	s1 =	sadd.s32 s1, s30  }
0xbf: {  	s0 =	sor.u32 s3, s0;
	s1 =	sshll.u32 s1, $0x11  }
0xc0: {  	s0 =	sor.u32 s1, s0  }
0xc1: {  	s0 =	sadd.s32 $0x8F2B, s0  }
0xc2: {  	[sflag:s0] =	ssyncadd.remote.s32 $0x1  }
0xc3: {  	_ =	sfence.sel $0xFFFF  }
0xc4: {  	[dreg:$0x0] =	wrdreg $0xFFFFFFFF;
	(pc) =	sbr.abs _section_cstart, $3  }
0xc5: {  	[dreg:$0x1] =	wrdreg $0xFFFFFFFF  }
0xc6: {  	_ =	task.clear_ibuf [dreg:s7], $0x2FFFF;
	_ =	strace $0x9FFFFFFF  }
0xc7: {  	(tm) =	ssettm $0x7FFFFFFF  }
tec
execute0_lowered:
.L_overlay_start_1:
0x0: {  	(tag) =	ssettag $0x1  }
0x1: {  	s3 =	rddreg [dreg:$0x0]  }
0x2: {  	s2 =	srdreg.scid;
	s0 =	rddreg [dreg:$0x1];
	s1 =	simm.s32 $0x0  }
0x3: {  	s4 =	sand.u32 $0x1, s2;
	[smem:$0x7FF] =	sst s1;
	s2 =	stileid.u32  }
0x4: {  	s5 =	ssub.s32 $0x2, s4;
	_ =	strace $0x80000047;
	s29 =	sshll.u32 s2, $0xE  }
0x5: {  	s7 =	sshll.u32 s4, $0xD;
	s30 =	sshll.u32 s2, $0xA;
	s6 =	sshrl.u32 s5, $0x1  }
0x6: {  	v4 =	vlaneseq.u32;
	s8 =	sshll.u32 s4, $0x9;
	s5 =	ssub.s32 s5, s6;
	s6 =	sor.u32 s7, s29  }
0x7: {  	v0 =	vadd.s32 $0x7B3B635, v4;
	v1 =	vadd.s32 $0xC5AF3926, v4;
	s31 =	sor.u32 s8, s30;
	s7 =	simm.s32 $0x0;
	s3 =	sadd.s32 s3, s6  }
0x8: {  	v2 =	vadd.s32 $0x45A3D6BE, v4;
	v3 =	vadd.s32 $0xD1B63D6A, v4;
	v4 =	vmul.u32 $0x80, v4;
	s4 =	smax.u32 s5, $0x1;
	s5 =	sor.u32 $0x30, s31;
	s6 =	simm.s32 $0x1  }
.LBB2_1:
0x9: {  	s8 =	simm.s32 $0xFFFFFFFC;
	s9 =	simm.s32 $0x1800;
	s10 =	smov.u32 s5  }
.LBB2_2:
0xa: {  	s11 =	sadd.s32 $0xFFFFFFD0, s10  }
0xb: {  	v5 =	vadd.s32 s11, v0  }
0xc: {  	v6 =	vshrl.u32 v5, $0x13;
	v5 =	vshll.u32 v5, $0xD  }
0xd: {  	v7 =	vadd.s32 s11, v1;
	v5 =	vor.u32 v6, v5  }
0xe: {  	v5 =	vxor.u32 v7, v5  }
0xf: {  	v6 =	vshrl.u32 v5, $0x11;
	v8 =	vshll.u32 v5, $0xF  }
0x10: {  	v5 =	vadd.s32 v7, v5;
	v6 =	vor.u32 v6, v8  }
0x11: {  	v6 =	vxor.u32 v5, v6  }
0x12: {  	v7 =	vshrl.u32 v6, $0x6;
	v32 =	vshll.u32 v6, $0x1A  }
0x13: {  	v5 =	vadd.s32 v5, v6;
	v6 =	vor.u32 v7, v32  }
0x14: {  	v6 =	vxor.u32 v5, v6  }
0x15: {  	v7 =	vshrl.u32 v6, $0x1A;
	v33 =	vshll.u32 v6, $0x6  }
0x16: {  	v5 =	vadd.s32 v5, v6;
	v6 =	vor.u32 v7, v33  }
0x17: {  	v6 =	vxor.u32 v5, v6  }
0x18: {  	v6 =	vadd.s32 $0xA1992F1F, v6  }
0x19: {  	v5 =	vadd.s32 v6, v5;
	v7 =	vshrl.u32 v6, $0xF;
	v6 =	vshll.u32 v6, $0x11  }
0x1a: {  	v5 =	vadd.s32 $0x7B3B635, v5;
	v6 =	vor.u32 v7, v6  }
0x1b: {  	v6 =	vxor.u32 v5, v6  }
0x1c: {  	v7 =	vshrl.u32 v6, $0x3;
	v34 =	vshll.u32 v6, $0x1D  }
0x1d: {  	v5 =	vadd.s32 v5, v6;
	v6 =	vor.u32 v7, v34  }
0x1e: {  	v6 =	vxor.u32 v5, v6  }
0x1f: {  	v7 =	vshrl.u32 v6, $0x10;
	v35 =	vshll.u32 v6, $0x10  }
0x20: {  	v5 =	vadd.s32 v5, v6;
	v6 =	vor.u32 v7, v35  }
0x21: {  	v6 =	vxor.u32 v5, v6  }
0x22: {  	v7 =	vshrl.u32 v6, $0x8;
	v36 =	vshll.u32 v6, $0x18  }
0x23: {  	v5 =	vadd.s32 v5, v6;
	v6 =	vor.u32 v7, v36  }
0x24: {  	v6 =	vxor.u32 v5, v6  }
0x25: {  	v6 =	vadd.s32 $0xBDFB82F3, v6  }
0x26: {  	v5 =	vadd.s32 v6, v5;
	v7 =	vshrl.u32 v6, $0x13;
	v6 =	vshll.u32 v6, $0xD  }
0x27: {  	v5 =	vadd.s32 $0xA1992F1E, v5;
	v6 =	vor.u32 v7, v6  }
0x28: {  	v6 =	vxor.u32 v5, v6  }
0x29: {  	v7 =	vshrl.u32 v6, $0x11;
	v37 =	vshll.u32 v6, $0xF  }
0x2a: {  	v5 =	vadd.s32 v5, v6;
	v6 =	vor.u32 v7, v37  }
0x2b: {  	s26 =	sadd.s32 $0xFFFFFFE0, s10;
	v9 =	vadd.s32 s11, v3;
	v6 =	vxor.u32 v5, v6  }
0x2c: {  	v28 =	vadd.s32 s26, v0;
	v7 =	vshrl.u32 v6, $0x6;
	v38 =	vshll.u32 v6, $0x1A  }
0x2d: {  	v5 =	vadd.s32 v5, v6;
	v6 =	vor.u32 v7, v38;
	v7 =	vadd.s32 s11, v2  }
0x2e: {  	v6 =	vxor.u32 v5, v6;
	v39 =	vshrl.u32 v7, $0x13;
	v7 =	vshll.u32 v7, $0xD  }
0x2f: {  	v30 =	vadd.s32 s26, v1;
	v5 =	vadd.s32 v5, v6;
	v7 =	vor.u32 v39, v7  }
0x30: {  	v40 =	vshrl.u32 v6, $0x1A;
	v6 =	vshll.u32 v6, $0x6;
	v7 =	vxor.u32 v9, v7  }
0x31: {  	v29 =	vshrl.u32 v28, $0x13;
	v6 =	vor.u32 v40, v6;
	v41 =	vshrl.u32 v7, $0x11  }
0x32: {  	v10 =	vshll.u32 v7, $0xF;
	v6 =	vxor.u32 v5, v6;
	v7 =	vadd.s32 v9, v7  }
0x33: {  	v9 =	vshll.u32 v28, $0xD;
	v8 =	vor.u32 v41, v10;
	v6 =	vadd.s32 $0x7B3B638, v6  }
0x34: {  	v9 =	vor.u32 v29, v9;
	v8 =	vxor.u32 v7, v8;
	v5 =	vadd.s32 v6, v5  }
0x35: {  	v45 =	vshrl.u32 v6, $0xF;
	v6 =	vshll.u32 v6, $0x11;
	v9 =	vxor.u32 v30, v9  }
0x36: {  	v42 =	vshrl.u32 v8, $0x6;
	v43 =	vshll.u32 v8, $0x1A;
	v5 =	vadd.s32 $0xBDFB82F1, v5  }
0x37: {  	v7 =	vadd.s32 v7, v8;
	v6 =	vor.u32 v45, v6;
	v32 =	vshrl.u32 v9, $0x11  }
0x38: {  	v33 =	vshll.u32 v9, $0xF;
	v44 =	vor.u32 v42, v43;
	v6 =	vxor.u32 v5, v6  }
0x39: {  	v8 =	vxor.u32 v7, v44;
	v5 =	vadd.s32 v5, v6;
	v49 =	vshrl.u32 v6, $0x3  }
0x3a: {  	v6 =	vshll.u32 v6, $0x1D;
	v46 =	vshrl.u32 v8, $0x1A;
	v47 =	vshll.u32 v8, $0x6  }
0x3b: {  	v7 =	vadd.s32 v7, v8;
	v6 =	vor.u32 v49, v6;
	v48 =	vor.u32 v46, v47  }
0x3c: {  	v9 =	vadd.s32 v30, v9;
	v6 =	vxor.u32 v5, v6;
	v8 =	vxor.u32 v7, v48  }
0x3d: {  	v51 =	vshrl.u32 v6, $0x10;
	v12 =	vshll.u32 v6, $0x10;
	v8 =	vadd.s32 $0xD260ABC9, v8  }
0x3e: {  	v5 =	vadd.s32 v5, v6;
	v6 =	vor.u32 v51, v12;
	v7 =	vadd.s32 v8, v7  }
0x3f: {  	v50 =	vshrl.u32 v8, $0xF;
	v8 =	vshll.u32 v8, $0x11;
	v6 =	vxor.u32 v5, v6  }
0x40: {  	v7 =	vadd.s32 $0x45A3D6BE, v7;
	v8 =	vor.u32 v50, v8;
	v5 =	vadd.s32 v5, v6  }
0x41: {  	v57 =	vshrl.u32 v6, $0x8;
	v6 =	vshll.u32 v6, $0x18;
	v8 =	vxor.u32 v7, v8  }
0x42: {  	v6 =	vor.u32 v57, v6;
	v52 =	vshrl.u32 v8, $0x3;
	v11 =	vshll.u32 v8, $0x1D  }
0x43: {  	v7 =	vadd.s32 v7, v8;
	v6 =	vxor.u32 v5, v6;
	v53 =	vor.u32 v52, v11  }
0x44: {  	v10 =	vor.u32 v32, v33;
	v6 =	vadd.s32 $0xA1992F22, v6;
	v8 =	vxor.u32 v7, v53  }
0x45: {  	v5 =	vadd.s32 v6, v5;
	v61 =	vshrl.u32 v6, $0x13;
	v6 =	vshll.u32 v6, $0xD  }
0x46: {  	v54 =	vshrl.u32 v8, $0x10;
	v55 =	vshll.u32 v8, $0x10;
	v7 =	vadd.s32 v7, v8  }
0x47: {  	v5 =	vadd.s32 $0x7B3B635, v5;
	v6 =	vor.u32 v61, v6;
	v56 =	vor.u32 v54, v55  }
0x48: {  	v10 =	vxor.u32 v9, v10;
	v6 =	vxor.u32 v5, v6;
	v8 =	vxor.u32 v7, v56  }
0x49: {  	v5 =	vadd.s32 v5, v6;
	v14 =	vshrl.u32 v6, $0x11;
	v6 =	vshll.u32 v6, $0xF  }
0x4a: {  	v58 =	vshrl.u32 v8, $0x8;
	v59 =	vshll.u32 v8, $0x18;
	v6 =	vor.u32 v14, v6  }
0x4b: {  	v7 =	vadd.s32 v7, v8;
	v60 =	vor.u32 v58, v59;
	v6 =	vxor.u32 v5, v6  }
0x4c: {  	v35 =	vshrl.u32 v10, $0x6;
	v8 =	vxor.u32 v7, v60;
	v5 =	vadd.s32 v5, v6  }
0x4d: {  	v18 =	vshrl.u32 v6, $0x6;
	v6 =	vshll.u32 v6, $0x1A;
	v8 =	vadd.s32 $0x8C1266AE, v8  }
0x4e: {  	v7 =	vadd.s32 v8, v7;
	v62 =	vshrl.u32 v8, $0x13;
	v8 =	vshll.u32 v8, $0xD  }
0x4f: {  	v6 =	vor.u32 v18, v6;
	v7 =	vadd.s32 $0xD260ABC8, v7;
	v8 =	vor.u32 v62, v8  }
0x50: {  	v9 =	vadd.s32 v9, v10;
	v6 =	vxor.u32 v5, v6;
	v8 =	vxor.u32 v7, v8  }
0x51: {  	v22 =	vshrl.u32 v6, $0x1A;
	v63 =	vshrl.u32 v8, $0x11;
	v12 =	vshll.u32 v8, $0xF  }
0x52: {  	v24 =	vshll.u32 v6, $0x6;
	v7 =	vadd.s32 v7, v8;
	v13 =	vor.u32 v63, v12  }
0x53: {  	v5 =	vadd.s32 v5, v6;
	v6 =	vor.u32 v22, v24;
	v8 =	vxor.u32 v7, v13  }
0x54: {  	v6 =	vxor.u32 v5, v6;
	v15 =	vshrl.u32 v8, $0x6;
	v16 =	vshll.u32 v8, $0x1A  }
0x55: {  	v5 =	vadd.s32 $0xA1992F1E, v5;
	v7 =	vadd.s32 v7, v8;
	v17 =	vor.u32 v15, v16  }
0x56: {  	v6 =	vadd.s32 $0xBDFB82F6, v6;
	v13 =	vshll.u32 v10, $0x1A;
	v8 =	vxor.u32 v7, v17  }
0x57: {  	v36 =	vor.u32 v35, v13;
	v19 =	vshrl.u32 v8, $0x1A;
	v20 =	vshll.u32 v8, $0x6  }
0x58: {  	v10 =	vxor.u32 v9, v36;
	v7 =	vadd.s32 v7, v8;
	v21 =	vor.u32 v19, v20  }
0x59: {  	v5 =	vxor.u32 v5, v6;
	v37 =	vshrl.u32 v10, $0x1A;
	v8 =	vxor.u32 v7, v21  }
0x5a: {  	v38 =	vshll.u32 v10, $0x6;
	v9 =	vadd.s32 v9, v10;
	v8 =	vadd.s32 $0x45A3D6C1, v8  }
0x5b: {  	v7 =	vadd.s32 v8, v7;
	v23 =	vshrl.u32 v8, $0xF;
	v8 =	vshll.u32 v8, $0x11  }
0x5c: {  	v39 =	vor.u32 v37, v38;
	v7 =	vadd.s32 $0x8C1266AC, v7;
	v8 =	vor.u32 v23, v8  }
0x5d: {  	v55 =	vmulhi.u32 $0x51EB851F, v5;
	v10 =	vxor.u32 v9, v39;
	v8 =	vxor.u32 v7, v8  }
0x5e: {  	v19 =	vadd.s32 s26, v2;
	v25 =	vshrl.u32 v8, $0x3;
	v26 =	vshll.u32 v8, $0x1D  }
0x5f: {  	v10 =	vadd.s32 $0xA1992F1F, v10;
	v7 =	vadd.s32 v7, v8;
	v27 =	vor.u32 v25, v26  }
0x60: {  	v20 =	vshrl.u32 v19, $0x13;
	v9 =	vadd.s32 v10, v9;
	v8 =	vxor.u32 v7, v27  }
0x61: {  	v7 =	vadd.s32 v7, v8;
	v31 =	vshrl.u32 v8, $0x10;
	v8 =	vshll.u32 v8, $0x10  }
0x62: {  	v41 =	vshrl.u32 v10, $0xF;
	v10 =	vshll.u32 v10, $0x11;
	v8 =	vor.u32 v31, v8  }
0x63: {  	v9 =	vadd.s32 $0x7B3B635, v9;
	v10 =	vor.u32 v41, v10;
	v8 =	vxor.u32 v7, v8  }
0x64: {  	v7 =	vadd.s32 v7, v8;
	v34 =	vshrl.u32 v8, $0x8;
	v8 =	vshll.u32 v8, $0x18  }
0x65: {  	v21 =	vadd.s32 s26, v3;
	v42 =	vxor.u32 v9, v10;
	v8 =	vor.u32 v34, v8  }
0x66: {  	v10 =	vshrl.u32 v55, $0x6;
	v44 =	vshrl.u32 v42, $0x3;
	v8 =	vxor.u32 v7, v8  }
0x67: {  	v45 =	vshll.u32 v42, $0x1D;
	v10 =	vmul.u32 $0xC8, v10;
	v8 =	vadd.s32 $0xD260ABCC, v8  }
0x68: {  	v7 =	vadd.s32 v8, v7;
	v40 =	vshrl.u32 v8, $0x13;
	v8 =	vshll.u32 v8, $0xD  }
0x69: {  	v47 =	vor.u32 v44, v45;
	v7 =	vadd.s32 $0x45A3D6BE, v7;
	v8 =	vor.u32 v40, v8  }
0x6a: {  	v5 =	vsub.s32 v5, v10;
	v10 =	vshll.u32 v19, $0xD;
	v6 =	vxor.u32 v7, v8  }
0x6b: {  	v8 =	vadd.s32 v9, v42;
	v43 =	vshrl.u32 v6, $0x11;
	v46 =	vshll.u32 v6, $0xF  }
0x6c: {  	v6 =	vadd.s32 v7, v6;
	v9 =	vxor.u32 v8, v47;
	v7 =	vor.u32 v43, v46  }
0x6d: {  	v48 =	vshrl.u32 v9, $0x10;
	v49 =	vshll.u32 v9, $0x10;
	v7 =	vxor.u32 v6, v7  }
0x6e: {  	v8 =	vadd.s32 v8, v9;
	v50 =	vor.u32 v48, v49;
	v6 =	vadd.s32 v6, v7  }
0x6f: {  	v51 =	vshrl.u32 v7, $0x6;
	v7 =	vshll.u32 v7, $0x1A;
	v9 =	vxor.u32 v8, v50  }
0x70: {  	v7 =	vor.u32 v51, v7;
	v52 =	vshrl.u32 v9, $0x8;
	v53 =	vshll.u32 v9, $0x18  }
0x71: {  	v8 =	vadd.s32 v8, v9;
	v7 =	vxor.u32 v6, v7;
	v54 =	vor.u32 v52, v53  }
0x72: {  	v10 =	vor.u32 v20, v10;
	v6 =	vadd.s32 v6, v7;
	v9 =	vxor.u32 v8, v54  }
0x73: {  	v56 =	vshrl.u32 v7, $0x1A;
	v7 =	vshll.u32 v7, $0x6;
	v9 =	vadd.s32 $0xBDFB82F3, v9  }
0x74: {  	v7 =	vor.u32 v56, v7;
	v8 =	vadd.s32 v9, v8;
	v57 =	vshrl.u32 v9, $0x13  }
0x75: {  	v9 =	vshll.u32 v9, $0xD;
	v7 =	vxor.u32 v6, v7;
	v6 =	vadd.s32 $0xD260ABC8, v6  }
0x76: {  	v8 =	vadd.s32 $0xA1992F1E, v8;
	v9 =	vor.u32 v57, v9;
	v7 =	vadd.s32 $0x8C1266B1, v7  }
0x77: {  	v5 =	vmul.u32 $0x60, v5;
	v9 =	vxor.u32 v8, v9;
	v6 =	vxor.u32 v6, v7  }
0x78: {  	v58 =	vshrl.u32 v9, $0x11;
	v59 =	vshll.u32 v9, $0xF;
	v61 =	vmulhi.u32 $0x51EB851F, v6  }
0x79: {  	v22 =	vxor.u32 v21, v10;
	v8 =	vadd.s32 v8, v9;
	v60 =	vor.u32 v58, v59  }
0x7a: {  	v24 =	vshrl.u32 v22, $0x11;
	v7 =	vxor.u32 v8, v60;
	v9 =	vshrl.u32 v61, $0x6  }
0x7b: {  	v62 =	vshrl.u32 v7, $0x6;
	v63 =	vshll.u32 v7, $0x1A;
	v9 =	vmul.u32 $0xC8, v9  }
0x7c: {  	v25 =	vshll.u32 v22, $0xF;
	v7 =	vadd.s32 v8, v7;
	v15 =	vor.u32 v62, v63  }
0x7d: {  	v11 =	vor.u32 v24, v25;
	v8 =	vxor.u32 v7, v15;
	v6 =	vsub.s32 v6, v9  }
0x7e: {  	v9 =	vadd.s32 v21, v22;
	v16 =	vshrl.u32 v8, $0x1A;
	v17 =	vshll.u32 v8, $0x6  }
0x7f: {  	v7 =	vadd.s32 v7, v8;
	v26 =	vxor.u32 v9, v11;
	v5 =	vadd.s32 v6, v5  }
0x80: {  	s28 =	sadd.s32 $0xFFFFFFF0, s10;
	v18 =	vor.u32 v16, v17;
	v11 =	vshrl.u32 v26, $0x6;
	v27 =	vshll.u32 v26, $0x1A  }
0x81: {  	v9 =	vadd.s32 v9, v26;
	v5 =	vand.u32 $0xFFFF, v5;
	v16 =	vadd.s32 s28, v0  }
0x82: {  	v8 =	vxor.u32 v7, v18;
	v28 =	vor.u32 v11, v27;
	v63 =	vmulhi.u32 $0x147AE15, v5  }
0x83: {  	v17 =	vshrl.u32 v16, $0x13;
	v11 =	vshll.u32 v16, $0xD;
	v18 =	vadd.s32 s28, v1  }
0x84: {  	v8 =	vadd.s32 $0x7B3B638, v8;
	v10 =	vxor.u32 v9, v28;
	v11 =	vor.u32 v17, v11  }
0x85: {  	v7 =	vadd.s32 v8, v7;
	v23 =	vshrl.u32 v8, $0xF;
	v8 =	vshll.u32 v8, $0x11  }
0x86: {  	v30 =	vshrl.u32 v10, $0x1A;
	v31 =	vshll.u32 v10, $0x6;
	v9 =	vadd.s32 v9, v10  }
0x87: {  	v11 =	vxor.u32 v18, v11;
	v7 =	vadd.s32 $0xBDFB82F1, v7;
	v8 =	vor.u32 v23, v8  }
0x88: {  	v32 =	vor.u32 v30, v31;
	v20 =	vshrl.u32 v11, $0x11;
	v14 =	vshll.u32 v11, $0xF  }
0x89: {  	v11 =	vadd.s32 v18, v11;
	v8 =	vxor.u32 v7, v8;
	v10 =	vxor.u32 v9, v32  }
0x8a: {  	v12 =	vor.u32 v20, v14;
	v7 =	vadd.s32 v7, v8;
	v29 =	vshrl.u32 v8, $0x3  }
0x8b: {  	v8 =	vshll.u32 v8, $0x1D;
	v10 =	vadd.s32 $0xD260ABC9, v10;
	v12 =	vxor.u32 v11, v12  }
0x8c: {  	v8 =	vor.u32 v29, v8;
	v9 =	vadd.s32 v10, v9;
	v36 =	vshrl.u32 v10, $0xF  }
0x8d: {  	v10 =	vshll.u32 v10, $0x11;
	v22 =	vshrl.u32 v12, $0x6;
	v15 =	vshll.u32 v12, $0x1A  }
0x8e: {  	v11 =	vadd.s32 v11, v12;
	v8 =	vxor.u32 v7, v8;
	v9 =	vadd.s32 $0x45A3D6BE, v9  }
0x8f: {  	v10 =	vor.u32 v36, v10;
	v23 =	vor.u32 v22, v15;
	v33 =	vshrl.u32 v8, $0x10  }
0x90: {  	v34 =	vshll.u32 v8, $0x10;
	v7 =	vadd.s32 v7, v8;
	v10 =	vxor.u32 v9, v10  }
0x91: {  	v12 =	vxor.u32 v11, v23;
	v35 =	vor.u32 v33, v34;
	v38 =	vshrl.u32 v10, $0x3  }
0x92: {  	v39 =	vshll.u32 v10, $0x1D;
	v9 =	vadd.s32 v9, v10;
	v25 =	vshrl.u32 v12, $0x1A  }
0x93: {  	v26 =	vshll.u32 v12, $0x6;
	v8 =	vxor.u32 v7, v35;
	v40 =	vor.u32 v38, v39  }
0x94: {  	v7 =	vadd.s32 v7, v8;
	v37 =	vshrl.u32 v8, $0x8;
	v8 =	vshll.u32 v8, $0x18  }
0x95: {  	v11 =	vadd.s32 v11, v12;
	v10 =	vxor.u32 v9, v40;
	v8 =	vor.u32 v37, v8  }
0x96: {  	v41 =	vshrl.u32 v10, $0x10;
	v42 =	vshll.u32 v10, $0x10;
	v8 =	vxor.u32 v7, v8  }
0x97: {  	v9 =	vadd.s32 v9, v10;
	v43 =	vor.u32 v41, v42;
	v8 =	vadd.s32 $0xA1992F22, v8  }
0x98: {  	v27 =	vor.u32 v25, v26;
	v10 =	vxor.u32 v9, v43;
	v7 =	vadd.s32 v8, v7  }
0x99: {  	v44 =	vshrl.u32 v8, $0x13;
	v45 =	vshrl.u32 v10, $0x8;
	v46 =	vshll.u32 v10, $0x18  }
0x9a: {  	v8 =	vshll.u32 v8, $0xD;
	v9 =	vadd.s32 v9, v10;
	v47 =	vor.u32 v45, v46  }
0x9b: {  	v7 =	vadd.s32 $0x7B3B635, v7;
	v8 =	vor.u32 v44, v8;
	v48 =	vxor.u32 v9, v47  }
0x9c: {  	v12 =	vxor.u32 v11, v27;
	v6 =	vxor.u32 v7, v8;
	v8 =	vadd.s32 $0x8C1266AE, v48  }
0x9d: {  	v9 =	vadd.s32 v8, v9;
	v50 =	vshrl.u32 v8, $0x13;
	v8 =	vshll.u32 v8, $0xD  }
0x9e: {  	v49 =	vshrl.u32 v6, $0x11;
	v9 =	vadd.s32 $0xD260ABC8, v9;
	v8 =	vor.u32 v50, v8  }
0x9f: {  	v51 =	vshll.u32 v6, $0xF;
	v6 =	vadd.s32 v7, v6;
	v8 =	vxor.u32 v9, v8  }
0xa0: {  	v7 =	vor.u32 v49, v51;
	v52 =	vshrl.u32 v8, $0x11;
	v53 =	vshll.u32 v8, $0xF  }
0xa1: {  	v7 =	vxor.u32 v6, v7;
	v8 =	vadd.s32 v9, v8;
	v54 =	vor.u32 v52, v53  }
0xa2: {  	v29 =	vadd.s32 $0xA1992F1F, v12;
	v6 =	vadd.s32 v6, v7;
	v9 =	vxor.u32 v8, v54  }
0xa3: {  	v55 =	vshrl.u32 v7, $0x6;
	v56 =	vshrl.u32 v9, $0x6;
	v57 =	vshll.u32 v9, $0x1A  }
0xa4: {  	v7 =	vshll.u32 v7, $0x1A;
	v8 =	vadd.s32 v8, v9;
	v58 =	vor.u32 v56, v57  }
0xa5: {  	v11 =	vadd.s32 v29, v11;
	v7 =	vor.u32 v55, v7;
	v9 =	vxor.u32 v8, v58  }
0xa6: {  	v7 =	vxor.u32 v6, v7;
	v60 =	vshrl.u32 v9, $0x1A;
	v61 =	vshll.u32 v9, $0x6  }
0xa7: {  	v6 =	vadd.s32 v6, v7;
	v8 =	vadd.s32 v8, v9;
	v62 =	vor.u32 v60, v61  }
0xa8: {  	v59 =	vshrl.u32 v7, $0x1A;
	v7 =	vshll.u32 v7, $0x6;
	v9 =	vxor.u32 v8, v62  }
0xa9: {  	v12 =	vshrl.u32 v29, $0xF;
	v7 =	vor.u32 v59, v7;
	v9 =	vadd.s32 $0x45A3D6C1, v9  }
0xaa: {  	v8 =	vadd.s32 v9, v8;
	v19 =	vshrl.u32 v9, $0xF;
	v9 =	vshll.u32 v9, $0x11  }
0xab: {  	v7 =	vxor.u32 v6, v7;
	v8 =	vadd.s32 $0x8C1266AC, v8;
	v9 =	vor.u32 v19, v9  }
0xac: {  	v6 =	vadd.s32 $0xA1992F1E, v6;
	v7 =	vadd.s32 $0xBDFB82F6, v7;
	v9 =	vxor.u32 v8, v9  }
0xad: {  	v8 =	vadd.s32 v8, v9;
	v21 =	vshrl.u32 v9, $0x3;
	v9 =	vshll.u32 v9, $0x1D  }
0xae: {  	v11 =	vadd.s32 $0x7B3B635, v11;
	v7 =	vxor.u32 v6, v7;
	v9 =	vor.u32 v21, v9  }
0xaf: {  	v34 =	vmulhi.u32 $0x51EB851F, v7;
	v61 =	vadd.s32 s28, v2;
	v9 =	vxor.u32 v8, v9  }
0xb0: {  	v62 =	vshrl.u32 v61, $0x13;
	v24 =	vshrl.u32 v9, $0x10;
	v16 =	vshll.u32 v9, $0x10  }
0xb1: {  	v8 =	vadd.s32 v8, v9;
	v9 =	vshll.u32 v29, $0x11;
	v28 =	vor.u32 v24, v16  }
0xb2: {  	v13 =	vshll.u32 v61, $0xD;
	v9 =	vor.u32 v12, v9;
	v6 =	vxor.u32 v8, v28  }
0xb3: {  	v9 =	vxor.u32 v11, v9;
	v8 =	vadd.s32 v8, v6;
	v30 =	vshrl.u32 v6, $0x8  }
0xb4: {  	v6 =	vshll.u32 v6, $0x18;
	v31 =	vshrl.u32 v9, $0x3;
	v32 =	vshll.u32 v9, $0x1D  }
0xb5: {  	v9 =	vadd.s32 v11, v9;
	v6 =	vor.u32 v30, v6;
	v33 =	vor.u32 v31, v32  }
0xb6: {  	v12 =	vshrl.u32 v34, $0x6;
	v6 =	vxor.u32 v8, v6;
	v11 =	vxor.u32 v9, v33  }
0xb7: {  	v12 =	vmul.u32 $0xC8, v12;
	v6 =	vadd.s32 $0xD260ABCC, v6;
	v35 =	vshrl.u32 v11, $0x10  }
0xb8: {  	v36 =	vshll.u32 v11, $0x10;
	v9 =	vadd.s32 v9, v11;
	v8 =	vadd.s32 v6, v8  }
0xb9: {  	v37 =	vor.u32 v35, v36;
	v38 =	vshrl.u32 v6, $0x13;
	v6 =	vshll.u32 v6, $0xD  }
0xba: {  	v8 =	vadd.s32 $0x45A3D6BE, v8;
	v11 =	vxor.u32 v9, v37;
	v6 =	vor.u32 v38, v6  }
0xbb: {  	v39 =	vshrl.u32 v11, $0x8;
	v40 =	vshll.u32 v11, $0x18;
	v6 =	vxor.u32 v8, v6  }
0xbc: {  	v9 =	vadd.s32 v9, v11;
	v41 =	vor.u32 v39, v40;
	v8 =	vadd.s32 v8, v6  }
0xbd: {  	v42 =	vshrl.u32 v6, $0x11;
	v6 =	vshll.u32 v6, $0xF;
	v11 =	vxor.u32 v9, v41  }
0xbe: {  	v13 =	vor.u32 v62, v13;
	v6 =	vor.u32 v42, v6;
	v11 =	vadd.s32 $0xBDFB82F3, v11  }
0xbf: {  	v7 =	vsub.s32 v7, v12;
	v6 =	vxor.u32 v8, v6;
	v9 =	vadd.s32 v11, v9  }
0xc0: {  	v43 =	vshrl.u32 v11, $0x13;
	v11 =	vshll.u32 v11, $0xD;
	v44 =	vshrl.u32 v6, $0x6  }
0xc1: {  	v47 =	vshll.u32 v6, $0x1A;
	v9 =	vadd.s32 $0xA1992F1E, v9;
	v11 =	vor.u32 v43, v11  }
0xc2: {  	v6 =	vadd.s32 v8, v6;
	v49 =	vor.u32 v44, v47;
	v11 =	vxor.u32 v9, v11  }
0xc3: {  	v7 =	vmul.u32 $0x60, v7;
	v8 =	vxor.u32 v6, v49;
	v45 =	vshrl.u32 v11, $0x11  }
0xc4: {  	v46 =	vshll.u32 v11, $0xF;
	v9 =	vadd.s32 v9, v11;
	v6 =	vadd.s32 v6, v8  }
0xc5: {  	v53 =	vshrl.u32 v8, $0x1A;
	v8 =	vshll.u32 v8, $0x6;
	v48 =	vor.u32 v45, v46  }
0xc6: {  	v8 =	vor.u32 v53, v8;
	v57 =	vadd.s32 $0xD260ABC8, v6;
	v11 =	vxor.u32 v9, v48  }
0xc7: {  	v8 =	vxor.u32 v6, v8;
	v6 =	vmul.u32 $0xC8, v63;
	v63 =	vadd.s32 s28, v3  }
0xc8: {  	v50 =	vshrl.u32 v11, $0x6;
	v51 =	vshll.u32 v11, $0x1A;
	v9 =	vadd.s32 v9, v11  }
0xc9: {  	v8 =	vadd.s32 $0x8C1266B1, v8;
	v13 =	vxor.u32 v63, v13;
	v52 =	vor.u32 v50, v51  }
0xca: {  	v8 =	vxor.u32 v57, v8;
	v21 =	vshrl.u32 v13, $0x11;
	v22 =	vshll.u32 v13, $0xF  }
0xcb: {  	v12 =	vadd.s32 v63, v13;
	v57 =	vadd.s32 s10, v1;
	v11 =	vxor.u32 v9, v52  }
0xcc: {  	v59 =	vmulhi.u32 $0x51EB851F, v8;
	v15 =	vor.u32 v21, v22;
	v54 =	vshrl.u32 v11, $0x1A  }
0xcd: {  	v55 =	vshll.u32 v11, $0x6;
	v9 =	vadd.s32 v9, v11;
	v25 =	vxor.u32 v12, v15  }
0xce: {  	v56 =	vor.u32 v54, v55;
	v26 =	vshrl.u32 v25, $0x6;
	v15 =	vshll.u32 v25, $0x1A  }
0xcf: {  	v12 =	vadd.s32 v12, v25;
	v55 =	vadd.s32 s10, v0;
	v11 =	vxor.u32 v9, v56  }
0xd0: {  	v27 =	vor.u32 v26, v15;
	v56 =	vshrl.u32 v55, $0x13;
	v14 =	vshll.u32 v55, $0xD  }
0xd1: {  	v58 =	vadd.s32 $0x7B3B638, v11;
	v11 =	vshrl.u32 v59, $0x6;
	v13 =	vxor.u32 v12, v27  }
0xd2: {  	v14 =	vor.u32 v56, v14;
	v9 =	vadd.s32 v58, v9;
	v60 =	vshrl.u32 v58, $0xF  }
0xd3: {  	v10 =	vshll.u32 v58, $0x11;
	v29 =	vshrl.u32 v13, $0x1A;
	v30 =	vshll.u32 v13, $0x6  }
0xd4: {  	v12 =	vadd.s32 v12, v13;
	v11 =	vmul.u32 $0xC8, v11;
	v14 =	vxor.u32 v57, v14  }
0xd5: {  	v9 =	vadd.s32 $0xBDFB82F1, v9;
	v10 =	vor.u32 v60, v10;
	v31 =	vor.u32 v29, v30  }
0xd6: {  	v58 =	vshrl.u32 v14, $0x11;
	v10 =	vxor.u32 v9, v10;
	v13 =	vxor.u32 v12, v31  }
0xd7: {  	v8 =	vsub.s32 v8, v11;
	v20 =	vshrl.u32 v10, $0x3;
	v23 =	vshll.u32 v10, $0x1D  }
0xd8: {  	v9 =	vadd.s32 v9, v10;
	v13 =	vadd.s32 $0xD260ABC9, v13;
	v24 =	vor.u32 v20, v23  }
0xd9: {  	v12 =	vadd.s32 v13, v12;
	v33 =	vshrl.u32 v13, $0xF;
	v13 =	vshll.u32 v13, $0x11  }
0xda: {  	v10 =	vxor.u32 v9, v24;
	v12 =	vadd.s32 $0x45A3D6BE, v12;
	v13 =	vor.u32 v33, v13  }
0xdb: {  	v9 =	vadd.s32 v9, v10;
	v28 =	vshrl.u32 v10, $0x10;
	v10 =	vshll.u32 v10, $0x10  }
0xdc: {  	v7 =	vadd.s32 v8, v7;
	v34 =	vxor.u32 v12, v13;
	v10 =	vor.u32 v28, v10  }
0xdd: {  	v13 =	vshrl.u32 v34, $0x3;
	v35 =	vshll.u32 v34, $0x1D;
	v11 =	vadd.s32 v12, v34  }
0xde: {  	v10 =	vxor.u32 v9, v10;
	v36 =	vor.u32 v13, v35;
	v13 =	vadd.s32 v57, v14  }
0xdf: {  	v14 =	vshll.u32 v14, $0xF;
	v9 =	vadd.s32 v9, v10;
	v32 =	vshrl.u32 v10, $0x8  }
0xe0: {  	v10 =	vshll.u32 v10, $0x18;
	v12 =	vxor.u32 v11, v36;
	v14 =	vor.u32 v58, v14  }
0xe1: {  	v10 =	vor.u32 v32, v10;
	v38 =	vshrl.u32 v12, $0x10;
	v39 =	vshll.u32 v12, $0x10  }
0xe2: {  	v11 =	vadd.s32 v11, v12;
	v14 =	vxor.u32 v13, v14;
	v10 =	vxor.u32 v9, v10  }
0xe3: {  	v40 =	vor.u32 v38, v39;
	v62 =	vshrl.u32 v14, $0x6;
	v63 =	vshll.u32 v14, $0x1A  }
0xe4: {  	v13 =	vadd.s32 v13, v14;
	v10 =	vadd.s32 $0xA1992F22, v10;
	v12 =	vxor.u32 v11, v40  }
0xe5: {  	v20 =	vor.u32 v62, v63;
	v9 =	vadd.s32 v10, v9;
	v37 =	vshrl.u32 v10, $0x13  }
0xe6: {  	v10 =	vshll.u32 v10, $0xD;
	v42 =	vshrl.u32 v12, $0x8;
	v43 =	vshll.u32 v12, $0x18  }
0xe7: {  	v11 =	vadd.s32 v11, v12;
	v21 =	vxor.u32 v13, v20;
	v9 =	vadd.s32 $0x7B3B635, v9  }
0xe8: {  	v10 =	vor.u32 v37, v10;
	v45 =	vor.u32 v42, v43;
	v23 =	vshrl.u32 v21, $0x1A  }
0xe9: {  	v24 =	vshll.u32 v21, $0x6;
	v10 =	vxor.u32 v9, v10;
	v12 =	vxor.u32 v11, v45  }
0xea: {  	v25 =	vor.u32 v23, v24;
	v41 =	vshrl.u32 v10, $0x11;
	v44 =	vshll.u32 v10, $0xF  }
0xeb: {  	v9 =	vadd.s32 v9, v10;
	v48 =	vadd.s32 $0x8C1266AE, v12;
	v46 =	vor.u32 v41, v44  }
0xec: {  	v11 =	vadd.s32 v48, v11;
	v12 =	vshrl.u32 v48, $0x13;
	v10 =	vshll.u32 v48, $0xD  }
0xed: {  	v44 =	vadd.s32 s10, v2;
	v47 =	vxor.u32 v9, v46;
	v11 =	vadd.s32 $0xD260ABC8, v11  }
0xee: {  	v10 =	vor.u32 v12, v10;
	v12 =	vadd.s32 v13, v21;
	v45 =	vshrl.u32 v44, $0x13  }
0xef: {  	v14 =	vshll.u32 v44, $0xD;
	v46 =	vadd.s32 s10, v3;
	v9 =	vadd.s32 v9, v47  }
0xf0: {  	v49 =	vshrl.u32 v47, $0x6;
	v8 =	vshll.u32 v47, $0x1A;
	v10 =	vxor.u32 v11, v10  }
0xf1: {  	v13 =	vxor.u32 v12, v25;
	v14 =	vor.u32 v45, v14;
	v8 =	vor.u32 v49, v8  }
0xf2: {  	v50 =	vshrl.u32 v10, $0x11;
	v51 =	vshll.u32 v10, $0xF;
	v10 =	vadd.s32 v11, v10  }
0xf3: {  	v13 =	vadd.s32 $0xA1992F1F, v13;
	v14 =	vxor.u32 v46, v14;
	v8 =	vxor.u32 v9, v8  }
0xf4: {  	v52 =	vor.u32 v50, v51;
	v12 =	vadd.s32 v13, v12;
	v26 =	vshrl.u32 v13, $0xF  }
0xf5: {  	v13 =	vshll.u32 v13, $0x11;
	v47 =	vshrl.u32 v14, $0x11;
	v9 =	vadd.s32 v9, v8  }
0xf6: {  	v53 =	vshrl.u32 v8, $0x1A;
	v11 =	vxor.u32 v10, v52;
	v8 =	vshll.u32 v8, $0x6  }
0xf7: {  	v12 =	vadd.s32 $0x7B3B635, v12;
	v13 =	vor.u32 v26, v13;
	v10 =	vadd.s32 v10, v11  }
0xf8: {  	v54 =	vshrl.u32 v11, $0x6;
	v11 =	vshll.u32 v11, $0x1A;
	v13 =	vxor.u32 v12, v13  }
0xf9: {  	v8 =	vor.u32 v53, v8;
	v11 =	vor.u32 v54, v11;
	v28 =	vshrl.u32 v13, $0x3  }
0xfa: {  	v29 =	vshll.u32 v13, $0x1D;
	v12 =	vadd.s32 v12, v13;
	v11 =	vxor.u32 v10, v11  }
0xfb: {  	v30 =	vor.u32 v28, v29;
	v59 =	vshrl.u32 v11, $0x1A;
	v60 =	vshll.u32 v11, $0x6  }
0xfc: {  	v10 =	vadd.s32 v10, v11;
	v13 =	vxor.u32 v12, v30;
	v61 =	vor.u32 v59, v60  }
0xfd: {  	v32 =	vshrl.u32 v13, $0x10;
	v33 =	vshll.u32 v13, $0x10;
	v11 =	vxor.u32 v10, v61  }
0xfe: {  	v12 =	vadd.s32 v12, v13;
	v34 =	vor.u32 v32, v33;
	v11 =	vadd.s32 $0x45A3D6C1, v11  }
0xff: {  	v10 =	vadd.s32 v11, v10;
	v22 =	vshrl.u32 v11, $0xF;
	v11 =	vshll.u32 v11, $0x11  }
0x100: {  	v13 =	vxor.u32 v12, v34;
	v10 =	vadd.s32 $0x8C1266AC, v10;
	v11 =	vor.u32 v22, v11  }
0x101: {  	v36 =	vshrl.u32 v13, $0x8;
	v37 =	vshll.u32 v13, $0x18;
	v11 =	vxor.u32 v10, v11  }
0x102: {  	v10 =	vadd.s32 v10, v11;
	v27 =	vshrl.u32 v11, $0x3;
	v11 =	vshll.u32 v11, $0x1D  }
0x103: {  	v12 =	vadd.s32 v12, v13;
	v15 =	vor.u32 v36, v37;
	v11 =	vor.u32 v27, v11  }
0x104: {  	v8 =	vxor.u32 v9, v8;
	v40 =	vxor.u32 v12, v15;
	v11 =	vxor.u32 v10, v11  }
0x105: {  	v10 =	vadd.s32 v10, v11;
	v31 =	vshrl.u32 v11, $0x10;
	v11 =	vshll.u32 v11, $0x10  }
0x106: {  	v9 =	vadd.s32 $0xA1992F1E, v9;
	v13 =	vadd.s32 $0xBDFB82F3, v40;
	v11 =	vor.u32 v31, v11  }
0x107: {  	v8 =	vadd.s32 $0xBDFB82F6, v8;
	v12 =	vadd.s32 v13, v12;
	v11 =	vxor.u32 v10, v11  }
0x108: {  	v41 =	vshrl.u32 v13, $0x13;
	v35 =	vshrl.u32 v11, $0x8;
	v38 =	vshll.u32 v11, $0x18  }
0x109: {  	v13 =	vshll.u32 v13, $0xD;
	v10 =	vadd.s32 v10, v11;
	v39 =	vor.u32 v35, v38  }
0x10a: {  	v12 =	vadd.s32 $0xA1992F1E, v12;
	v13 =	vor.u32 v41, v13;
	v11 =	vxor.u32 v10, v39  }
0x10b: {  	v8 =	vxor.u32 v9, v8;
	v43 =	vxor.u32 v12, v13;
	v11 =	vadd.s32 $0xD260ABCC, v11  }
0x10c: {  	v12 =	vadd.s32 v12, v43;
	v13 =	vshrl.u32 v43, $0x11;
	v42 =	vadd.s32 v11, v10  }
0x10d: {  	v10 =	vshll.u32 v43, $0xF;
	v52 =	vshrl.u32 v11, $0x13;
	v11 =	vshll.u32 v11, $0xD  }
0x10e: {  	v10 =	vor.u32 v13, v10;
	v13 =	vadd.s32 v46, v14;
	v14 =	vshll.u32 v14, $0xF  }
0x10f: {  	v9 =	vadd.s32 $0x45A3D6BE, v42;
	v11 =	vor.u32 v52, v11;
	v14 =	vor.u32 v47, v14  }
0x110: {  	v46 =	vmulhi.u32 $0x51EB851F, v8;
	v10 =	vxor.u32 v12, v10;
	v14 =	vxor.u32 v13, v14  }
0x111: {  	v13 =	vadd.s32 v13, v14;
	v51 =	vshrl.u32 v14, $0x6;
	v14 =	vshll.u32 v14, $0x1A  }
0x112: {  	v48 =	vshrl.u32 v10, $0x6;
	v49 =	vshll.u32 v10, $0x1A;
	v14 =	vor.u32 v51, v14  }
0x113: {  	v10 =	vadd.s32 v12, v10;
	v50 =	vor.u32 v48, v49;
	v14 =	vxor.u32 v13, v14  }
0x114: {  	v13 =	vadd.s32 v13, v14;
	v53 =	vshrl.u32 v14, $0x1A;
	v14 =	vshll.u32 v14, $0x6  }
0x115: {  	v11 =	vxor.u32 v9, v11;
	v12 =	vxor.u32 v10, v50;
	v14 =	vor.u32 v53, v14  }
0x116: {  	v54 =	vshrl.u32 v12, $0x1A;
	v55 =	vshll.u32 v12, $0x6;
	v14 =	vxor.u32 v13, v14  }
0x117: {  	v10 =	vadd.s32 v10, v12;
	v56 =	vor.u32 v54, v55;
	v14 =	vadd.s32 $0xD260ABC9, v14  }
0x118: {  	v13 =	vadd.s32 v14, v13;
	v57 =	vshrl.u32 v14, $0xF;
	v14 =	vshll.u32 v14, $0x11  }
0x119: {  	v12 =	vxor.u32 v10, v56;
	v13 =	vadd.s32 $0x45A3D6BE, v13;
	v14 =	vor.u32 v57, v14  }
0x11a: {  	v9 =	vadd.s32 v9, v11;
	v12 =	vadd.s32 $0x7B3B638, v12;
	v14 =	vxor.u32 v13, v14  }
0x11b: {  	v13 =	vadd.s32 v13, v14;
	v58 =	vshrl.u32 v14, $0x3;
	v14 =	vshll.u32 v14, $0x1D  }
0x11c: {  	v60 =	vshrl.u32 v11, $0x11;
	v10 =	vadd.s32 v12, v10;
	v14 =	vor.u32 v58, v14  }
0x11d: {  	v59 =	vshrl.u32 v12, $0xF;
	v12 =	vshll.u32 v12, $0x11;
	v14 =	vxor.u32 v13, v14  }
0x11e: {  	v13 =	vadd.s32 v13, v14;
	v61 =	vshrl.u32 v14, $0x10;
	v14 =	vshll.u32 v14, $0x10  }
0x11f: {  	v12 =	vor.u32 v59, v12;
	v10 =	vadd.s32 $0xBDFB82F1, v10;
	v14 =	vor.u32 v61, v14  }
0x120: {  	v11 =	vshll.u32 v11, $0xF;
	v12 =	vxor.u32 v10, v12;
	v14 =	vxor.u32 v13, v14  }
0x121: {  	v13 =	vadd.s32 v13, v14;
	v62 =	vshrl.u32 v14, $0x8;
	v14 =	vshll.u32 v14, $0x18  }
0x122: {  	v63 =	vshrl.u32 v12, $0x3;
	v20 =	vshll.u32 v12, $0x1D;
	v14 =	vor.u32 v62, v14  }
0x123: {  	v10 =	vadd.s32 v10, v12;
	v21 =	vor.u32 v63, v20;
	v14 =	vxor.u32 v13, v14  }
0x124: {  	v11 =	vor.u32 v60, v11;
	v12 =	vxor.u32 v10, v21;
	v14 =	vadd.s32 $0x8C1266AE, v14  }
0x125: {  	v13 =	vadd.s32 v14, v13;
	v22 =	vshrl.u32 v14, $0x13;
	v14 =	vshll.u32 v14, $0xD  }
0x126: {  	v10 =	vadd.s32 v10, v12;
	v13 =	vadd.s32 $0xD260ABC8, v13;
	v14 =	vor.u32 v22, v14  }
0x127: {  	v23 =	vshrl.u32 v12, $0x10;
	v12 =	vshll.u32 v12, $0x10;
	v14 =	vxor.u32 v13, v14  }
0x128: {  	v12 =	vor.u32 v23, v12;
	v24 =	vshrl.u32 v14, $0x11;
	v25 =	vshll.u32 v14, $0xF  }
0x129: {  	v12 =	vxor.u32 v10, v12;
	v13 =	vadd.s32 v13, v14;
	v26 =	vor.u32 v24, v25  }
0x12a: {  	v11 =	vxor.u32 v9, v11;
	v10 =	vadd.s32 v10, v12;
	v14 =	vxor.u32 v13, v26  }
0x12b: {  	v13 =	vadd.s32 v13, v14;
	v27 =	vshrl.u32 v14, $0x6;
	v14 =	vshll.u32 v14, $0x1A  }
0x12c: {  	v28 =	vshrl.u32 v12, $0x8;
	v12 =	vshll.u32 v12, $0x18;
	v14 =	vor.u32 v27, v14  }
0x12d: {  	v9 =	vadd.s32 v9, v11;
	v12 =	vor.u32 v28, v12;
	v14 =	vxor.u32 v13, v14  }
0x12e: {  	v13 =	vadd.s32 v13, v14;
	v30 =	vshrl.u32 v14, $0x1A;
	v14 =	vshll.u32 v14, $0x6  }
0x12f: {  	v29 =	vshrl.u32 v11, $0x6;
	v12 =	vxor.u32 v10, v12;
	v14 =	vor.u32 v30, v14  }
0x130: {  	v11 =	vshll.u32 v11, $0x1A;
	v12 =	vadd.s32 $0xA1992F22, v12;
	v14 =	vxor.u32 v13, v14  }
0x131: {  	v11 =	vor.u32 v29, v11;
	v10 =	vadd.s32 v12, v10;
	v14 =	vadd.s32 $0x45A3D6C1, v14  }
0x132: {  	v13 =	vadd.s32 v14, v13;
	v32 =	vshrl.u32 v14, $0xF;
	v14 =	vshll.u32 v14, $0x11  }
0x133: {  	v31 =	vshrl.u32 v12, $0x13;
	v13 =	vadd.s32 $0x8C1266AC, v13;
	v14 =	vor.u32 v32, v14  }
0x134: {  	v12 =	vshll.u32 v12, $0xD;
	v10 =	vadd.s32 $0x7B3B635, v10;
	v14 =	vxor.u32 v13, v14  }
0x135: {  	v12 =	vor.u32 v31, v12;
	v33 =	vshrl.u32 v14, $0x3;
	v34 =	vshll.u32 v14, $0x1D  }
0x136: {  	v12 =	vxor.u32 v10, v12;
	v13 =	vadd.s32 v13, v14;
	v35 =	vor.u32 v33, v34  }
0x137: {  	v11 =	vxor.u32 v9, v11;
	v10 =	vadd.s32 v10, v12;
	v14 =	vxor.u32 v13, v35  }
0x138: {  	v36 =	vshrl.u32 v12, $0x11;
	v37 =	vshrl.u32 v14, $0x10;
	v38 =	vshll.u32 v14, $0x10  }
0x139: {  	v12 =	vshll.u32 v12, $0xF;
	v13 =	vadd.s32 v13, v14;
	v39 =	vor.u32 v37, v38  }
0x13a: {  	v9 =	vadd.s32 v9, v11;
	v12 =	vor.u32 v36, v12;
	v14 =	vxor.u32 v13, v39  }
0x13b: {  	v13 =	vadd.s32 v13, v14;
	v40 =	vshrl.u32 v14, $0x8;
	v14 =	vshll.u32 v14, $0x18  }
0x13c: {  	v41 =	vshrl.u32 v11, $0x1A;
	v12 =	vxor.u32 v10, v12;
	v14 =	vor.u32 v40, v14  }
0x13d: {  	v11 =	vshll.u32 v11, $0x6;
	v10 =	vadd.s32 v10, v12;
	v14 =	vxor.u32 v13, v14  }
0x13e: {  	v42 =	vshrl.u32 v12, $0x6;
	v12 =	vshll.u32 v12, $0x1A;
	v14 =	vadd.s32 $0xD260ABCC, v14  }
0x13f: {  	v13 =	vadd.s32 v14, v13;
	v43 =	vshrl.u32 v14, $0x13;
	v14 =	vshll.u32 v14, $0xD  }
0x140: {  	v12 =	vor.u32 v42, v12;
	v13 =	vadd.s32 $0x45A3D6BE, v13;
	v14 =	vor.u32 v43, v14  }
0x141: {  	v11 =	vor.u32 v41, v11;
	v12 =	vxor.u32 v10, v12;
	v14 =	vxor.u32 v13, v14  }
0x142: {  	v13 =	vadd.s32 v13, v14;
	v44 =	vshrl.u32 v14, $0x11;
	v14 =	vshll.u32 v14, $0xF  }
0x143: {  	v11 =	vxor.u32 v9, v11;
	v10 =	vadd.s32 v10, v12;
	v14 =	vor.u32 v44, v14  }
0x144: {  	v45 =	vshrl.u32 v12, $0x1A;
	v12 =	vshll.u32 v12, $0x6;
	v14 =	vxor.u32 v13, v14  }
0x145: {  	v13 =	vadd.s32 v13, v14;
	v47 =	vshrl.u32 v14, $0x6;
	v14 =	vshll.u32 v14, $0x1A  }
0x146: {  	v9 =	vadd.s32 $0xD260ABC8, v9;
	v12 =	vor.u32 v45, v12;
	v14 =	vor.u32 v47, v14  }
0x147: {  	v11 =	vadd.s32 $0x8C1266B1, v11;
	v12 =	vxor.u32 v10, v12;
	v14 =	vxor.u32 v13, v14  }
0x148: {  	v13 =	vadd.s32 v13, v14;
	v48 =	vshrl.u32 v14, $0x1A;
	v14 =	vshll.u32 v14, $0x6  }
0x149: {  	v10 =	vadd.s32 $0xA1992F1E, v10;
	v12 =	vadd.s32 $0xBDFB82F6, v12;
	v14 =	vor.u32 v48, v14  }
0x14a: {  	v9 =	vxor.u32 v9, v11;
	v10 =	vxor.u32 v10, v12;
	v49 =	vxor.u32 v13, v14  }
0x14b: {  	v12 =	vmulhi.u32 $0x51EB851F, v10;
	v13 =	vadd.s32 $0xD260ABC8, v13;
	v11 =	vadd.s32 $0x8C1266B1, v49  }
0x14c: {  	v50 =	vshrl.u32 v46, $0x6;
	v51 =	vmulhi.u32 $0x51EB851F, v9;
	v11 =	vxor.u32 v13, v11  }
0x14d: {  	v52 =	vmul.u32 $0xC8, v50;
	v12 =	vshrl.u32 v12, $0x6;
	v53 =	vmulhi.u32 $0x51EB851F, v11  }
0x14e: {  	v7 =	vand.u32 $0xFFFF, v7;
	v15 =	vshrl.u32 v51, $0x6;
	v12 =	vmul.u32 $0xC8, v12  }
0x14f: {  	v8 =	vsub.s32 v8, v52;
	v55 =	vmul.u32 $0xC8, v15;
	v14 =	vshrl.u32 v53, $0x6  }
0x150: {  	s29 =	sadd.s32 $0xFFFFE800, s9;
	v8 =	vmul.u32 $0x60, v8;
	v10 =	vsub.s32 v10, v12;
	v56 =	vmul.u32 $0xC8, v14  }
0x151: {  	s30 =	sadd.s32 $0xFFFFF000, s9;
	v54 =	vor.u32 s29, v4;
	v9 =	vsub.s32 v9, v55;
	v10 =	vmul.u32 $0x60, v10  }
0x152: {  	v59 =	vor.u32 s30, v4;
	v8 =	vadd.s32 v9, v8;
	v58 =	vsub.s32 v11, v56  }
0x153: {  	s31 =	sadd.s32 $0xFFFFF800, s9;
	v57 =	vmulhi.u32 $0x147AE15, v7;
	v8 =	vand.u32 $0xFFFF, v8;
	v9 =	vadd.s32 v58, v10  }
0x154: {  	s8 =	sadd.s32 $0x4, s8;
	v61 =	vor.u32 s31, v4;
	v60 =	vmulhi.u32 $0x147AE15, v8;
	v9 =	vand.u32 $0xFFFF, v9  }
0x155: {  	p0 =	slt.u32 s8, $0x1C;
	v63 =	vor.u32 s9, v4;
	v13 =	vmul.u32 $0xC8, v57;
	v62 =	vmulhi.u32 $0x147AE15, v9  }
.Ltmp0:
0x156: {  	v5 =	vsub.s32 v5, v6;
	v6 =	vmul.u32 $0xC8, v60;
	(pc) =	sbr.rel @p0 .LBB2_2-.Ltmp0, $4  }
0x157: {  	[tilespmem:v54+s1+$0x0] =	vst.idx.msk $0xffff, v5;
	v5 =	vsub.s32 v7, v13;
	v7 =	vmul.u32 $0xC8, v62  }
0x158: {  	[tilespmem:v59+s1+$0x0] =	vst.idx.msk $0xffff, v5;
	v5 =	vsub.s32 v8, v6  }
0x159: {  	[tilespmem:v61+s1+$0x0] =	vst.idx.msk $0xffff, v5;
	v5 =	vsub.s32 v9, v7  }
0x15a: {  	s10 =	sadd.s32 $0x40, s10;
	s9 =	sadd.s32 $0x2000, s9;
	[tilespmem:v63+s1+$0x0] =	vst.idx.msk $0xffff, v5  }
0x15b: {  	s7 =	sadd.s32 $0x1, s7  }
0x15c: {  	p0 =	sne.s32 s7, s4  }
.Ltmp1:
0x15d: {  	_ = 	snop;
	(pc) =	sbr.rel @p0 .LBB2_1-.Ltmp1, $4  }
0x15e: {  	[hbm4b:s3+s1] =	stream.linear.scatter [tilespmem:s1], [sflag:$0x1], $0x10000, $0x38;
	[tilespmem:$0x10000] =	vst v63  }
0x15f: {  	_ =	swait.ge [sflag:s6], $0x10000  }
0x160: {  	[sflag:s6] =	ssyncset.done $0x0  }
0x161: {  	[sflag:s6] =	ssyncadd.s32 $0xFFFF0000  }
0x162: {  	_ =	sfence.sel $0x180000  }
0x163: {  	[bflag:$0x0] =	sbarrier.arrive $0xFFFF  }
0x164: {  	p0 =	sne.s32 s2, $0x0;
	_ =	strace $0x90000047  }
0x165: {  	s0 =	sadd.s32 @!p0 $0x100000, s0;
	[bflag:$0x2] =	sbarrier.arrive $0xFFFF  }
0x166: {  	[sflag:s0] =	ssyncadd.tile.s32 @!p0 $0x1;
	_ =	shalt  }
.Lfunc_end2:
_tile_overlayer_lowered:
.L_overlay_start_2:
0x167: {  	(tag) =	ssettag $0x2  }
0x168: {  	s0 =	rddreg [dreg:$0x0];
	s2 =	stileid.u32  }
0x169: {  	s1 =	rddreg [dreg:$0x1];
	p0 =	sne.s32 s2, $0x0  }
0x16a: {  	s3 =	rddreg [dreg:$0x2];
	[bflag:$0x3] =	sbarrier.arrive $0xFFFF;
	s2 =	simm.s32 @!p0 $0x1C01  }
0x16b: {  	[timem:s3], [sflag:s2] =	dma.local @!p0 [hbm:s0], s1  }
0x16c: {  	s0 =	simm.s32 @!p0 $0x1  }
0x16d: {  	_ =	swait.ge @!p0 [sflag:s0], s1  }
0x16e: {  	s1 =	ssub.s32 @!p0 $0x0, s1;
	[sflag:s0] =	ssyncset.done @!p0 $0x0  }
0x16f: {  	[sflag:s0] =	ssyncadd.s32 @!p0 s1  }
0x170: {  	[bflag:$0x3] =	sbarrier.arrive $0xFFFF  }
0x171: {  	_ =	shalt  }

</sc_bundles>
